<compile_context>
chip_gen: v7x
topology: tpu7x:2x2x1
jax: 0.10.2.dev20260603
libtpu: 0.0.44.dev20260713+nightly
codegen_flags: <defaults>
</compile_context>

<pallas_src>
import functools

import jax
import jax.numpy as jnp
from jax import lax
from jax.experimental import pallas as pl
from jax.experimental.pallas import tpu as pltpu
from jax.experimental.pallas import tpu_sc as plsc

B, S, D = 4, 4096, 1024
NC, NS = 2, 16
NW = NC * NS
ROWS_PER_W = S // NW
C = 32
NCHUNK = ROWS_PER_W // C
CHUNK = C * D
VEC = 16
UNROLL = 8

_mesh = plsc.VectorSubcoreMesh(core_axis_name="c", subcore_axis_name="s")


@functools.partial(
    pl.kernel,
    out_type=jax.ShapeDtypeStruct((B * S * D,), jnp.float32),
    mesh=_mesh,
    scratch_types=[
        pltpu.VMEM((CHUNK,), jnp.float32),
        pltpu.VMEM((CHUNK,), jnp.float32),
    ],
)
def _pos_add_kernel(x_hbm, emb_hbm, out_hbm, e_buf, o_buf):
    wid = lax.axis_index("s") * NC + lax.axis_index("c")
    s0 = wid * ROWS_PER_W

    def add_body(i, _):
        base = i * (VEC * UNROLL)
        for u in range(UNROLL):
            off = base + u * VEC
            e = e_buf[pl.ds(off, VEC)]
            plsc.addupdate(o_buf.at[pl.ds(off, VEC)], e)
        return 0

    for k in range(NCHUNK):
        sc = s0 + k * C
        pltpu.sync_copy(emb_hbm.at[pl.ds(sc * D, CHUNK)], e_buf)
        for b in range(B):
            row0 = b * S + sc
            pltpu.sync_copy(x_hbm.at[pl.ds(row0 * D, CHUNK)], o_buf)
            lax.fori_loop(0, CHUNK // (VEC * UNROLL), add_body, 0)
            pltpu.sync_copy(o_buf, out_hbm.at[pl.ds(row0 * D, CHUNK)])


def kernel(inputs, embeddings):
    x_flat = inputs.reshape(-1)
    emb_flat = embeddings.reshape(-1)
    out = _pos_add_kernel(x_flat, emb_flat)
    return out.reshape(inputs.shape)

# --- scband reference (transcript-rebuilt; emitter-appended) ---
"""Pipeline reference for scband-position-embedding-81922206203929 (READ-ONLY COPY).

The authoritative reference and input builder live on the scoring server;
editing this copy changes nothing except your own understanding.
"""

import jax, jax.numpy as jnp
import numpy as np

INPUT_DIM = 8192
OUTPUT_DIM = 1024

def setup_inputs(seed: int = 0) -> dict:
    key = jax.random.key(seed)
    k1, k2 = jax.random.split(key)
    inputs = jax.random.normal(k1, (4, 4096, 1024), dtype=jnp.float32)
    # learned position embedding table, RandomNormal init (stddev=0.05 like keras default)
    embeddings = jax.random.normal(k2, (INPUT_DIM, OUTPUT_DIM), dtype=jnp.float32) * 0.05
    return {"inputs": inputs, "embeddings": embeddings}

def reference(inputs, embeddings):
    batch_size, seq_len = inputs.shape[0], inputs.shape[1]
    pos_embeddings = embeddings[:seq_len]              # slice first seq_len rows
    pos_embeddings = jnp.expand_dims(pos_embeddings, 0)  # [1, S, D]
    pos_embeddings = jnp.tile(pos_embeddings, (batch_size, 1, 1))  # [B, S, D]
    # merge_mode == 'add', no mask
    return inputs + pos_embeddings

if __name__ == "__main__":
    import jax
    _d = setup_inputs()
    print(jax.jit(kernel)(*tuple(_d.values())))

</pallas_src>

<mosaic_0001>
#map = affine_map<(d0, d1) -> (0)>
module attributes {stable_mosaic.version = 14 : i64} {
  func.func @_pos_add_kernel(%arg0: i32, %arg1: i32, %arg2: memref<16777216xf32, #tpu.memory_space<hbm>>, %arg3: memref<8388608xf32, #tpu.memory_space<hbm>>, %arg4: memref<16777216xf32, #tpu.memory_space<hbm>>, %arg5: memref<32768xf32, #tpu.memory_space<vmem>>, %arg6: memref<32768xf32, #tpu.memory_space<vmem>>) attributes {dimension_semantics = [#tpu.dimension_semantics<core_parallel>, #tpu.dimension_semantics<subcore_parallel>], iteration_bounds = array<i64: 2, 16>, scalar_prefetch = 0 : i64, scratch_operands = 2 : i64, tpu.core_type = #tpu.core_type<sc_vector_subcore>, window_params = [{transform_indices = #map}, {transform_indices = #map}, {transform_indices = #map}]} {
    %mul3A = arith.constant 2 : i32
    %mul3A_0 = arith.muli %arg1, %mul3A : i32
    %add3A = arith.addi %mul3A_0, %arg0 : i32
    %mul3A_1 = arith.constant 128 : i32
    %mul3A_2 = arith.muli %add3A, %mul3A_1 : i32
    %add3A_3 = arith.constant 0 : i32
    %add3A_4 = arith.addi %mul3A_2, %add3A_3 : i32
    %mul3A_5 = arith.constant 1024 : i32
    %mul3A_6 = arith.muli %add3A_4, %mul3A_5 : i32
    "tpu.region"() ({
      %run_scoped3A = tpu.sem_alloc : memref<!tpu.dma_semaphore, #tpu.memory_space<semaphore_mem>>
      %dma_start3A = tpu.memref_slice %arg3[%mul3A_6] : memref<8388608xf32, #tpu.memory_space<hbm>> -> memref<32768xf32, #tpu.memory_space<hbm>>
      %dma_start3A_226 = tpu.memref_slice %arg3[%mul3A_6] : memref<8388608xf32, #tpu.memory_space<hbm>> -> memref<32768xf32, #tpu.memory_space<hbm>>
      tpu.enqueue_dma source(%dma_start3A_226 : memref<32768xf32, #tpu.memory_space<hbm>>) target(%arg5 : memref<32768xf32, #tpu.memory_space<vmem>>) target_semaphore(%run_scoped3A : memref<!tpu.dma_semaphore, #tpu.memory_space<semaphore_mem>>)
      %dma_wait3A = tpu.memref_slice %arg3[%mul3A_6] : memref<8388608xf32, #tpu.memory_space<hbm>> -> memref<32768xf32, #tpu.memory_space<hbm>>
      %dma_wait3A_227 = tpu.memref_slice %arg3[%mul3A_6] : memref<8388608xf32, #tpu.memory_space<hbm>> -> memref<32768xf32, #tpu.memory_space<hbm>>
      tpu.wait_dma2 semaphore(%run_scoped3A : memref<!tpu.dma_semaphore, #tpu.memory_space<semaphore_mem>>) src(%dma_wait3A_227 : memref<32768xf32, #tpu.memory_space<hbm>>) dst(%arg5 : memref<32768xf32, #tpu.memory_space<vmem>>)
      tpu.yield
    }) : () -> ()
    %add3A_7 = arith.constant 0 : i32
    %add3A_8 = arith.addi %add3A_7, %add3A_4 : i32
    %mul3A_9 = arith.constant 1024 : i32
    %mul3A_10 = arith.muli %add3A_8, %mul3A_9 : i32
    "tpu.region"() ({
      %run_scoped3A = tpu.sem_alloc : memref<!tpu.dma_semaphore, #tpu.memory_space<semaphore_mem>>
      %dma_start3A = tpu.memref_slice %arg2[%mul3A_10] : memref<16777216xf32, #tpu.memory_space<hbm>> -> memref<32768xf32, #tpu.memory_space<hbm>>
      %dma_start3A_226 = tpu.memref_slice %arg2[%mul3A_10] : memref<16777216xf32, #tpu.memory_space<hbm>> -> memref<32768xf32, #tpu.memory_space<hbm>>
      tpu.enqueue_dma source(%dma_start3A_226 : memref<32768xf32, #tpu.memory_space<hbm>>) target(%arg6 : memref<32768xf32, #tpu.memory_space<vmem>>) target_semaphore(%run_scoped3A : memref<!tpu.dma_semaphore, #tpu.memory_space<semaphore_mem>>)
      %dma_wait3A = tpu.memref_slice %arg2[%mul3A_10] : memref<16777216xf32, #tpu.memory_space<hbm>> -> memref<32768xf32, #tpu.memory_space<hbm>>
      %dma_wait3A_227 = tpu.memref_slice %arg2[%mul3A_10] : memref<16777216xf32, #tpu.memory_space<hbm>> -> memref<32768xf32, #tpu.memory_space<hbm>>
      tpu.wait_dma2 semaphore(%run_scoped3A : memref<!tpu.dma_semaphore, #tpu.memory_space<semaphore_mem>>) src(%dma_wait3A_227 : memref<32768xf32, #tpu.memory_space<hbm>>) dst(%arg6 : memref<32768xf32, #tpu.memory_space<vmem>>)
      tpu.yield
    }) : () -> ()
    %scan3A = arith.constant 0 : i32
    %scan3A_11 = arith.constant 0 : i32
    %scan3A_12 = arith.constant 256 : i32
    %scan3A_13 = arith.addi %scan3A_11, %scan3A_12 : i32
    %scan3A_14 = arith.constant 1 : i32
    %scan3A_15 = scf.for %scan3A_226 = %scan3A_11 to %scan3A_13 step %scan3A_14 iter_args(%scan3A_227 = %scan3A) -> (i32)  : i32 {
      %mul3A_228 = arith.constant 128 : i32
      %mul3A_229 = arith.muli %scan3A_226, %mul3A_228 : i32
      %add3A_230 = arith.constant 0 : i32
      %add3A_231 = arith.addi %mul3A_229, %add3A_230 : i32
      %get3A = arith.index_cast %add3A_231 : i32 to index
      %get3A_232 = tpu.vector_load %arg5[%get3A] {strides = array<i32>} : memref<32768xf32, #tpu.memory_space<vmem>>, vector<16xf32>,
      %get3A_233 = vector.shape_cast %get3A_232 : vector<16xf32> to vector<16xf32>
      %swap3A = arith.index_cast %add3A_231 : i32 to index
      %swap3A_234 = tpu.vector_load %arg6[%swap3A] {strides = array<i32>} : memref<32768xf32, #tpu.memory_space<vmem>>, vector<16xf32>,
      %swap3A_235 = vector.shape_cast %swap3A_234 : vector<16xf32> to vector<16xf32>
      %swap3A_236 = vector.shape_cast %get3A_233 : vector<16xf32> to vector<16xf32>
      tpu.vector_store %arg6[%swap3A], %swap3A_236 {add = true, strides = array<i32>} : memref<32768xf32, #tpu.memory_space<vmem>>, vector<16xf32>,
      %add3A_237 = arith.constant 16 : i32
      %add3A_238 = arith.addi %mul3A_229, %add3A_237 : i32
      %get3A_239 = arith.index_cast %add3A_238 : i32 to index
      %get3A_240 = tpu.vector_load %arg5[%get3A_239] {strides = array<i32>} : memref<32768xf32, #tpu.memory_space<vmem>>, vector<16xf32>,
      %get3A_241 = vector.shape_cast %get3A_240 : vector<16xf32> to vector<16xf32>
      %swap3A_242 = arith.index_cast %add3A_238 : i32 to index
      %swap3A_243 = tpu.vector_load %arg6[%swap3A_242] {strides = array<i32>} : memref<32768xf32, #tpu.memory_space<vmem>>, vector<16xf32>,
      %swap3A_244 = vector.shape_cast %swap3A_243 : vector<16xf32> to vector<16xf32>
      %swap3A_245 = vector.shape_cast %get3A_241 : vector<16xf32> to vector<16xf32>
      tpu.vector_store %arg6[%swap3A_242], %swap3A_245 {add = true, strides = array<i32>} : memref<32768xf32, #tpu.memory_space<vmem>>, vector<16xf32>,
      %add3A_246 = arith.constant 32 : i32
      %add3A_247 = arith.addi %mul3A_229, %add3A_246 : i32
      %get3A_248 = arith.index_cast %add3A_247 : i32 to index
      %get3A_249 = tpu.vector_load %arg5[%get3A_248] {strides = array<i32>} : memref<32768xf32, #tpu.memory_space<vmem>>, vector<16xf32>,
      %get3A_250 = vector.shape_cast %get3A_249 : vector<16xf32> to vector<16xf32>
      %swap3A_251 = arith.index_cast %add3A_247 : i32 to index
      %swap3A_252 = tpu.vector_load %arg6[%swap3A_251] {strides = array<i32>} : memref<32768xf32, #tpu.memory_space<vmem>>, vector<16xf32>,
      %swap3A_253 = vector.shape_cast %swap3A_252 : vector<16xf32> to vector<16xf32>
      %swap3A_254 = vector.shape_cast %get3A_250 : vector<16xf32> to vector<16xf32>
      tpu.vector_store %arg6[%swap3A_251], %swap3A_254 {add = true, strides = array<i32>} : memref<32768xf32, #tpu.memory_space<vmem>>, vector<16xf32>,
      %add3A_255 = arith.constant 48 : i32
      %add3A_256 = arith.addi %mul3A_229, %add3A_255 : i32
      %get3A_257 = arith.index_cast %add3A_256 : i32 to index
      %get3A_258 = tpu.vector_load %arg5[%get3A_257] {strides = array<i32>} : memref<32768xf32, #tpu.memory_space<vmem>>, vector<16xf32>,
      %get3A_259 = vector.shape_cast %get3A_258 : vector<16xf32> to vector<16xf32>
      %swap3A_260 = arith.index_cast %add3A_256 : i32 to index
      %swap3A_261 = tpu.vector_load %arg6[%swap3A_260] {strides = array<i32>} : memref<32768xf32, #tpu.memory_space<vmem>>, vector<16xf32>,
      %swap3A_262 = vector.shape_cast %swap3A_261 : vector<16xf32> to vector<16xf32>
      %swap3A_263 = vector.shape_cast %get3A_259 : vector<16xf32> to vector<16xf32>
      tpu.vector_store %arg6[%swap3A_260], %swap3A_263 {add = true, strides = array<i32>} : memref<32768xf32, #tpu.memory_space<vmem>>, vector<16xf32>,
      %add3A_264 = arith.constant 64 : i32
      %add3A_265 = arith.addi %mul3A_229, %add3A_264 : i32
      %get3A_266 = arith.index_cast %add3A_265 : i32 to index
      %get3A_267 = tpu.vector_load %arg5[%get3A_266] {strides = array<i32>} : memref<32768xf32, #tpu.memory_space<vmem>>, vector<16xf32>,
      %get3A_268 = vector.shape_cast %get3A_267 : vector<16xf32> to vector<16xf32>
      %swap3A_269 = arith.index_cast %add3A_265 : i32 to index
      %swap3A_270 = tpu.vector_load %arg6[%swap3A_269] {strides = array<i32>} : memref<32768xf32, #tpu.memory_space<vmem>>, vector<16xf32>,
      %swap3A_271 = vector.shape_cast %swap3A_270 : vector<16xf32> to vector<16xf32>
      %swap3A_272 = vector.shape_cast %get3A_268 : vector<16xf32> to vector<16xf32>
      tpu.vector_store %arg6[%swap3A_269], %swap3A_272 {add = true, strides = array<i32>} : memref<32768xf32, #tpu.memory_space<vmem>>, vector<16xf32>,
      %add3A_273 = arith.constant 80 : i32
      %add3A_274 = arith.addi %mul3A_229, %add3A_273 : i32
      %get3A_275 = arith.index_cast %add3A_274 : i32 to index
      %get3A_276 = tpu.vector_load %arg5[%get3A_275] {strides = array<i32>} : memref<32768xf32, #tpu.memory_space<vmem>>, vector<16xf32>,
      %get3A_277 = vector.shape_cast %get3A_276 : vector<16xf32> to vector<16xf32>
      %swap3A_278 = arith.index_cast %add3A_274 : i32 to index
      %swap3A_279 = tpu.vector_load %arg6[%swap3A_278] {strides = array<i32>} : memref<32768xf32, #tpu.memory_space<vmem>>, vector<16xf32>,
      %swap3A_280 = vector.shape_cast %swap3A_279 : vector<16xf32> to vector<16xf32>
      %swap3A_281 = vector.shape_cast %get3A_277 : vector<16xf32> to vector<16xf32>
      tpu.vector_store %arg6[%swap3A_278], %swap3A_281 {add = true, strides = array<i32>} : memref<32768xf32, #tpu.memory_space<vmem>>, vector<16xf32>,
      %add3A_282 = arith.constant 96 : i32
      %add3A_283 = arith.addi %mul3A_229, %add3A_282 : i32
      %get3A_284 = arith.index_cast %add3A_283 : i32 to index
      %get3A_285 = tpu.vector_load %arg5[%get3A_284] {strides = array<i32>} : memref<32768xf32, #tpu.memory_space<vmem>>, vector<16xf32>,
      %get3A_286 = vector.shape_cast %get3A_285 : vector<16xf32> to vector<16xf32>
      %swap3A_287 = arith.index_cast %add3A_283 : i32 to index
      %swap3A_288 = tpu.vector_load %arg6[%swap3A_287] {strides = array<i32>} : memref<32768xf32, #tpu.memory_space<vmem>>, vector<16xf32>,
      %swap3A_289 = vector.shape_cast %swap3A_288 : vector<16xf32> to vector<16xf32>
      %swap3A_290 = vector.shape_cast %get3A_286 : vector<16xf32> to vector<16xf32>
      tpu.vector_store %arg6[%swap3A_287], %swap3A_290 {add = true, strides = array<i32>} : memref<32768xf32, #tpu.memory_space<vmem>>, vector<16xf32>,
      %add3A_291 = arith.constant 112 : i32
      %add3A_292 = arith.addi %mul3A_229, %add3A_291 : i32
      %get3A_293 = arith.index_cast %add3A_292 : i32 to index
      %get3A_294 = tpu.vector_load %arg5[%get3A_293] {strides = array<i32>} : memref<32768xf32, #tpu.memory_space<vmem>>, vector<16xf32>,
      %get3A_295 = vector.shape_cast %get3A_294 : vector<16xf32> to vector<16xf32>
      %swap3A_296 = arith.index_cast %add3A_292 : i32 to index
      %swap3A_297 = tpu.vector_load %arg6[%swap3A_296] {strides = array<i32>} : memref<32768xf32, #tpu.memory_space<vmem>>, vector<16xf32>,
      %swap3A_298 = vector.shape_cast %swap3A_297 : vector<16xf32> to vector<16xf32>
      %swap3A_299 = vector.shape_cast %get3A_295 : vector<16xf32> to vector<16xf32>
      tpu.vector_store %arg6[%swap3A_296], %swap3A_299 {add = true, strides = array<i32>} : memref<32768xf32, #tpu.memory_space<vmem>>, vector<16xf32>,
      %scan3A_300 = arith.constant 0 : i32
      scf.yield %scan3A_300 : i32
    }
    %scan3A_16 = arith.constant 256 : i32
    %mul3A_17 = arith.constant 1024 : i32
    %mul3A_18 = arith.muli %add3A_8, %mul3A_17 : i32
    "tpu.region"() ({
      %run_scoped3A = tpu.sem_alloc : memref<!tpu.dma_semaphore, #tpu.memory_space<semaphore_mem>>
      %dma_start3A = tpu.memref_slice %arg4[%mul3A_18] : memref<16777216xf32, #tpu.memory_space<hbm>> -> memref<32768xf32, #tpu.memory_space<hbm>>
      %dma_start3A_226 = tpu.memref_slice %arg4[%mul3A_18] : memref<16777216xf32, #tpu.memory_space<hbm>> -> memref<32768xf32, #tpu.memory_space<hbm>>
      tpu.enqueue_dma source(%arg6 : memref<32768xf32, #tpu.memory_space<vmem>>) target(%dma_start3A_226 : memref<32768xf32, #tpu.memory_space<hbm>>) target_semaphore(%run_scoped3A : memref<!tpu.dma_semaphore, #tpu.memory_space<semaphore_mem>>)
      %dma_wait3A = tpu.memref_slice %arg4[%mul3A_18] : memref<16777216xf32, #tpu.memory_space<hbm>> -> memref<32768xf32, #tpu.memory_space<hbm>>
      %dma_wait3A_227 = tpu.memref_slice %arg4[%mul3A_18] : memref<16777216xf32, #tpu.memory_space<hbm>> -> memref<32768xf32, #tpu.memory_space<hbm>>
      tpu.wait_dma2 semaphore(%run_scoped3A : memref<!tpu.dma_semaphore, #tpu.memory_space<semaphore_mem>>) src(%arg6 : memref<32768xf32, #tpu.memory_space<vmem>>) dst(%dma_wait3A_227 : memref<32768xf32, #tpu.memory_space<hbm>>)
      tpu.yield
    }) : () -> ()
    %add3A_19 = arith.constant 4096 : i32
    %add3A_20 = arith.addi %add3A_19, %add3A_4 : i32
    %mul3A_21 = arith.constant 1024 : i32
    %mul3A_22 = arith.muli %add3A_20, %mul3A_21 : i32
    "tpu.region"() ({
      %run_scoped3A = tpu.sem_alloc : memref<!tpu.dma_semaphore, #tpu.memory_space<semaphore_mem>>
      %dma_start3A = tpu.memref_slice %arg2[%mul3A_22] : memref<16777216xf32, #tpu.memory_space<hbm>> -> memref<32768xf32, #tpu.memory_space<hbm>>
      %dma_start3A_226 = tpu.memref_slice %arg2[%mul3A_22] : memref<16777216xf32, #tpu.memory_space<hbm>> -> memref<32768xf32, #tpu.memory_space<hbm>>
      tpu.enqueue_dma source(%dma_start3A_226 : memref<32768xf32, #tpu.memory_space<hbm>>) target(%arg6 : memref<32768xf32, #tpu.memory_space<vmem>>) target_semaphore(%run_scoped3A : memref<!tpu.dma_semaphore, #tpu.memory_space<semaphore_mem>>)
      %dma_wait3A = tpu.memref_slice %arg2[%mul3A_22] : memref<16777216xf32, #tpu.memory_space<hbm>> -> memref<32768xf32, #tpu.memory_space<hbm>>
      %dma_wait3A_227 = tpu.memref_slice %arg2[%mul3A_22] : memref<16777216xf32, #tpu.memory_space<hbm>> -> memref<32768xf32, #tpu.memory_space<hbm>>
      tpu.wait_dma2 semaphore(%run_scoped3A : memref<!tpu.dma_semaphore, #tpu.memory_space<semaphore_mem>>) src(%dma_wait3A_227 : memref<32768xf32, #tpu.memory_space<hbm>>) dst(%arg6 : memref<32768xf32, #tpu.memory_space<vmem>>)
      tpu.yield
    }) : () -> ()
    %scan3A_23 = arith.constant 0 : i32
    %scan3A_24 = arith.constant 0 : i32
    %scan3A_25 = arith.constant 256 : i32
    %scan3A_26 = arith.addi %scan3A_24, %scan3A_25 : i32
    %scan3A_27 = arith.constant 1 : i32
    %scan3A_28 = scf.for %scan3A_226 = %scan3A_24 to %scan3A_26 step %scan3A_27 iter_args(%scan3A_227 = %scan3A_23) -> (i32)  : i32 {
      %mul3A_228 = arith.constant 128 : i32
      %mul3A_229 = arith.muli %scan3A_226, %mul3A_228 : i32
      %add3A_230 = arith.constant 0 : i32
      %add3A_231 = arith.addi %mul3A_229, %add3A_230 : i32
      %get3A = arith.index_cast %add3A_231 : i32 to index
      %get3A_232 = tpu.vector_load %arg5[%get3A] {strides = array<i32>} : memref<32768xf32, #tpu.memory_space<vmem>>, vector<16xf32>,
      %get3A_233 = vector.shape_cast %get3A_232 : vector<16xf32> to vector<16xf32>
      %swap3A = arith.index_cast %add3A_231 : i32 to index
      %swap3A_234 = tpu.vector_load %arg6[%swap3A] {strides = array<i32>} : memref<32768xf32, #tpu.memory_space<vmem>>, vector<16xf32>,
      %swap3A_235 = vector.shape_cast %swap3A_234 : vector<16xf32> to vector<16xf32>
      %swap3A_236 = vector.shape_cast %get3A_233 : vector<16xf32> to vector<16xf32>
      tpu.vector_store %arg6[%swap3A], %swap3A_236 {add = true, strides = array<i32>} : memref<32768xf32, #tpu.memory_space<vmem>>, vector<16xf32>,
      %add3A_237 = arith.constant 16 : i32
      %add3A_238 = arith.addi %mul3A_229, %add3A_237 : i32
      %get3A_239 = arith.index_cast %add3A_238 : i32 to index
      %get3A_240 = tpu.vector_load %arg5[%get3A_239] {strides = array<i32>} : memref<32768xf32, #tpu.memory_space<vmem>>, vector<16xf32>,
      %get3A_241 = vector.shape_cast %get3A_240 : vector<16xf32> to vector<16xf32>
      %swap3A_242 = arith.index_cast %add3A_238 : i32 to index
      %swap3A_243 = tpu.vector_load %arg6[%swap3A_242] {strides = array<i32>} : memref<32768xf32, #tpu.memory_space<vmem>>, vector<16xf32>,
      %swap3A_244 = vector.shape_cast %swap3A_243 : vector<16xf32> to vector<16xf32>
      %swap3A_245 = vector.shape_cast %get3A_241 : vector<16xf32> to vector<16xf32>
      tpu.vector_store %arg6[%swap3A_242], %swap3A_245 {add = true, strides = array<i32>} : memref<32768xf32, #tpu.memory_space<vmem>>, vector<16xf32>,
      %add3A_246 = arith.constant 32 : i32
      %add3A_247 = arith.addi %mul3A_229, %add3A_246 : i32
      %get3A_248 = arith.index_cast %add3A_247 : i32 to index
      %get3A_249 = tpu.vector_load %arg5[%get3A_248] {strides = array<i32>} : memref<32768xf32, #tpu.memory_space<vmem>>, vector<16xf32>,
      %get3A_250 = vector.shape_cast %get3A_249 : vector<16xf32> to vector<16xf32>
      %swap3A_251 = arith.index_cast %add3A_247 : i32 to index
      %swap3A_252 = tpu.vector_load %arg6[%swap3A_251] {strides = array<i32>} : memref<32768xf32, #tpu.memory_space<vmem>>, vector<16xf32>,
      %swap3A_253 = vector.shape_cast %swap3A_252 : vector<16xf32> to vector<16xf32>
      %swap3A_254 = vector.shape_cast %get3A_250 : vector<16xf32> to vector<16xf32>
      tpu.vector_store %arg6[%swap3A_251], %swap3A_254 {add = true, strides = array<i32>} : memref<32768xf32, #tpu.memory_space<vmem>>, vector<16xf32>,
      %add3A_255 = arith.constant 48 : i32
      %add3A_256 = arith.addi %mul3A_229, %add3A_255 : i32
      %get3A_257 = arith.index_cast %add3A_256 : i32 to index
      %get3A_258 = tpu.vector_load %arg5[%get3A_257] {strides = array<i32>} : memref<32768xf32, #tpu.memory_space<vmem>>, vector<16xf32>,
      %get3A_259 = vector.shape_cast %get3A_258 : vector<16xf32> to vector<16xf32>
      %swap3A_260 = arith.index_cast %add3A_256 : i32 to index
      %swap3A_261 = tpu.vector_load %arg6[%swap3A_260] {strides = array<i32>} : memref<32768xf32, #tpu.memory_space<vmem>>, vector<16xf32>,
      %swap3A_262 = vector.shape_cast %swap3A_261 : vector<16xf32> to vector<16xf32>
      %swap3A_263 = vector.shape_cast %get3A_259 : vector<16xf32> to vector<16xf32>
      tpu.vector_store %arg6[%swap3A_260], %swap3A_263 {add = true, strides = array<i32>} : memref<32768xf32, #tpu.memory_space<vmem>>, vector<16xf32>,
      %add3A_264 = arith.constant 64 : i32
      %add3A_265 = arith.addi %mul3A_229, %add3A_264 : i32
      %get3A_266 = arith.index_cast %add3A_265 : i32 to index
      %get3A_267 = tpu.vector_load %arg5[%get3A_266] {strides = array<i32>} : memref<32768xf32, #tpu.memory_space<vmem>>, vector<16xf32>,
      %get3A_268 = vector.shape_cast %get3A_267 : vector<16xf32> to vector<16xf32>
      %swap3A_269 = arith.index_cast %add3A_265 : i32 to index
      %swap3A_270 = tpu.vector_load %arg6[%swap3A_269] {strides = array<i32>} : memref<32768xf32, #tpu.memory_space<vmem>>, vector<16xf32>,
      %swap3A_271 = vector.shape_cast %swap3A_270 : vector<16xf32> to vector<16xf32>
      %swap3A_272 = vector.shape_cast %get3A_268 : vector<16xf32> to vector<16xf32>
      tpu.vector_store %arg6[%swap3A_269], %swap3A_272 {add = true, strides = array<i32>} : memref<32768xf32, #tpu.memory_space<vmem>>, vector<16xf32>,
      %add3A_273 = arith.constant 80 : i32
      %add3A_274 = arith.addi %mul3A_229, %add3A_273 : i32
      %get3A_275 = arith.index_cast %add3A_274 : i32 to index
      %get3A_276 = tpu.vector_load %arg5[%get3A_275] {strides = array<i32>} : memref<32768xf32, #tpu.memory_space<vmem>>, vector<16xf32>,
      %get3A_277 = vector.shape_cast %get3A_276 : vector<16xf32> to vector<16xf32>
      %swap3A_278 = arith.index_cast %add3A_274 : i32 to index
      %swap3A_279 = tpu.vector_load %arg6[%swap3A_278] {strides = array<i32>} : memref<32768xf32, #tpu.memory_space<vmem>>, vector<16xf32>,
      %swap3A_280 = vector.shape_cast %swap3A_279 : vector<16xf32> to vector<16xf32>
      %swap3A_281 = vector.shape_cast %get3A_277 : vector<16xf32> to vector<16xf32>
      tpu.vector_store %arg6[%swap3A_278], %swap3A_281 {add = true, strides = array<i32>} : memref<32768xf32, #tpu.memory_space<vmem>>, vector<16xf32>,
      %add3A_282 = arith.constant 96 : i32
      %add3A_283 = arith.addi %mul3A_229, %add3A_282 : i32
      %get3A_284 = arith.index_cast %add3A_283 : i32 to index
      %get3A_285 = tpu.vector_load %arg5[%get3A_284] {strides = array<i32>} : memref<32768xf32, #tpu.memory_space<vmem>>, vector<16xf32>,
      %get3A_286 = vector.shape_cast %get3A_285 : vector<16xf32> to vector<16xf32>
      %swap3A_287 = arith.index_cast %add3A_283 : i32 to index
      %swap3A_288 = tpu.vector_load %arg6[%swap3A_287] {strides = array<i32>} : memref<32768xf32, #tpu.memory_space<vmem>>, vector<16xf32>,
      %swap3A_289 = vector.shape_cast %swap3A_288 : vector<16xf32> to vector<16xf32>
      %swap3A_290 = vector.shape_cast %get3A_286 : vector<16xf32> to vector<16xf32>
      tpu.vector_store %arg6[%swap3A_287], %swap3A_290 {add = true, strides = array<i32>} : memref<32768xf32, #tpu.memory_space<vmem>>, vector<16xf32>,
      %add3A_291 = arith.constant 112 : i32
      %add3A_292 = arith.addi %mul3A_229, %add3A_291 : i32
      %get3A_293 = arith.index_cast %add3A_292 : i32 to index
      %get3A_294 = tpu.vector_load %arg5[%get3A_293] {strides = array<i32>} : memref<32768xf32, #tpu.memory_space<vmem>>, vector<16xf32>,
      %get3A_295 = vector.shape_cast %get3A_294 : vector<16xf32> to vector<16xf32>
      %swap3A_296 = arith.index_cast %add3A_292 : i32 to index
      %swap3A_297 = tpu.vector_load %arg6[%swap3A_296] {strides = array<i32>} : memref<32768xf32, #tpu.memory_space<vmem>>, vector<16xf32>,
      %swap3A_298 = vector.shape_cast %swap3A_297 : vector<16xf32> to vector<16xf32>
      %swap3A_299 = vector.shape_cast %get3A_295 : vector<16xf32> to vector<16xf32>
      tpu.vector_store %arg6[%swap3A_296], %swap3A_299 {add = true, strides = array<i32>} : memref<32768xf32, #tpu.memory_space<vmem>>, vector<16xf32>,
      %scan3A_300 = arith.constant 0 : i32
      scf.yield %scan3A_300 : i32
    }
    %scan3A_29 = arith.constant 256 : i32
    %mul3A_30 = arith.constant 1024 : i32
    %mul3A_31 = arith.muli %add3A_20, %mul3A_30 : i32
    "tpu.region"() ({
      %run_scoped3A = tpu.sem_alloc : memref<!tpu.dma_semaphore, #tpu.memory_space<semaphore_mem>>
      %dma_start3A = tpu.memref_slice %arg4[%mul3A_31] : memref<16777216xf32, #tpu.memory_space<hbm>> -> memref<32768xf32, #tpu.memory_space<hbm>>
      %dma_start3A_226 = tpu.memref_slice %arg4[%mul3A_31] : memref<16777216xf32, #tpu.memory_space<hbm>> -> memref<32768xf32, #tpu.memory_space<hbm>>
      tpu.enqueue_dma source(%arg6 : memref<32768xf32, #tpu.memory_space<vmem>>) target(%dma_start3A_226 : memref<32768xf32, #tpu.memory_space<hbm>>) target_semaphore(%run_scoped3A : memref<!tpu.dma_semaphore, #tpu.memory_space<semaphore_mem>>)
      %dma_wait3A = tpu.memref_slice %arg4[%mul3A_31] : memref<16777216xf32, #tpu.memory_space<hbm>> -> memref<32768xf32, #tpu.memory_space<hbm>>
      %dma_wait3A_227 = tpu.memref_slice %arg4[%mul3A_31] : memref<16777216xf32, #tpu.memory_space<hbm>> -> memref<32768xf32, #tpu.memory_space<hbm>>
      tpu.wait_dma2 semaphore(%run_scoped3A : memref<!tpu.dma_semaphore, #tpu.memory_space<semaphore_mem>>) src(%arg6 : memref<32768xf32, #tpu.memory_space<vmem>>) dst(%dma_wait3A_227 : memref<32768xf32, #tpu.memory_space<hbm>>)
      tpu.yield
    }) : () -> ()
    %add3A_32 = arith.constant 8192 : i32
    %add3A_33 = arith.addi %add3A_32, %add3A_4 : i32
    %mul3A_34 = arith.constant 1024 : i32
    %mul3A_35 = arith.muli %add3A_33, %mul3A_34 : i32
    "tpu.region"() ({
      %run_scoped3A = tpu.sem_alloc : memref<!tpu.dma_semaphore, #tpu.memory_space<semaphore_mem>>
      %dma_start3A = tpu.memref_slice %arg2[%mul3A_35] : memref<16777216xf32, #tpu.memory_space<hbm>> -> memref<32768xf32, #tpu.memory_space<hbm>>
      %dma_start3A_226 = tpu.memref_slice %arg2[%mul3A_35] : memref<16777216xf32, #tpu.memory_space<hbm>> -> memref<32768xf32, #tpu.memory_space<hbm>>
      tpu.enqueue_dma source(%dma_start3A_226 : memref<32768xf32, #tpu.memory_space<hbm>>) target(%arg6 : memref<32768xf32, #tpu.memory_space<vmem>>) target_semaphore(%run_scoped3A : memref<!tpu.dma_semaphore, #tpu.memory_space<semaphore_mem>>)
      %dma_wait3A = tpu.memref_slice %arg2[%mul3A_35] : memref<16777216xf32, #tpu.memory_space<hbm>> -> memref<32768xf32, #tpu.memory_space<hbm>>
      %dma_wait3A_227 = tpu.memref_slice %arg2[%mul3A_35] : memref<16777216xf32, #tpu.memory_space<hbm>> -> memref<32768xf32, #tpu.memory_space<hbm>>
      tpu.wait_dma2 semaphore(%run_scoped3A : memref<!tpu.dma_semaphore, #tpu.memory_space<semaphore_mem>>) src(%dma_wait3A_227 : memref<32768xf32, #tpu.memory_space<hbm>>) dst(%arg6 : memref<32768xf32, #tpu.memory_space<vmem>>)
      tpu.yield
    }) : () -> ()
    %scan3A_36 = arith.constant 0 : i32
    %scan3A_37 = arith.constant 0 : i32
    %scan3A_38 = arith.constant 256 : i32
    %scan3A_39 = arith.addi %scan3A_37, %scan3A_38 : i32
    %scan3A_40 = arith.constant 1 : i32
    %scan3A_41 = scf.for %scan3A_226 = %scan3A_37 to %scan3A_39 step %scan3A_40 iter_args(%scan3A_227 = %scan3A_36) -> (i32)  : i32 {
      %mul3A_228 = arith.constant 128 : i32
      %mul3A_229 = arith.muli %scan3A_226, %mul3A_228 : i32
      %add3A_230 = arith.constant 0 : i32
      %add3A_231 = arith.addi %mul3A_229, %add3A_230 : i32
      %get3A = arith.index_cast %add3A_231 : i32 to index
      %get3A_232 = tpu.vector_load %arg5[%get3A] {strides = array<i32>} : memref<32768xf32, #tpu.memory_space<vmem>>, vector<16xf32>,
      %get3A_233 = vector.shape_cast %get3A_232 : vector<16xf32> to vector<16xf32>
      %swap3A = arith.index_cast %add3A_231 : i32 to index
      %swap3A_234 = tpu.vector_load %arg6[%swap3A] {strides = array<i32>} : memref<32768xf32, #tpu.memory_space<vmem>>, vector<16xf32>,
      %swap3A_235 = vector.shape_cast %swap3A_234 : vector<16xf32> to vector<16xf32>
      %swap3A_236 = vector.shape_cast %get3A_233 : vector<16xf32> to vector<16xf32>
      tpu.vector_store %arg6[%swap3A], %swap3A_236 {add = true, strides = array<i32>} : memref<32768xf32, #tpu.memory_space<vmem>>, vector<16xf32>,
      %add3A_237 = arith.constant 16 : i32
      %add3A_238 = arith.addi %mul3A_229, %add3A_237 : i32
      %get3A_239 = arith.index_cast %add3A_238 : i32 to index
      %get3A_240 = tpu.vector_load %arg5[%get3A_239] {strides = array<i32>} : memref<32768xf32, #tpu.memory_space<vmem>>, vector<16xf32>,
      %get3A_241 = vector.shape_cast %get3A_240 : vector<16xf32> to vector<16xf32>
      %swap3A_242 = arith.index_cast %add3A_238 : i32 to index
      %swap3A_243 = tpu.vector_load %arg6[%swap3A_242] {strides = array<i32>} : memref<32768xf32, #tpu.memory_space<vmem>>, vector<16xf32>,
      %swap3A_244 = vector.shape_cast %swap3A_243 : vector<16xf32> to vector<16xf32>
      %swap3A_245 = vector.shape_cast %get3A_241 : vector<16xf32> to vector<16xf32>
      tpu.vector_store %arg6[%swap3A_242], %swap3A_245 {add = true, strides = array<i32>} : memref<32768xf32, #tpu.memory_space<vmem>>, vector<16xf32>,
      %add3A_246 = arith.constant 32 : i32
      %add3A_247 = arith.addi %mul3A_229, %add3A_246 : i32
      %get3A_248 = arith.index_cast %add3A_247 : i32 to index
      %get3A_249 = tpu.vector_load %arg5[%get3A_248] {strides = array<i32>} : memref<32768xf32, #tpu.memory_space<vmem>>, vector<16xf32>,
      %get3A_250 = vector.shape_cast %get3A_249 : vector<16xf32> to vector<16xf32>
      %swap3A_251 = arith.index_cast %add3A_247 : i32 to index
      %swap3A_252 = tpu.vector_load %arg6[%swap3A_251] {strides = array<i32>} : memref<32768xf32, #tpu.memory_space<vmem>>, vector<16xf32>,
      %swap3A_253 = vector.shape_cast %swap3A_252 : vector<16xf32> to vector<16xf32>
      %swap3A_254 = vector.shape_cast %get3A_250 : vector<16xf32> to vector<16xf32>
      tpu.vector_store %arg6[%swap3A_251], %swap3A_254 {add = true, strides = array<i32>} : memref<32768xf32, #tpu.memory_space<vmem>>, vector<16xf32>,
      %add3A_255 = arith.constant 48 : i32
      %add3A_256 = arith.addi %mul3A_229, %add3A_255 : i32
      %get3A_257 = arith.index_cast %add3A_256 : i32 to index
      %get3A_258 = tpu.vector_load %arg5[%get3A_257] {strides = array<i32>} : memref<32768xf32, #tpu.memory_space<vmem>>, vector<16xf32>,
      %get3A_259 = vector.shape_cast %get3A_258 : vector<16xf32> to vector<16xf32>
      %swap3A_260 = arith.index_cast %add3A_256 : i32 to index
      %swap3A_261 = tpu.vector_load %arg6[%swap3A_260] {strides = array<i32>} : memref<32768xf32, #tpu.memory_space<vmem>>, vector<16xf32>,
      %swap3A_262 = vector.shape_cast %swap3A_261 : vector<16xf32> to vector<16xf32>
      %swap3A_263 = vector.shape_cast %get3A_259 : vector<16xf32> to vector<16xf32>
      tpu.vector_store %arg6[%swap3A_260], %swap3A_263 {add = true, strides = array<i32>} : memref<32768xf32, #tpu.memory_space<vmem>>, vector<16xf32>,
      %add3A_264 = arith.constant 64 : i32
      %add3A_265 = arith.addi %mul3A_229, %add3A_264 : i32
      %get3A_266 = arith.index_cast %add3A_265 : i32 to index
      %get3A_267 = tpu.vector_load %arg5[%get3A_266] {strides = array<i32>} : memref<32768xf32, #tpu.memory_space<vmem>>, vector<16xf32>,
      %get3A_268 = vector.shape_cast %get3A_267 : vector<16xf32> to vector<16xf32>
      %swap3A_269 = arith.index_cast %add3A_265 : i32 to index
      %swap3A_270 = tpu.vector_load %arg6[%swap3A_269] {strides = array<i32>} : memref<32768xf32, #tpu.memory_space<vmem>>, vector<16xf32>,
      %swap3A_271 = vector.shape_cast %swap3A_270 : vector<16xf32> to vector<16xf32>
      %swap3A_272 = vector.shape_cast %get3A_268 : vector<16xf32> to vector<16xf32>
      tpu.vector_store %arg6[%swap3A_269], %swap3A_272 {add = true, strides = array<i32>} : memref<32768xf32, #tpu.memory_space<vmem>>, vector<16xf32>,
      %add3A_273 = arith.constant 80 : i32
      %add3A_274 = arith.addi %mul3A_229, %add3A_273 : i32
      %get3A_275 = arith.index_cast %add3A_274 : i32 to index
      %get3A_276 = tpu.vector_load %arg5[%get3A_275] {strides = array<i32>} : memref<32768xf32, #tpu.memory_space<vmem>>, vector<16xf32>,
      %get3A_277 = vector.shape_cast %get3A_276 : vector<16xf32> to vector<16xf32>
      %swap3A_278 = arith.index_cast %add3A_274 : i32 to index
      %swap3A_279 = tpu.vector_load %arg6[%swap3A_278] {strides = array<i32>} : memref<32768xf32, #tpu.memory_space<vmem>>, vector<16xf32>,
      %swap3A_280 = vector.shape_cast %swap3A_279 : vector<16xf32> to vector<16xf32>
      %swap3A_281 = vector.shape_cast %get3A_277 : vector<16xf32> to vector<16xf32>
      tpu.vector_store %arg6[%swap3A_278], %swap3A_281 {add = true, strides = array<i32>} : memref<32768xf32, #tpu.memory_space<vmem>>, vector<16xf32>,
      %add3A_282 = arith.constant 96 : i32
      %add3A_283 = arith.addi %mul3A_229, %add3A_282 : i32
      %get3A_284 = arith.index_cast %add3A_283 : i32 to index
      %get3A_285 = tpu.vector_load %arg5[%get3A_284] {strides = array<i32>} : memref<32768xf32, #tpu.memory_space<vmem>>, vector<16xf32>,
      %get3A_286 = vector.shape_cast %get3A_285 : vector<16xf32> to vector<16xf32>
      %swap3A_287 = arith.index_cast %add3A_283 : i32 to index
      %swap3A_288 = tpu.vector_load %arg6[%swap3A_287] {strides = array<i32>} : memref<32768xf32, #tpu.memory_space<vmem>>, vector<16xf32>,
      %swap3A_289 = vector.shape_cast %swap3A_288 : vector<16xf32> to vector<16xf32>
      %swap3A_290 = vector.shape_cast %get3A_286 : vector<16xf32> to vector<16xf32>
      tpu.vector_store %arg6[%swap3A_287], %swap3A_290 {add = true, strides = array<i32>} : memref<32768xf32, #tpu.memory_space<vmem>>, vector<16xf32>,
      %add3A_291 = arith.constant 112 : i32
      %add3A_292 = arith.addi %mul3A_229, %add3A_291 : i32
      %get3A_293 = arith.index_cast %add3A_292 : i32 to index
      %get3A_294 = tpu.vector_load %arg5[%get3A_293] {strides = array<i32>} : memref<32768xf32, #tpu.memory_space<vmem>>, vector<16xf32>,
      %get3A_295 = vector.shape_cast %get3A_294 : vector<16xf32> to vector<16xf32>
      %swap3A_296 = arith.index_cast %add3A_292 : i32 to index
      %swap3A_297 = tpu.vector_load %arg6[%swap3A_296] {strides = array<i32>} : memref<32768xf32, #tpu.memory_space<vmem>>, vector<16xf32>,
      %swap3A_298 = vector.shape_cast %swap3A_297 : vector<16xf32> to vector<16xf32>
      %swap3A_299 = vector.shape_cast %get3A_295 : vector<16xf32> to vector<16xf32>
      tpu.vector_store %arg6[%swap3A_296], %swap3A_299 {add = true, strides = array<i32>} : memref<32768xf32, #tpu.memory_space<vmem>>, vector<16xf32>,
      %scan3A_300 = arith.constant 0 : i32
      scf.yield %scan3A_300 : i32
    }
    %scan3A_42 = arith.constant 256 : i32
    %mul3A_43 = arith.constant 1024 : i32
    %mul3A_44 = arith.muli %add3A_33, %mul3A_43 : i32
    "tpu.region"() ({
      %run_scoped3A = tpu.sem_alloc : memref<!tpu.dma_semaphore, #tpu.memory_space<semaphore_mem>>
      %dma_start3A = tpu.memref_slice %arg4[%mul3A_44] : memref<16777216xf32, #tpu.memory_space<hbm>> -> memref<32768xf32, #tpu.memory_space<hbm>>
      %dma_start3A_226 = tpu.memref_slice %arg4[%mul3A_44] : memref<16777216xf32, #tpu.memory_space<hbm>> -> memref<32768xf32, #tpu.memory_space<hbm>>
      tpu.enqueue_dma source(%arg6 : memref<32768xf32, #tpu.memory_space<vmem>>) target(%dma_start3A_226 : memref<32768xf32, #tpu.memory_space<hbm>>) target_semaphore(%run_scoped3A : memref<!tpu.dma_semaphore, #tpu.memory_space<semaphore_mem>>)
      %dma_wait3A = tpu.memref_slice %arg4[%mul3A_44] : memref<16777216xf32, #tpu.memory_space<hbm>> -> memref<32768xf32, #tpu.memory_space<hbm>>
      %dma_wait3A_227 = tpu.memref_slice %arg4[%mul3A_44] : memref<16777216xf32, #tpu.memory_space<hbm>> -> memref<32768xf32, #tpu.memory_space<hbm>>
      tpu.wait_dma2 semaphore(%run_scoped3A : memref<!tpu.dma_semaphore, #tpu.memory_space<semaphore_mem>>) src(%arg6 : memref<32768xf32, #tpu.memory_space<vmem>>) dst(%dma_wait3A_227 : memref<32768xf32, #tpu.memory_space<hbm>>)
      tpu.yield
    }) : () -> ()
    %add3A_45 = arith.constant 12288 : i32
    %add3A_46 = arith.addi %add3A_45, %add3A_4 : i32
    %mul3A_47 = arith.constant 1024 : i32
    %mul3A_48 = arith.muli %add3A_46, %mul3A_47 : i32
    "tpu.region"() ({
      %run_scoped3A = tpu.sem_alloc : memref<!tpu.dma_semaphore, #tpu.memory_space<semaphore_mem>>
      %dma_start3A = tpu.memref_slice %arg2[%mul3A_48] : memref<16777216xf32, #tpu.memory_space<hbm>> -> memref<32768xf32, #tpu.memory_space<hbm>>
      %dma_start3A_226 = tpu.memref_slice %arg2[%mul3A_48] : memref<16777216xf32, #tpu.memory_space<hbm>> -> memref<32768xf32, #tpu.memory_space<hbm>>
      tpu.enqueue_dma source(%dma_start3A_226 : memref<32768xf32, #tpu.memory_space<hbm>>) target(%arg6 : memref<32768xf32, #tpu.memory_space<vmem>>) target_semaphore(%run_scoped3A : memref<!tpu.dma_semaphore, #tpu.memory_space<semaphore_mem>>)
      %dma_wait3A = tpu.memref_slice %arg2[%mul3A_48] : memref<16777216xf32, #tpu.memory_space<hbm>> -> memref<32768xf32, #tpu.memory_space<hbm>>
      %dma_wait3A_227 = tpu.memref_slice %arg2[%mul3A_48] : memref<16777216xf32, #tpu.memory_space<hbm>> -> memref<32768xf32, #tpu.memory_space<hbm>>
      tpu.wait_dma2 semaphore(%run_scoped3A : memref<!tpu.dma_semaphore, #tpu.memory_space<semaphore_mem>>) src(%dma_wait3A_227 : memref<32768xf32, #tpu.memory_space<hbm>>) dst(%arg6 : memref<32768xf32, #tpu.memory_space<vmem>>)
      tpu.yield
    }) : () -> ()
    %scan3A_49 = arith.constant 0 : i32
    %scan3A_50 = arith.constant 0 : i32
    %scan3A_51 = arith.constant 256 : i32
    %scan3A_52 = arith.addi %scan3A_50, %scan3A_51 : i32
    %scan3A_53 = arith.constant 1 : i32
    %scan3A_54 = scf.for %scan3A_226 = %scan3A_50 to %scan3A_52 step %scan3A_53 iter_args(%scan3A_227 = %scan3A_49) -> (i32)  : i32 {
      %mul3A_228 = arith.constant 128 : i32
      %mul3A_229 = arith.muli %scan3A_226, %mul3A_228 : i32
      %add3A_230 = arith.constant 0 : i32
      %add3A_231 = arith.addi %mul3A_229, %add3A_230 : i32
      %get3A = arith.index_cast %add3A_231 : i32 to index
      %get3A_232 = tpu.vector_load %arg5[%get3A] {strides = array<i32>} : memref<32768xf32, #tpu.memory_space<vmem>>, vector<16xf32>,
      %get3A_233 = vector.shape_cast %get3A_232 : vector<16xf32> to vector<16xf32>
      %swap3A = arith.index_cast %add3A_231 : i32 to index
      %swap3A_234 = tpu.vector_load %arg6[%swap3A] {strides = array<i32>} : memref<32768xf32, #tpu.memory_space<vmem>>, vector<16xf32>,
      %swap3A_235 = vector.shape_cast %swap3A_234 : vector<16xf32> to vector<16xf32>
      %swap3A_236 = vector.shape_cast %get3A_233 : vector<16xf32> to vector<16xf32>
      tpu.vector_store %arg6[%swap3A], %swap3A_236 {add = true, strides = array<i32>} : memref<32768xf32, #tpu.memory_space<vmem>>, vector<16xf32>,
      %add3A_237 = arith.constant 16 : i32
      %add3A_238 = arith.addi %mul3A_229, %add3A_237 : i32
      %get3A_239 = arith.index_cast %add3A_238 : i32 to index
      %get3A_240 = tpu.vector_load %arg5[%get3A_239] {strides = array<i32>} : memref<32768xf32, #tpu.memory_space<vmem>>, vector<16xf32>,
      %get3A_241 = vector.shape_cast %get3A_240 : vector<16xf32> to vector<16xf32>
      %swap3A_242 = arith.index_cast %add3A_238 : i32 to index
      %swap3A_243 = tpu.vector_load %arg6[%swap3A_242] {strides = array<i32>} : memref<32768xf32, #tpu.memory_space<vmem>>, vector<16xf32>,
      %swap3A_244 = vector.shape_cast %swap3A_243 : vector<16xf32> to vector<16xf32>
      %swap3A_245 = vector.shape_cast %get3A_241 : vector<16xf32> to vector<16xf32>
      tpu.vector_store %arg6[%swap3A_242], %swap3A_245 {add = true, strides = array<i32>} : memref<32768xf32, #tpu.memory_space<vmem>>, vector<16xf32>,
      %add3A_246 = arith.constant 32 : i32
      %add3A_247 = arith.addi %mul3A_229, %add3A_246 : i32
      %get3A_248 = arith.index_cast %add3A_247 : i32 to index
      %get3A_249 = tpu.vector_load %arg5[%get3A_248] {strides = array<i32>} : memref<32768xf32, #tpu.memory_space<vmem>>, vector<16xf32>,
      %get3A_250 = vector.shape_cast %get3A_249 : vector<16xf32> to vector<16xf32>
      %swap3A_251 = arith.index_cast %add3A_247 : i32 to index
      %swap3A_252 = tpu.vector_load %arg6[%swap3A_251] {strides = array<i32>} : memref<32768xf32, #tpu.memory_space<vmem>>, vector<16xf32>,
      %swap3A_253 = vector.shape_cast %swap3A_252 : vector<16xf32> to vector<16xf32>
      %swap3A_254 = vector.shape_cast %get3A_250 : vector<16xf32> to vector<16xf32>
      tpu.vector_store %arg6[%swap3A_251], %swap3A_254 {add = true, strides = array<i32>} : memref<32768xf32, #tpu.memory_space<vmem>>, vector<16xf32>,
      %add3A_255 = arith.constant 48 : i32
      %add3A_256 = arith.addi %mul3A_229, %add3A_255 : i32
      %get3A_257 = arith.index_cast %add3A_256 : i32 to index
      %get3A_258 = tpu.vector_load %arg5[%get3A_257] {strides = array<i32>} : memref<32768xf32, #tpu.memory_space<vmem>>, vector<16xf32>,
      %get3A_259 = vector.shape_cast %get3A_258 : vector<16xf32> to vector<16xf32>
      %swap3A_260 = arith.index_cast %add3A_256 : i32 to index
      %swap3A_261 = tpu.vector_load %arg6[%swap3A_260] {strides = array<i32>} : memref<32768xf32, #tpu.memory_space<vmem>>, vector<16xf32>,
      %swap3A_262 = vector.shape_cast %swap3A_261 : vector<16xf32> to vector<16xf32>
      %swap3A_263 = vector.shape_cast %get3A_259 : vector<16xf32> to vector<16xf32>
      tpu.vector_store %arg6[%swap3A_260], %swap3A_263 {add = true, strides = array<i32>} : memref<32768xf32, #tpu.memory_space<vmem>>, vector<16xf32>,
      %add3A_264 = arith.constant 64 : i32
      %add3A_265 = arith.addi %mul3A_229, %add3A_264 : i32
      %get3A_266 = arith.index_cast %add3A_265 : i32 to index
      %get3A_267 = tpu.vector_load %arg5[%get3A_266] {strides = array<i32>} : memref<32768xf32, #tpu.memory_space<vmem>>, vector<16xf32>,
      %get3A_268 = vector.shape_cast %get3A_267 : vector<16xf32> to vector<16xf32>
      %swap3A_269 = arith.index_cast %add3A_265 : i32 to index
      %swap3A_270 = tpu.vector_load %arg6[%swap3A_269] {strides = array<i32>} : memref<32768xf32, #tpu.memory_space<vmem>>, vector<16xf32>,
      %swap3A_271 = vector.shape_cast %swap3A_270 : vector<16xf32> to vector<16xf32>
      %swap3A_272 = vector.shape_cast %get3A_268 : vector<16xf32> to vector<16xf32>
      tpu.vector_store %arg6[%swap3A_269], %swap3A_272 {add = true, strides = array<i32>} : memref<32768xf32, #tpu.memory_space<vmem>>, vector<16xf32>,
      %add3A_273 = arith.constant 80 : i32
      %add3A_274 = arith.addi %mul3A_229, %add3A_273 : i32
      %get3A_275 = arith.index_cast %add3A_274 : i32 to index
      %get3A_276 = tpu.vector_load %arg5[%get3A_275] {strides = array<i32>} : memref<32768xf32, #tpu.memory_space<vmem>>, vector<16xf32>,
      %get3A_277 = vector.shape_cast %get3A_276 : vector<16xf32> to vector<16xf32>
      %swap3A_278 = arith.index_cast %add3A_274 : i32 to index
      %swap3A_279 = tpu.vector_load %arg6[%swap3A_278] {strides = array<i32>} : memref<32768xf32, #tpu.memory_space<vmem>>, vector<16xf32>,
      %swap3A_280 = vector.shape_cast %swap3A_279 : vector<16xf32> to vector<16xf32>
      %swap3A_281 = vector.shape_cast %get3A_277 : vector<16xf32> to vector<16xf32>
      tpu.vector_store %arg6[%swap3A_278], %swap3A_281 {add = true, strides = array<i32>} : memref<32768xf32, #tpu.memory_space<vmem>>, vector<16xf32>,
      %add3A_282 = arith.constant 96 : i32
      %add3A_283 = arith.addi %mul3A_229, %add3A_282 : i32
      %get3A_284 = arith.index_cast %add3A_283 : i32 to index
      %get3A_285 = tpu.vector_load %arg5[%get3A_284] {strides = array<i32>} : memref<32768xf32, #tpu.memory_space<vmem>>, vector<16xf32>,
      %get3A_286 = vector.shape_cast %get3A_285 : vector<16xf32> to vector<16xf32>
      %swap3A_287 = arith.index_cast %add3A_283 : i32 to index
      %swap3A_288 = tpu.vector_load %arg6[%swap3A_287] {strides = array<i32>} : memref<32768xf32, #tpu.memory_space<vmem>>, vector<16xf32>,
      %swap3A_289 = vector.shape_cast %swap3A_288 : vector<16xf32> to vector<16xf32>
      %swap3A_290 = vector.shape_cast %get3A_286 : vector<16xf32> to vector<16xf32>
      tpu.vector_store %arg6[%swap3A_287], %swap3A_290 {add = true, strides = array<i32>} : memref<32768xf32, #tpu.memory_space<vmem>>, vector<16xf32>,
      %add3A_291 = arith.constant 112 : i32
      %add3A_292 = arith.addi %mul3A_229, %add3A_291 : i32
      %get3A_293 = arith.index_cast %add3A_292 : i32 to index
      %get3A_294 = tpu.vector_load %arg5[%get3A_293] {strides = array<i32>} : memref<32768xf32, #tpu.memory_space<vmem>>, vector<16xf32>,
      %get3A_295 = vector.shape_cast %get3A_294 : vector<16xf32> to vector<16xf32>
      %swap3A_296 = arith.index_cast %add3A_292 : i32 to index
      %swap3A_297 = tpu.vector_load %arg6[%swap3A_296] {strides = array<i32>} : memref<32768xf32, #tpu.memory_space<vmem>>, vector<16xf32>,
      %swap3A_298 = vector.shape_cast %swap3A_297 : vector<16xf32> to vector<16xf32>
      %swap3A_299 = vector.shape_cast %get3A_295 : vector<16xf32> to vector<16xf32>
      tpu.vector_store %arg6[%swap3A_296], %swap3A_299 {add = true, strides = array<i32>} : memref<32768xf32, #tpu.memory_space<vmem>>, vector<16xf32>,
      %scan3A_300 = arith.constant 0 : i32
      scf.yield %scan3A_300 : i32
    }
    %scan3A_55 = arith.constant 256 : i32
    %mul3A_56 = arith.constant 1024 : i32
    %mul3A_57 = arith.muli %add3A_46, %mul3A_56 : i32
    "tpu.region"() ({
      %run_scoped3A = tpu.sem_alloc : memref<!tpu.dma_semaphore, #tpu.memory_space<semaphore_mem>>
      %dma_start3A = tpu.memref_slice %arg4[%mul3A_57] : memref<16777216xf32, #tpu.memory_space<hbm>> -> memref<32768xf32, #tpu.memory_space<hbm>>
      %dma_start3A_226 = tpu.memref_slice %arg4[%mul3A_57] : memref<16777216xf32, #tpu.memory_space<hbm>> -> memref<32768xf32, #tpu.memory_space<hbm>>
      tpu.enqueue_dma source(%arg6 : memref<32768xf32, #tpu.memory_space<vmem>>) target(%dma_start3A_226 : memref<32768xf32, #tpu.memory_space<hbm>>) target_semaphore(%run_scoped3A : memref<!tpu.dma_semaphore, #tpu.memory_space<semaphore_mem>>)
      %dma_wait3A = tpu.memref_slice %arg4[%mul3A_57] : memref<16777216xf32, #tpu.memory_space<hbm>> -> memref<32768xf32, #tpu.memory_space<hbm>>
      %dma_wait3A_227 = tpu.memref_slice %arg4[%mul3A_57] : memref<16777216xf32, #tpu.memory_space<hbm>> -> memref<32768xf32, #tpu.memory_space<hbm>>
      tpu.wait_dma2 semaphore(%run_scoped3A : memref<!tpu.dma_semaphore, #tpu.memory_space<semaphore_mem>>) src(%arg6 : memref<32768xf32, #tpu.memory_space<vmem>>) dst(%dma_wait3A_227 : memref<32768xf32, #tpu.memory_space<hbm>>)
      tpu.yield
    }) : () -> ()
    %add3A_58 = arith.constant 32 : i32
    %add3A_59 = arith.addi %mul3A_2, %add3A_58 : i32
    %mul3A_60 = arith.constant 1024 : i32
    %mul3A_61 = arith.muli %add3A_59, %mul3A_60 : i32
    "tpu.region"() ({
      %run_scoped3A = tpu.sem_alloc : memref<!tpu.dma_semaphore, #tpu.memory_space<semaphore_mem>>
      %dma_start3A = tpu.memref_slice %arg3[%mul3A_61] : memref<8388608xf32, #tpu.memory_space<hbm>> -> memref<32768xf32, #tpu.memory_space<hbm>>
      %dma_start3A_226 = tpu.memref_slice %arg3[%mul3A_61] : memref<8388608xf32, #tpu.memory_space<hbm>> -> memref<32768xf32, #tpu.memory_space<hbm>>
      tpu.enqueue_dma source(%dma_start3A_226 : memref<32768xf32, #tpu.memory_space<hbm>>) target(%arg5 : memref<32768xf32, #tpu.memory_space<vmem>>) target_semaphore(%run_scoped3A : memref<!tpu.dma_semaphore, #tpu.memory_space<semaphore_mem>>)
      %dma_wait3A = tpu.memref_slice %arg3[%mul3A_61] : memref<8388608xf32, #tpu.memory_space<hbm>> -> memref<32768xf32, #tpu.memory_space<hbm>>
      %dma_wait3A_227 = tpu.memref_slice %arg3[%mul3A_61] : memref<8388608xf32, #tpu.memory_space<hbm>> -> memref<32768xf32, #tpu.memory_space<hbm>>
      tpu.wait_dma2 semaphore(%run_scoped3A : memref<!tpu.dma_semaphore, #tpu.memory_space<semaphore_mem>>) src(%dma_wait3A_227 : memref<32768xf32, #tpu.memory_space<hbm>>) dst(%arg5 : memref<32768xf32, #tpu.memory_space<vmem>>)
      tpu.yield
    }) : () -> ()
    %add3A_62 = arith.constant 0 : i32
    %add3A_63 = arith.addi %add3A_62, %add3A_59 : i32
    %mul3A_64 = arith.constant 1024 : i32
    %mul3A_65 = arith.muli %add3A_63, %mul3A_64 : i32
    "tpu.region"() ({
      %run_scoped3A = tpu.sem_alloc : memref<!tpu.dma_semaphore, #tpu.memory_space<semaphore_mem>>
      %dma_start3A = tpu.memref_slice %arg2[%mul3A_65] : memref<16777216xf32, #tpu.memory_space<hbm>> -> memref<32768xf32, #tpu.memory_space<hbm>>
      %dma_start3A_226 = tpu.memref_slice %arg2[%mul3A_65] : memref<16777216xf32, #tpu.memory_space<hbm>> -> memref<32768xf32, #tpu.memory_space<hbm>>
      tpu.enqueue_dma source(%dma_start3A_226 : memref<32768xf32, #tpu.memory_space<hbm>>) target(%arg6 : memref<32768xf32, #tpu.memory_space<vmem>>) target_semaphore(%run_scoped3A : memref<!tpu.dma_semaphore, #tpu.memory_space<semaphore_mem>>)
      %dma_wait3A = tpu.memref_slice %arg2[%mul3A_65] : memref<16777216xf32, #tpu.memory_space<hbm>> -> memref<32768xf32, #tpu.memory_space<hbm>>
      %dma_wait3A_227 = tpu.memref_slice %arg2[%mul3A_65] : memref<16777216xf32, #tpu.memory_space<hbm>> -> memref<32768xf32, #tpu.memory_space<hbm>>
      tpu.wait_dma2 semaphore(%run_scoped3A : memref<!tpu.dma_semaphore, #tpu.memory_space<semaphore_mem>>) src(%dma_wait3A_227 : memref<32768xf32, #tpu.memory_space<hbm>>) dst(%arg6 : memref<32768xf32, #tpu.memory_space<vmem>>)
      tpu.yield
    }) : () -> ()
    %scan3A_66 = arith.constant 0 : i32
    %scan3A_67 = arith.constant 0 : i32
    %scan3A_68 = arith.constant 256 : i32
    %scan3A_69 = arith.addi %scan3A_67, %scan3A_68 : i32
    %scan3A_70 = arith.constant 1 : i32
    %scan3A_71 = scf.for %scan3A_226 = %scan3A_67 to %scan3A_69 step %scan3A_70 iter_args(%scan3A_227 = %scan3A_66) -> (i32)  : i32 {
      %mul3A_228 = arith.constant 128 : i32
      %mul3A_229 = arith.muli %scan3A_226, %mul3A_228 : i32
      %add3A_230 = arith.constant 0 : i32
      %add3A_231 = arith.addi %mul3A_229, %add3A_230 : i32
      %get3A = arith.index_cast %add3A_231 : i32 to index
      %get3A_232 = tpu.vector_load %arg5[%get3A] {strides = array<i32>} : memref<32768xf32, #tpu.memory_space<vmem>>, vector<16xf32>,
      %get3A_233 = vector.shape_cast %get3A_232 : vector<16xf32> to vector<16xf32>
      %swap3A = arith.index_cast %add3A_231 : i32 to index
      %swap3A_234 = tpu.vector_load %arg6[%swap3A] {strides = array<i32>} : memref<32768xf32, #tpu.memory_space<vmem>>, vector<16xf32>,
      %swap3A_235 = vector.shape_cast %swap3A_234 : vector<16xf32> to vector<16xf32>
      %swap3A_236 = vector.shape_cast %get3A_233 : vector<16xf32> to vector<16xf32>
      tpu.vector_store %arg6[%swap3A], %swap3A_236 {add = true, strides = array<i32>} : memref<32768xf32, #tpu.memory_space<vmem>>, vector<16xf32>,
      %add3A_237 = arith.constant 16 : i32
      %add3A_238 = arith.addi %mul3A_229, %add3A_237 : i32
      %get3A_239 = arith.index_cast %add3A_238 : i32 to index
      %get3A_240 = tpu.vector_load %arg5[%get3A_239] {strides = array<i32>} : memref<32768xf32, #tpu.memory_space<vmem>>, vector<16xf32>,
      %get3A_241 = vector.shape_cast %get3A_240 : vector<16xf32> to vector<16xf32>
      %swap3A_242 = arith.index_cast %add3A_238 : i32 to index
      %swap3A_243 = tpu.vector_load %arg6[%swap3A_242] {strides = array<i32>} : memref<32768xf32, #tpu.memory_space<vmem>>, vector<16xf32>,
      %swap3A_244 = vector.shape_cast %swap3A_243 : vector<16xf32> to vector<16xf32>
      %swap3A_245 = vector.shape_cast %get3A_241 : vector<16xf32> to vector<16xf32>
      tpu.vector_store %arg6[%swap3A_242], %swap3A_245 {add = true, strides = array<i32>} : memref<32768xf32, #tpu.memory_space<vmem>>, vector<16xf32>,
      %add3A_246 = arith.constant 32 : i32
      %add3A_247 = arith.addi %mul3A_229, %add3A_246 : i32
      %get3A_248 = arith.index_cast %add3A_247 : i32 to index
      %get3A_249 = tpu.vector_load %arg5[%get3A_248] {strides = array<i32>} : memref<32768xf32, #tpu.memory_space<vmem>>, vector<16xf32>,
      %get3A_250 = vector.shape_cast %get3A_249 : vector<16xf32> to vector<16xf32>
      %swap3A_251 = arith.index_cast %add3A_247 : i32 to index
      %swap3A_252 = tpu.vector_load %arg6[%swap3A_251] {strides = array<i32>} : memref<32768xf32, #tpu.memory_space<vmem>>, vector<16xf32>,
      %swap3A_253 = vector.shape_cast %swap3A_252 : vector<16xf32> to vector<16xf32>
      %swap3A_254 = vector.shape_cast %get3A_250 : vector<16xf32> to vector<16xf32>
      tpu.vector_store %arg6[%swap3A_251], %swap3A_254 {add = true, strides = array<i32>} : memref<32768xf32, #tpu.memory_space<vmem>>, vector<16xf32>,
      %add3A_255 = arith.constant 48 : i32
      %add3A_256 = arith.addi %mul3A_229, %add3A_255 : i32
      %get3A_257 = arith.index_cast %add3A_256 : i32 to index
      %get3A_258 = tpu.vector_load %arg5[%get3A_257] {strides = array<i32>} : memref<32768xf32, #tpu.memory_space<vmem>>, vector<16xf32>,
      %get3A_259 = vector.shape_cast %get3A_258 : vector<16xf32> to vector<16xf32>
      %swap3A_260 = arith.index_cast %add3A_256 : i32 to index
      %swap3A_261 = tpu.vector_load %arg6[%swap3A_260] {strides = array<i32>} : memref<32768xf32, #tpu.memory_space<vmem>>, vector<16xf32>,
      %swap3A_262 = vector.shape_cast %swap3A_261 : vector<16xf32> to vector<16xf32>
      %swap3A_263 = vector.shape_cast %get3A_259 : vector<16xf32> to vector<16xf32>
      tpu.vector_store %arg6[%swap3A_260], %swap3A_263 {add = true, strides = array<i32>} : memref<32768xf32, #tpu.memory_space<vmem>>, vector<16xf32>,
      %add3A_264 = arith.constant 64 : i32
      %add3A_265 = arith.addi %mul3A_229, %add3A_264 : i32
      %get3A_266 = arith.index_cast %add3A_265 : i32 to index
      %get3A_267 = tpu.vector_load %arg5[%get3A_266] {strides = array<i32>} : memref<32768xf32, #tpu.memory_space<vmem>>, vector<16xf32>,
      %get3A_268 = vector.shape_cast %get3A_267 : vector<16xf32> to vector<16xf32>
      %swap3A_269 = arith.index_cast %add3A_265 : i32 to index
      %swap3A_270 = tpu.vector_load %arg6[%swap3A_269] {strides = array<i32>} : memref<32768xf32, #tpu.memory_space<vmem>>, vector<16xf32>,
      %swap3A_271 = vector.shape_cast %swap3A_270 : vector<16xf32> to vector<16xf32>
      %swap3A_272 = vector.shape_cast %get3A_268 : vector<16xf32> to vector<16xf32>
      tpu.vector_store %arg6[%swap3A_269], %swap3A_272 {add = true, strides = array<i32>} : memref<32768xf32, #tpu.memory_space<vmem>>, vector<16xf32>,
      %add3A_273 = arith.constant 80 : i32
      %add3A_274 = arith.addi %mul3A_229, %add3A_273 : i32
      %get3A_275 = arith.index_cast %add3A_274 : i32 to index
      %get3A_276 = tpu.vector_load %arg5[%get3A_275] {strides = array<i32>} : memref<32768xf32, #tpu.memory_space<vmem>>, vector<16xf32>,
      %get3A_277 = vector.shape_cast %get3A_276 : vector<16xf32> to vector<16xf32>
      %swap3A_278 = arith.index_cast %add3A_274 : i32 to index
      %swap3A_279 = tpu.vector_load %arg6[%swap3A_278] {strides = array<i32>} : memref<32768xf32, #tpu.memory_space<vmem>>, vector<16xf32>,
      %swap3A_280 = vector.shape_cast %swap3A_279 : vector<16xf32> to vector<16xf32>
      %swap3A_281 = vector.shape_cast %get3A_277 : vector<16xf32> to vector<16xf32>
      tpu.vector_store %arg6[%swap3A_278], %swap3A_281 {add = true, strides = array<i32>} : memref<32768xf32, #tpu.memory_space<vmem>>, vector<16xf32>,
      %add3A_282 = arith.constant 96 : i32
      %add3A_283 = arith.addi %mul3A_229, %add3A_282 : i32
      %get3A_284 = arith.index_cast %add3A_283 : i32 to index
      %get3A_285 = tpu.vector_load %arg5[%get3A_284] {strides = array<i32>} : memref<32768xf32, #tpu.memory_space<vmem>>, vector<16xf32>,
      %get3A_286 = vector.shape_cast %get3A_285 : vector<16xf32> to vector<16xf32>
      %swap3A_287 = arith.index_cast %add3A_283 : i32 to index
      %swap3A_288 = tpu.vector_load %arg6[%swap3A_287] {strides = array<i32>} : memref<32768xf32, #tpu.memory_space<vmem>>, vector<16xf32>,
      %swap3A_289 = vector.shape_cast %swap3A_288 : vector<16xf32> to vector<16xf32>
      %swap3A_290 = vector.shape_cast %get3A_286 : vector<16xf32> to vector<16xf32>
      tpu.vector_store %arg6[%swap3A_287], %swap3A_290 {add = true, strides = array<i32>} : memref<32768xf32, #tpu.memory_space<vmem>>, vector<16xf32>,
      %add3A_291 = arith.constant 112 : i32
      %add3A_292 = arith.addi %mul3A_229, %add3A_291 : i32
      %get3A_293 = arith.index_cast %add3A_292 : i32 to index
      %get3A_294 = tpu.vector_load %arg5[%get3A_293] {strides = array<i32>} : memref<32768xf32, #tpu.memory_space<vmem>>, vector<16xf32>,
      %get3A_295 = vector.shape_cast %get3A_294 : vector<16xf32> to vector<16xf32>
      %swap3A_296 = arith.index_cast %add3A_292 : i32 to index
      %swap3A_297 = tpu.vector_load %arg6[%swap3A_296] {strides = array<i32>} : memref<32768xf32, #tpu.memory_space<vmem>>, vector<16xf32>,
      %swap3A_298 = vector.shape_cast %swap3A_297 : vector<16xf32> to vector<16xf32>
      %swap3A_299 = vector.shape_cast %get3A_295 : vector<16xf32> to vector<16xf32>
      tpu.vector_store %arg6[%swap3A_296], %swap3A_299 {add = true, strides = array<i32>} : memref<32768xf32, #tpu.memory_space<vmem>>, vector<16xf32>,
      %scan3A_300 = arith.constant 0 : i32
      scf.yield %scan3A_300 : i32
    }
    %scan3A_72 = arith.constant 256 : i32
    %mul3A_73 = arith.constant 1024 : i32
    %mul3A_74 = arith.muli %add3A_63, %mul3A_73 : i32
    "tpu.region"() ({
      %run_scoped3A = tpu.sem_alloc : memref<!tpu.dma_semaphore, #tpu.memory_space<semaphore_mem>>
      %dma_start3A = tpu.memref_slice %arg4[%mul3A_74] : memref<16777216xf32, #tpu.memory_space<hbm>> -> memref<32768xf32, #tpu.memory_space<hbm>>
      %dma_start3A_226 = tpu.memref_slice %arg4[%mul3A_74] : memref<16777216xf32, #tpu.memory_space<hbm>> -> memref<32768xf32, #tpu.memory_space<hbm>>
      tpu.enqueue_dma source(%arg6 : memref<32768xf32, #tpu.memory_space<vmem>>) target(%dma_start3A_226 : memref<32768xf32, #tpu.memory_space<hbm>>) target_semaphore(%run_scoped3A : memref<!tpu.dma_semaphore, #tpu.memory_space<semaphore_mem>>)
      %dma_wait3A = tpu.memref_slice %arg4[%mul3A_74] : memref<16777216xf32, #tpu.memory_space<hbm>> -> memref<32768xf32, #tpu.memory_space<hbm>>
      %dma_wait3A_227 = tpu.memref_slice %arg4[%mul3A_74] : memref<16777216xf32, #tpu.memory_space<hbm>> -> memref<32768xf32, #tpu.memory_space<hbm>>
      tpu.wait_dma2 semaphore(%run_scoped3A : memref<!tpu.dma_semaphore, #tpu.memory_space<semaphore_mem>>) src(%arg6 : memref<32768xf32, #tpu.memory_space<vmem>>) dst(%dma_wait3A_227 : memref<32768xf32, #tpu.memory_space<hbm>>)
      tpu.yield
    }) : () -> ()
    %add3A_75 = arith.constant 4096 : i32
    %add3A_76 = arith.addi %add3A_75, %add3A_59 : i32
    %mul3A_77 = arith.constant 1024 : i32
    %mul3A_78 = arith.muli %add3A_76, %mul3A_77 : i32
    "tpu.region"() ({
      %run_scoped3A = tpu.sem_alloc : memref<!tpu.dma_semaphore, #tpu.memory_space<semaphore_mem>>
      %dma_start3A = tpu.memref_slice %arg2[%mul3A_78] : memref<16777216xf32, #tpu.memory_space<hbm>> -> memref<32768xf32, #tpu.memory_space<hbm>>
      %dma_start3A_226 = tpu.memref_slice %arg2[%mul3A_78] : memref<16777216xf32, #tpu.memory_space<hbm>> -> memref<32768xf32, #tpu.memory_space<hbm>>
      tpu.enqueue_dma source(%dma_start3A_226 : memref<32768xf32, #tpu.memory_space<hbm>>) target(%arg6 : memref<32768xf32, #tpu.memory_space<vmem>>) target_semaphore(%run_scoped3A : memref<!tpu.dma_semaphore, #tpu.memory_space<semaphore_mem>>)
      %dma_wait3A = tpu.memref_slice %arg2[%mul3A_78] : memref<16777216xf32, #tpu.memory_space<hbm>> -> memref<32768xf32, #tpu.memory_space<hbm>>
      %dma_wait3A_227 = tpu.memref_slice %arg2[%mul3A_78] : memref<16777216xf32, #tpu.memory_space<hbm>> -> memref<32768xf32, #tpu.memory_space<hbm>>
      tpu.wait_dma2 semaphore(%run_scoped3A : memref<!tpu.dma_semaphore, #tpu.memory_space<semaphore_mem>>) src(%dma_wait3A_227 : memref<32768xf32, #tpu.memory_space<hbm>>) dst(%arg6 : memref<32768xf32, #tpu.memory_space<vmem>>)
      tpu.yield
    }) : () -> ()
    %scan3A_79 = arith.constant 0 : i32
    %scan3A_80 = arith.constant 0 : i32
    %scan3A_81 = arith.constant 256 : i32
    %scan3A_82 = arith.addi %scan3A_80, %scan3A_81 : i32
    %scan3A_83 = arith.constant 1 : i32
    %scan3A_84 = scf.for %scan3A_226 = %scan3A_80 to %scan3A_82 step %scan3A_83 iter_args(%scan3A_227 = %scan3A_79) -> (i32)  : i32 {
      %mul3A_228 = arith.constant 128 : i32
      %mul3A_229 = arith.muli %scan3A_226, %mul3A_228 : i32
      %add3A_230 = arith.constant 0 : i32
      %add3A_231 = arith.addi %mul3A_229, %add3A_230 : i32
      %get3A = arith.index_cast %add3A_231 : i32 to index
      %get3A_232 = tpu.vector_load %arg5[%get3A] {strides = array<i32>} : memref<32768xf32, #tpu.memory_space<vmem>>, vector<16xf32>,
      %get3A_233 = vector.shape_cast %get3A_232 : vector<16xf32> to vector<16xf32>
      %swap3A = arith.index_cast %add3A_231 : i32 to index
      %swap3A_234 = tpu.vector_load %arg6[%swap3A] {strides = array<i32>} : memref<32768xf32, #tpu.memory_space<vmem>>, vector<16xf32>,
      %swap3A_235 = vector.shape_cast %swap3A_234 : vector<16xf32> to vector<16xf32>
      %swap3A_236 = vector.shape_cast %get3A_233 : vector<16xf32> to vector<16xf32>
      tpu.vector_store %arg6[%swap3A], %swap3A_236 {add = true, strides = array<i32>} : memref<32768xf32, #tpu.memory_space<vmem>>, vector<16xf32>,
      %add3A_237 = arith.constant 16 : i32
      %add3A_238 = arith.addi %mul3A_229, %add3A_237 : i32
      %get3A_239 = arith.index_cast %add3A_238 : i32 to index
      %get3A_240 = tpu.vector_load %arg5[%get3A_239] {strides = array<i32>} : memref<32768xf32, #tpu.memory_space<vmem>>, vector<16xf32>,
      %get3A_241 = vector.shape_cast %get3A_240 : vector<16xf32> to vector<16xf32>
      %swap3A_242 = arith.index_cast %add3A_238 : i32 to index
      %swap3A_243 = tpu.vector_load %arg6[%swap3A_242] {strides = array<i32>} : memref<32768xf32, #tpu.memory_space<vmem>>, vector<16xf32>,
      %swap3A_244 = vector.shape_cast %swap3A_243 : vector<16xf32> to vector<16xf32>
      %swap3A_245 = vector.shape_cast %get3A_241 : vector<16xf32> to vector<16xf32>
      tpu.vector_store %arg6[%swap3A_242], %swap3A_245 {add = true, strides = array<i32>} : memref<32768xf32, #tpu.memory_space<vmem>>, vector<16xf32>,
      %add3A_246 = arith.constant 32 : i32
      %add3A_247 = arith.addi %mul3A_229, %add3A_246 : i32
      %get3A_248 = arith.index_cast %add3A_247 : i32 to index
      %get3A_249 = tpu.vector_load %arg5[%get3A_248] {strides = array<i32>} : memref<32768xf32, #tpu.memory_space<vmem>>, vector<16xf32>,
      %get3A_250 = vector.shape_cast %get3A_249 : vector<16xf32> to vector<16xf32>
      %swap3A_251 = arith.index_cast %add3A_247 : i32 to index
      %swap3A_252 = tpu.vector_load %arg6[%swap3A_251] {strides = array<i32>} : memref<32768xf32, #tpu.memory_space<vmem>>, vector<16xf32>,
      %swap3A_253 = vector.shape_cast %swap3A_252 : vector<16xf32> to vector<16xf32>
      %swap3A_254 = vector.shape_cast %get3A_250 : vector<16xf32> to vector<16xf32>
      tpu.vector_store %arg6[%swap3A_251], %swap3A_254 {add = true, strides = array<i32>} : memref<32768xf32, #tpu.memory_space<vmem>>, vector<16xf32>,
      %add3A_255 = arith.constant 48 : i32
      %add3A_256 = arith.addi %mul3A_229, %add3A_255 : i32
      %get3A_257 = arith.index_cast %add3A_256 : i32 to index
      %get3A_258 = tpu.vector_load %arg5[%get3A_257] {strides = array<i32>} : memref<32768xf32, #tpu.memory_space<vmem>>, vector<16xf32>,
      %get3A_259 = vector.shape_cast %get3A_258 : vector<16xf32> to vector<16xf32>
      %swap3A_260 = arith.index_cast %add3A_256 : i32 to index
      %swap3A_261 = tpu.vector_load %arg6[%swap3A_260] {strides = array<i32>} : memref<32768xf32, #tpu.memory_space<vmem>>, vector<16xf32>,
      %swap3A_262 = vector.shape_cast %swap3A_261 : vector<16xf32> to vector<16xf32>
      %swap3A_263 = vector.shape_cast %get3A_259 : vector<16xf32> to vector<16xf32>
      tpu.vector_store %arg6[%swap3A_260], %swap3A_263 {add = true, strides = array<i32>} : memref<32768xf32, #tpu.memory_space<vmem>>, vector<16xf32>,
      %add3A_264 = arith.constant 64 : i32
      %add3A_265 = arith.addi %mul3A_229, %add3A_264 : i32
      %get3A_266 = arith.index_cast %add3A_265 : i32 to index
      %get3A_267 = tpu.vector_load %arg5[%get3A_266] {strides = array<i32>} : memref<32768xf32, #tpu.memory_space<vmem>>, vector<16xf32>,
      %get3A_268 = vector.shape_cast %get3A_267 : vector<16xf32> to vector<16xf32>
      %swap3A_269 = arith.index_cast %add3A_265 : i32 to index
      %swap3A_270 = tpu.vector_load %arg6[%swap3A_269] {strides = array<i32>} : memref<32768xf32, #tpu.memory_space<vmem>>, vector<16xf32>,
      %swap3A_271 = vector.shape_cast %swap3A_270 : vector<16xf32> to vector<16xf32>
      %swap3A_272 = vector.shape_cast %get3A_268 : vector<16xf32> to vector<16xf32>
      tpu.vector_store %arg6[%swap3A_269], %swap3A_272 {add = true, strides = array<i32>} : memref<32768xf32, #tpu.memory_space<vmem>>, vector<16xf32>,
      %add3A_273 = arith.constant 80 : i32
      %add3A_274 = arith.addi %mul3A_229, %add3A_273 : i32
      %get3A_275 = arith.index_cast %add3A_274 : i32 to index
      %get3A_276 = tpu.vector_load %arg5[%get3A_275] {strides = array<i32>} : memref<32768xf32, #tpu.memory_space<vmem>>, vector<16xf32>,
      %get3A_277 = vector.shape_cast %get3A_276 : vector<16xf32> to vector<16xf32>
      %swap3A_278 = arith.index_cast %add3A_274 : i32 to index
      %swap3A_279 = tpu.vector_load %arg6[%swap3A_278] {strides = array<i32>} : memref<32768xf32, #tpu.memory_space<vmem>>, vector<16xf32>,
      %swap3A_280 = vector.shape_cast %swap3A_279 : vector<16xf32> to vector<16xf32>
      %swap3A_281 = vector.shape_cast %get3A_277 : vector<16xf32> to vector<16xf32>
      tpu.vector_store %arg6[%swap3A_278], %swap3A_281 {add = true, strides = array<i32>} : memref<32768xf32, #tpu.memory_space<vmem>>, vector<16xf32>,
      %add3A_282 = arith.constant 96 : i32
      %add3A_283 = arith.addi %mul3A_229, %add3A_282 : i32
      %get3A_284 = arith.index_cast %add3A_283 : i32 to index
      %get3A_285 = tpu.vector_load %arg5[%get3A_284] {strides = array<i32>} : memref<32768xf32, #tpu.memory_space<vmem>>, vector<16xf32>,
      %get3A_286 = vector.shape_cast %get3A_285 : vector<16xf32> to vector<16xf32>
      %swap3A_287 = arith.index_cast %add3A_283 : i32 to index
      %swap3A_288 = tpu.vector_load %arg6[%swap3A_287] {strides = array<i32>} : memref<32768xf32, #tpu.memory_space<vmem>>, vector<16xf32>,
      %swap3A_289 = vector.shape_cast %swap3A_288 : vector<16xf32> to vector<16xf32>
      %swap3A_290 = vector.shape_cast %get3A_286 : vector<16xf32> to vector<16xf32>
      tpu.vector_store %arg6[%swap3A_287], %swap3A_290 {add = true, strides = array<i32>} : memref<32768xf32, #tpu.memory_space<vmem>>, vector<16xf32>,
      %add3A_291 = arith.constant 112 : i32
      %add3A_292 = arith.addi %mul3A_229, %add3A_291 : i32
      %get3A_293 = arith.index_cast %add3A_292 : i32 to index
      %get3A_294 = tpu.vector_load %arg5[%get3A_293] {strides = array<i32>} : memref<32768xf32, #tpu.memory_space<vmem>>, vector<16xf32>,
      %get3A_295 = vector.shape_cast %get3A_294 : vector<16xf32> to vector<16xf32>
      %swap3A_296 = arith.index_cast %add3A_292 : i32 to index
      %swap3A_297 = tpu.vector_load %arg6[%swap3A_296] {strides = array<i32>} : memref<32768xf32, #tpu.memory_space<vmem>>, vector<16xf32>,
      %swap3A_298 = vector.shape_cast %swap3A_297 : vector<16xf32> to vector<16xf32>
      %swap3A_299 = vector.shape_cast %get3A_295 : vector<16xf32> to vector<16xf32>
      tpu.vector_store %arg6[%swap3A_296], %swap3A_299 {add = true, strides = array<i32>} : memref<32768xf32, #tpu.memory_space<vmem>>, vector<16xf32>,
      %scan3A_300 = arith.constant 0 : i32
      scf.yield %scan3A_300 : i32
    }
    %scan3A_85 = arith.constant 256 : i32
    %mul3A_86 = arith.constant 1024 : i32
    %mul3A_87 = arith.muli %add3A_76, %mul3A_86 : i32
    "tpu.region"() ({
      %run_scoped3A = tpu.sem_alloc : memref<!tpu.dma_semaphore, #tpu.memory_space<semaphore_mem>>
      %dma_start3A = tpu.memref_slice %arg4[%mul3A_87] : memref<16777216xf32, #tpu.memory_space<hbm>> -> memref<32768xf32, #tpu.memory_space<hbm>>
      %dma_start3A_226 = tpu.memref_slice %arg4[%mul3A_87] : memref<16777216xf32, #tpu.memory_space<hbm>> -> memref<32768xf32, #tpu.memory_space<hbm>>
      tpu.enqueue_dma source(%arg6 : memref<32768xf32, #tpu.memory_space<vmem>>) target(%dma_start3A_226 : memref<32768xf32, #tpu.memory_space<hbm>>) target_semaphore(%run_scoped3A : memref<!tpu.dma_semaphore, #tpu.memory_space<semaphore_mem>>)
      %dma_wait3A = tpu.memref_slice %arg4[%mul3A_87] : memref<16777216xf32, #tpu.memory_space<hbm>> -> memref<32768xf32, #tpu.memory_space<hbm>>
      %dma_wait3A_227 = tpu.memref_slice %arg4[%mul3A_87] : memref<16777216xf32, #tpu.memory_space<hbm>> -> memref<32768xf32, #tpu.memory_space<hbm>>
      tpu.wait_dma2 semaphore(%run_scoped3A : memref<!tpu.dma_semaphore, #tpu.memory_space<semaphore_mem>>) src(%arg6 : memref<32768xf32, #tpu.memory_space<vmem>>) dst(%dma_wait3A_227 : memref<32768xf32, #tpu.memory_space<hbm>>)
      tpu.yield
    }) : () -> ()
    %add3A_88 = arith.constant 8192 : i32
    %add3A_89 = arith.addi %add3A_88, %add3A_59 : i32
    %mul3A_90 = arith.constant 1024 : i32
    %mul3A_91 = arith.muli %add3A_89, %mul3A_90 : i32
    "tpu.region"() ({
      %run_scoped3A = tpu.sem_alloc : memref<!tpu.dma_semaphore, #tpu.memory_space<semaphore_mem>>
      %dma_start3A = tpu.memref_slice %arg2[%mul3A_91] : memref<16777216xf32, #tpu.memory_space<hbm>> -> memref<32768xf32, #tpu.memory_space<hbm>>
      %dma_start3A_226 = tpu.memref_slice %arg2[%mul3A_91] : memref<16777216xf32, #tpu.memory_space<hbm>> -> memref<32768xf32, #tpu.memory_space<hbm>>
      tpu.enqueue_dma source(%dma_start3A_226 : memref<32768xf32, #tpu.memory_space<hbm>>) target(%arg6 : memref<32768xf32, #tpu.memory_space<vmem>>) target_semaphore(%run_scoped3A : memref<!tpu.dma_semaphore, #tpu.memory_space<semaphore_mem>>)
      %dma_wait3A = tpu.memref_slice %arg2[%mul3A_91] : memref<16777216xf32, #tpu.memory_space<hbm>> -> memref<32768xf32, #tpu.memory_space<hbm>>
      %dma_wait3A_227 = tpu.memref_slice %arg2[%mul3A_91] : memref<16777216xf32, #tpu.memory_space<hbm>> -> memref<32768xf32, #tpu.memory_space<hbm>>
      tpu.wait_dma2 semaphore(%run_scoped3A : memref<!tpu.dma_semaphore, #tpu.memory_space<semaphore_mem>>) src(%dma_wait3A_227 : memref<32768xf32, #tpu.memory_space<hbm>>) dst(%arg6 : memref<32768xf32, #tpu.memory_space<vmem>>)
      tpu.yield
    }) : () -> ()
    %scan3A_92 = arith.constant 0 : i32
    %scan3A_93 = arith.constant 0 : i32
    %scan3A_94 = arith.constant 256 : i32
    %scan3A_95 = arith.addi %scan3A_93, %scan3A_94 : i32
    %scan3A_96 = arith.constant 1 : i32
    %scan3A_97 = scf.for %scan3A_226 = %scan3A_93 to %scan3A_95 step %scan3A_96 iter_args(%scan3A_227 = %scan3A_92) -> (i32)  : i32 {
      %mul3A_228 = arith.constant 128 : i32
      %mul3A_229 = arith.muli %scan3A_226, %mul3A_228 : i32
      %add3A_230 = arith.constant 0 : i32
      %add3A_231 = arith.addi %mul3A_229, %add3A_230 : i32
      %get3A = arith.index_cast %add3A_231 : i32 to index
      %get3A_232 = tpu.vector_load %arg5[%get3A] {strides = array<i32>} : memref<32768xf32, #tpu.memory_space<vmem>>, vector<16xf32>,
      %get3A_233 = vector.shape_cast %get3A_232 : vector<16xf32> to vector<16xf32>
      %swap3A = arith.index_cast %add3A_231 : i32 to index
      %swap3A_234 = tpu.vector_load %arg6[%swap3A] {strides = array<i32>} : memref<32768xf32, #tpu.memory_space<vmem>>, vector<16xf32>,
      %swap3A_235 = vector.shape_cast %swap3A_234 : vector<16xf32> to vector<16xf32>
      %swap3A_236 = vector.shape_cast %get3A_233 : vector<16xf32> to vector<16xf32>
      tpu.vector_store %arg6[%swap3A], %swap3A_236 {add = true, strides = array<i32>} : memref<32768xf32, #tpu.memory_space<vmem>>, vector<16xf32>,
      %add3A_237 = arith.constant 16 : i32
      %add3A_238 = arith.addi %mul3A_229, %add3A_237 : i32
      %get3A_239 = arith.index_cast %add3A_238 : i32 to index
      %get3A_240 = tpu.vector_load %arg5[%get3A_239] {strides = array<i32>} : memref<32768xf32, #tpu.memory_space<vmem>>, vector<16xf32>,
      %get3A_241 = vector.shape_cast %get3A_240 : vector<16xf32> to vector<16xf32>
      %swap3A_242 = arith.index_cast %add3A_238 : i32 to index
      %swap3A_243 = tpu.vector_load %arg6[%swap3A_242] {strides = array<i32>} : memref<32768xf32, #tpu.memory_space<vmem>>, vector<16xf32>,
      %swap3A_244 = vector.shape_cast %swap3A_243 : vector<16xf32> to vector<16xf32>
      %swap3A_245 = vector.shape_cast %get3A_241 : vector<16xf32> to vector<16xf32>
      tpu.vector_store %arg6[%swap3A_242], %swap3A_245 {add = true, strides = array<i32>} : memref<32768xf32, #tpu.memory_space<vmem>>, vector<16xf32>,
      %add3A_246 = arith.constant 32 : i32
      %add3A_247 = arith.addi %mul3A_229, %add3A_246 : i32
      %get3A_248 = arith.index_cast %add3A_247 : i32 to index
      %get3A_249 = tpu.vector_load %arg5[%get3A_248] {strides = array<i32>} : memref<32768xf32, #tpu.memory_space<vmem>>, vector<16xf32>,
      %get3A_250 = vector.shape_cast %get3A_249 : vector<16xf32> to vector<16xf32>
      %swap3A_251 = arith.index_cast %add3A_247 : i32 to index
      %swap3A_252 = tpu.vector_load %arg6[%swap3A_251] {strides = array<i32>} : memref<32768xf32, #tpu.memory_space<vmem>>, vector<16xf32>,
      %swap3A_253 = vector.shape_cast %swap3A_252 : vector<16xf32> to vector<16xf32>
      %swap3A_254 = vector.shape_cast %get3A_250 : vector<16xf32> to vector<16xf32>
      tpu.vector_store %arg6[%swap3A_251], %swap3A_254 {add = true, strides = array<i32>} : memref<32768xf32, #tpu.memory_space<vmem>>, vector<16xf32>,
      %add3A_255 = arith.constant 48 : i32
      %add3A_256 = arith.addi %mul3A_229, %add3A_255 : i32
      %get3A_257 = arith.index_cast %add3A_256 : i32 to index
      %get3A_258 = tpu.vector_load %arg5[%get3A_257] {strides = array<i32>} : memref<32768xf32, #tpu.memory_space<vmem>>, vector<16xf32>,
      %get3A_259 = vector.shape_cast %get3A_258 : vector<16xf32> to vector<16xf32>
      %swap3A_260 = arith.index_cast %add3A_256 : i32 to index
      %swap3A_261 = tpu.vector_load %arg6[%swap3A_260] {strides = array<i32>} : memref<32768xf32, #tpu.memory_space<vmem>>, vector<16xf32>,
      %swap3A_262 = vector.shape_cast %swap3A_261 : vector<16xf32> to vector<16xf32>
      %swap3A_263 = vector.shape_cast %get3A_259 : vector<16xf32> to vector<16xf32>
      tpu.vector_store %arg6[%swap3A_260], %swap3A_263 {add = true, strides = array<i32>} : memref<32768xf32, #tpu.memory_space<vmem>>, vector<16xf32>,
      %add3A_264 = arith.constant 64 : i32
      %add3A_265 = arith.addi %mul3A_229, %add3A_264 : i32
      %get3A_266 = arith.index_cast %add3A_265 : i32 to index
      %get3A_267 = tpu.vector_load %arg5[%get3A_266] {strides = array<i32>} : memref<32768xf32, #tpu.memory_space<vmem>>, vector<16xf32>,
      %get3A_268 = vector.shape_cast %get3A_267 : vector<16xf32> to vector<16xf32>
      %swap3A_269 = arith.index_cast %add3A_265 : i32 to index
      %swap3A_270 = tpu.vector_load %arg6[%swap3A_269] {strides = array<i32>} : memref<32768xf32, #tpu.memory_space<vmem>>, vector<16xf32>,
      %swap3A_271 = vector.shape_cast %swap3A_270 : vector<16xf32> to vector<16xf32>
      %swap3A_272 = vector.shape_cast %get3A_268 : vector<16xf32> to vector<16xf32>
      tpu.vector_store %arg6[%swap3A_269], %swap3A_272 {add = true, strides = array<i32>} : memref<32768xf32, #tpu.memory_space<vmem>>, vector<16xf32>,
      %add3A_273 = arith.constant 80 : i32
      %add3A_274 = arith.addi %mul3A_229, %add3A_273 : i32
      %get3A_275 = arith.index_cast %add3A_274 : i32 to index
      %get3A_276 = tpu.vector_load %arg5[%get3A_275] {strides = array<i32>} : memref<32768xf32, #tpu.memory_space<vmem>>, vector<16xf32>,
      %get3A_277 = vector.shape_cast %get3A_276 : vector<16xf32> to vector<16xf32>
      %swap3A_278 = arith.index_cast %add3A_274 : i32 to index
      %swap3A_279 = tpu.vector_load %arg6[%swap3A_278] {strides = array<i32>} : memref<32768xf32, #tpu.memory_space<vmem>>, vector<16xf32>,
      %swap3A_280 = vector.shape_cast %swap3A_279 : vector<16xf32> to vector<16xf32>
      %swap3A_281 = vector.shape_cast %get3A_277 : vector<16xf32> to vector<16xf32>
      tpu.vector_store %arg6[%swap3A_278], %swap3A_281 {add = true, strides = array<i32>} : memref<32768xf32, #tpu.memory_space<vmem>>, vector<16xf32>,
      %add3A_282 = arith.constant 96 : i32
      %add3A_283 = arith.addi %mul3A_229, %add3A_282 : i32
      %get3A_284 = arith.index_cast %add3A_283 : i32 to index
      %get3A_285 = tpu.vector_load %arg5[%get3A_284] {strides = array<i32>} : memref<32768xf32, #tpu.memory_space<vmem>>, vector<16xf32>,
      %get3A_286 = vector.shape_cast %get3A_285 : vector<16xf32> to vector<16xf32>
      %swap3A_287 = arith.index_cast %add3A_283 : i32 to index
      %swap3A_288 = tpu.vector_load %arg6[%swap3A_287] {strides = array<i32>} : memref<32768xf32, #tpu.memory_space<vmem>>, vector<16xf32>,
      %swap3A_289 = vector.shape_cast %swap3A_288 : vector<16xf32> to vector<16xf32>
      %swap3A_290 = vector.shape_cast %get3A_286 : vector<16xf32> to vector<16xf32>
      tpu.vector_store %arg6[%swap3A_287], %swap3A_290 {add = true, strides = array<i32>} : memref<32768xf32, #tpu.memory_space<vmem>>, vector<16xf32>,
      %add3A_291 = arith.constant 112 : i32
      %add3A_292 = arith.addi %mul3A_229, %add3A_291 : i32
      %get3A_293 = arith.index_cast %add3A_292 : i32 to index
      %get3A_294 = tpu.vector_load %arg5[%get3A_293] {strides = array<i32>} : memref<32768xf32, #tpu.memory_space<vmem>>, vector<16xf32>,
      %get3A_295 = vector.shape_cast %get3A_294 : vector<16xf32> to vector<16xf32>
      %swap3A_296 = arith.index_cast %add3A_292 : i32 to index
      %swap3A_297 = tpu.vector_load %arg6[%swap3A_296] {strides = array<i32>} : memref<32768xf32, #tpu.memory_space<vmem>>, vector<16xf32>,
      %swap3A_298 = vector.shape_cast %swap3A_297 : vector<16xf32> to vector<16xf32>
      %swap3A_299 = vector.shape_cast %get3A_295 : vector<16xf32> to vector<16xf32>
      tpu.vector_store %arg6[%swap3A_296], %swap3A_299 {add = true, strides = array<i32>} : memref<32768xf32, #tpu.memory_space<vmem>>, vector<16xf32>,
      %scan3A_300 = arith.constant 0 : i32
      scf.yield %scan3A_300 : i32
    }
    %scan3A_98 = arith.constant 256 : i32
    %mul3A_99 = arith.constant 1024 : i32
    %mul3A_100 = arith.muli %add3A_89, %mul3A_99 : i32
    "tpu.region"() ({
      %run_scoped3A = tpu.sem_alloc : memref<!tpu.dma_semaphore, #tpu.memory_space<semaphore_mem>>
      %dma_start3A = tpu.memref_slice %arg4[%mul3A_100] : memref<16777216xf32, #tpu.memory_space<hbm>> -> memref<32768xf32, #tpu.memory_space<hbm>>
      %dma_start3A_226 = tpu.memref_slice %arg4[%mul3A_100] : memref<16777216xf32, #tpu.memory_space<hbm>> -> memref<32768xf32, #tpu.memory_space<hbm>>
      tpu.enqueue_dma source(%arg6 : memref<32768xf32, #tpu.memory_space<vmem>>) target(%dma_start3A_226 : memref<32768xf32, #tpu.memory_space<hbm>>) target_semaphore(%run_scoped3A : memref<!tpu.dma_semaphore, #tpu.memory_space<semaphore_mem>>)
      %dma_wait3A = tpu.memref_slice %arg4[%mul3A_100] : memref<16777216xf32, #tpu.memory_space<hbm>> -> memref<32768xf32, #tpu.memory_space<hbm>>
      %dma_wait3A_227 = tpu.memref_slice %arg4[%mul3A_100] : memref<16777216xf32, #tpu.memory_space<hbm>> -> memref<32768xf32, #tpu.memory_space<hbm>>
      tpu.wait_dma2 semaphore(%run_scoped3A : memref<!tpu.dma_semaphore, #tpu.memory_space<semaphore_mem>>) src(%arg6 : memref<32768xf32, #tpu.memory_space<vmem>>) dst(%dma_wait3A_227 : memref<32768xf32, #tpu.memory_space<hbm>>)
      tpu.yield
    }) : () -> ()
    %add3A_101 = arith.constant 12288 : i32
    %add3A_102 = arith.addi %add3A_101, %add3A_59 : i32
    %mul3A_103 = arith.constant 1024 : i32
    %mul3A_104 = arith.muli %add3A_102, %mul3A_103 : i32
    "tpu.region"() ({
      %run_scoped3A = tpu.sem_alloc : memref<!tpu.dma_semaphore, #tpu.memory_space<semaphore_mem>>
      %dma_start3A = tpu.memref_slice %arg2[%mul3A_104] : memref<16777216xf32, #tpu.memory_space<hbm>> -> memref<32768xf32, #tpu.memory_space<hbm>>
      %dma_start3A_226 = tpu.memref_slice %arg2[%mul3A_104] : memref<16777216xf32, #tpu.memory_space<hbm>> -> memref<32768xf32, #tpu.memory_space<hbm>>
      tpu.enqueue_dma source(%dma_start3A_226 : memref<32768xf32, #tpu.memory_space<hbm>>) target(%arg6 : memref<32768xf32, #tpu.memory_space<vmem>>) target_semaphore(%run_scoped3A : memref<!tpu.dma_semaphore, #tpu.memory_space<semaphore_mem>>)
      %dma_wait3A = tpu.memref_slice %arg2[%mul3A_104] : memref<16777216xf32, #tpu.memory_space<hbm>> -> memref<32768xf32, #tpu.memory_space<hbm>>
      %dma_wait3A_227 = tpu.memref_slice %arg2[%mul3A_104] : memref<16777216xf32, #tpu.memory_space<hbm>> -> memref<32768xf32, #tpu.memory_space<hbm>>
      tpu.wait_dma2 semaphore(%run_scoped3A : memref<!tpu.dma_semaphore, #tpu.memory_space<semaphore_mem>>) src(%dma_wait3A_227 : memref<32768xf32, #tpu.memory_space<hbm>>) dst(%arg6 : memref<32768xf32, #tpu.memory_space<vmem>>)
      tpu.yield
    }) : () -> ()
    %scan3A_105 = arith.constant 0 : i32
    %scan3A_106 = arith.constant 0 : i32
    %scan3A_107 = arith.constant 256 : i32
    %scan3A_108 = arith.addi %scan3A_106, %scan3A_107 : i32
    %scan3A_109 = arith.constant 1 : i32
    %scan3A_110 = scf.for %scan3A_226 = %scan3A_106 to %scan3A_108 step %scan3A_109 iter_args(%scan3A_227 = %scan3A_105) -> (i32)  : i32 {
      %mul3A_228 = arith.constant 128 : i32
      %mul3A_229 = arith.muli %scan3A_226, %mul3A_228 : i32
      %add3A_230 = arith.constant 0 : i32
      %add3A_231 = arith.addi %mul3A_229, %add3A_230 : i32
      %get3A = arith.index_cast %add3A_231 : i32 to index
      %get3A_232 = tpu.vector_load %arg5[%get3A] {strides = array<i32>} : memref<32768xf32, #tpu.memory_space<vmem>>, vector<16xf32>,
      %get3A_233 = vector.shape_cast %get3A_232 : vector<16xf32> to vector<16xf32>
      %swap3A = arith.index_cast %add3A_231 : i32 to index
      %swap3A_234 = tpu.vector_load %arg6[%swap3A] {strides = array<i32>} : memref<32768xf32, #tpu.memory_space<vmem>>, vector<16xf32>,
      %swap3A_235 = vector.shape_cast %swap3A_234 : vector<16xf32> to vector<16xf32>
      %swap3A_236 = vector.shape_cast %get3A_233 : vector<16xf32> to vector<16xf32>
      tpu.vector_store %arg6[%swap3A], %swap3A_236 {add = true, strides = array<i32>} : memref<32768xf32, #tpu.memory_space<vmem>>, vector<16xf32>,
      %add3A_237 = arith.constant 16 : i32
      %add3A_238 = arith.addi %mul3A_229, %add3A_237 : i32
      %get3A_239 = arith.index_cast %add3A_238 : i32 to index
      %get3A_240 = tpu.vector_load %arg5[%get3A_239] {strides = array<i32>} : memref<32768xf32, #tpu.memory_space<vmem>>, vector<16xf32>,
      %get3A_241 = vector.shape_cast %get3A_240 : vector<16xf32> to vector<16xf32>
      %swap3A_242 = arith.index_cast %add3A_238 : i32 to index
      %swap3A_243 = tpu.vector_load %arg6[%swap3A_242] {strides = array<i32>} : memref<32768xf32, #tpu.memory_space<vmem>>, vector<16xf32>,
      %swap3A_244 = vector.shape_cast %swap3A_243 : vector<16xf32> to vector<16xf32>
      %swap3A_245 = vector.shape_cast %get3A_241 : vector<16xf32> to vector<16xf32>
      tpu.vector_store %arg6[%swap3A_242], %swap3A_245 {add = true, strides = array<i32>} : memref<32768xf32, #tpu.memory_space<vmem>>, vector<16xf32>,
      %add3A_246 = arith.constant 32 : i32
      %add3A_247 = arith.addi %mul3A_229, %add3A_246 : i32
      %get3A_248 = arith.index_cast %add3A_247 : i32 to index
      %get3A_249 = tpu.vector_load %arg5[%get3A_248] {strides = array<i32>} : memref<32768xf32, #tpu.memory_space<vmem>>, vector<16xf32>,
      %get3A_250 = vector.shape_cast %get3A_249 : vector<16xf32> to vector<16xf32>
      %swap3A_251 = arith.index_cast %add3A_247 : i32 to index
      %swap3A_252 = tpu.vector_load %arg6[%swap3A_251] {strides = array<i32>} : memref<32768xf32, #tpu.memory_space<vmem>>, vector<16xf32>,
      %swap3A_253 = vector.shape_cast %swap3A_252 : vector<16xf32> to vector<16xf32>
      %swap3A_254 = vector.shape_cast %get3A_250 : vector<16xf32> to vector<16xf32>
      tpu.vector_store %arg6[%swap3A_251], %swap3A_254 {add = true, strides = array<i32>} : memref<32768xf32, #tpu.memory_space<vmem>>, vector<16xf32>,
      %add3A_255 = arith.constant 48 : i32
      %add3A_256 = arith.addi %mul3A_229, %add3A_255 : i32
      %get3A_257 = arith.index_cast %add3A_256 : i32 to index
      %get3A_258 = tpu.vector_load %arg5[%get3A_257] {strides = array<i32>} : memref<32768xf32, #tpu.memory_space<vmem>>, vector<16xf32>,
      %get3A_259 = vector.shape_cast %get3A_258 : vector<16xf32> to vector<16xf32>
      %swap3A_260 = arith.index_cast %add3A_256 : i32 to index
      %swap3A_261 = tpu.vector_load %arg6[%swap3A_260] {strides = array<i32>} : memref<32768xf32, #tpu.memory_space<vmem>>, vector<16xf32>,
      %swap3A_262 = vector.shape_cast %swap3A_261 : vector<16xf32> to vector<16xf32>
      %swap3A_263 = vector.shape_cast %get3A_259 : vector<16xf32> to vector<16xf32>
      tpu.vector_store %arg6[%swap3A_260], %swap3A_263 {add = true, strides = array<i32>} : memref<32768xf32, #tpu.memory_space<vmem>>, vector<16xf32>,
      %add3A_264 = arith.constant 64 : i32
      %add3A_265 = arith.addi %mul3A_229, %add3A_264 : i32
      %get3A_266 = arith.index_cast %add3A_265 : i32 to index
      %get3A_267 = tpu.vector_load %arg5[%get3A_266] {strides = array<i32>} : memref<32768xf32, #tpu.memory_space<vmem>>, vector<16xf32>,
      %get3A_268 = vector.shape_cast %get3A_267 : vector<16xf32> to vector<16xf32>
      %swap3A_269 = arith.index_cast %add3A_265 : i32 to index
      %swap3A_270 = tpu.vector_load %arg6[%swap3A_269] {strides = array<i32>} : memref<32768xf32, #tpu.memory_space<vmem>>, vector<16xf32>,
      %swap3A_271 = vector.shape_cast %swap3A_270 : vector<16xf32> to vector<16xf32>
      %swap3A_272 = vector.shape_cast %get3A_268 : vector<16xf32> to vector<16xf32>
      tpu.vector_store %arg6[%swap3A_269], %swap3A_272 {add = true, strides = array<i32>} : memref<32768xf32, #tpu.memory_space<vmem>>, vector<16xf32>,
      %add3A_273 = arith.constant 80 : i32
      %add3A_274 = arith.addi %mul3A_229, %add3A_273 : i32
      %get3A_275 = arith.index_cast %add3A_274 : i32 to index
      %get3A_276 = tpu.vector_load %arg5[%get3A_275] {strides = array<i32>} : memref<32768xf32, #tpu.memory_space<vmem>>, vector<16xf32>,
      %get3A_277 = vector.shape_cast %get3A_276 : vector<16xf32> to vector<16xf32>
      %swap3A_278 = arith.index_cast %add3A_274 : i32 to index
      %swap3A_279 = tpu.vector_load %arg6[%swap3A_278] {strides = array<i32>} : memref<32768xf32, #tpu.memory_space<vmem>>, vector<16xf32>,
      %swap3A_280 = vector.shape_cast %swap3A_279 : vector<16xf32> to vector<16xf32>
      %swap3A_281 = vector.shape_cast %get3A_277 : vector<16xf32> to vector<16xf32>
      tpu.vector_store %arg6[%swap3A_278], %swap3A_281 {add = true, strides = array<i32>} : memref<32768xf32, #tpu.memory_space<vmem>>, vector<16xf32>,
      %add3A_282 = arith.constant 96 : i32
      %add3A_283 = arith.addi %mul3A_229, %add3A_282 : i32
      %get3A_284 = arith.index_cast %add3A_283 : i32 to index
      %get3A_285 = tpu.vector_load %arg5[%get3A_284] {strides = array<i32>} : memref<32768xf32, #tpu.memory_space<vmem>>, vector<16xf32>,
      %get3A_286 = vector.shape_cast %get3A_285 : vector<16xf32> to vector<16xf32>
      %swap3A_287 = arith.index_cast %add3A_283 : i32 to index
      %swap3A_288 = tpu.vector_load %arg6[%swap3A_287] {strides = array<i32>} : memref<32768xf32, #tpu.memory_space<vmem>>, vector<16xf32>,
      %swap3A_289 = vector.shape_cast %swap3A_288 : vector<16xf32> to vector<16xf32>
      %swap3A_290 = vector.shape_cast %get3A_286 : vector<16xf32> to vector<16xf32>
      tpu.vector_store %arg6[%swap3A_287], %swap3A_290 {add = true, strides = array<i32>} : memref<32768xf32, #tpu.memory_space<vmem>>, vector<16xf32>,
      %add3A_291 = arith.constant 112 : i32
      %add3A_292 = arith.addi %mul3A_229, %add3A_291 : i32
      %get3A_293 = arith.index_cast %add3A_292 : i32 to index
      %get3A_294 = tpu.vector_load %arg5[%get3A_293] {strides = array<i32>} : memref<32768xf32, #tpu.memory_space<vmem>>, vector<16xf32>,
      %get3A_295 = vector.shape_cast %get3A_294 : vector<16xf32> to vector<16xf32>
      %swap3A_296 = arith.index_cast %add3A_292 : i32 to index
      %swap3A_297 = tpu.vector_load %arg6[%swap3A_296] {strides = array<i32>} : memref<32768xf32, #tpu.memory_space<vmem>>, vector<16xf32>,
      %swap3A_298 = vector.shape_cast %swap3A_297 : vector<16xf32> to vector<16xf32>
      %swap3A_299 = vector.shape_cast %get3A_295 : vector<16xf32> to vector<16xf32>
      tpu.vector_store %arg6[%swap3A_296], %swap3A_299 {add = true, strides = array<i32>} : memref<32768xf32, #tpu.memory_space<vmem>>, vector<16xf32>,
      %scan3A_300 = arith.constant 0 : i32
      scf.yield %scan3A_300 : i32
    }
    %scan3A_111 = arith.constant 256 : i32
    %mul3A_112 = arith.constant 1024 : i32
    %mul3A_113 = arith.muli %add3A_102, %mul3A_112 : i32
    "tpu.region"() ({
      %run_scoped3A = tpu.sem_alloc : memref<!tpu.dma_semaphore, #tpu.memory_space<semaphore_mem>>
      %dma_start3A = tpu.memref_slice %arg4[%mul3A_113] : memref<16777216xf32, #tpu.memory_space<hbm>> -> memref<32768xf32, #tpu.memory_space<hbm>>
      %dma_start3A_226 = tpu.memref_slice %arg4[%mul3A_113] : memref<16777216xf32, #tpu.memory_space<hbm>> -> memref<32768xf32, #tpu.memory_space<hbm>>
      tpu.enqueue_dma source(%arg6 : memref<32768xf32, #tpu.memory_space<vmem>>) target(%dma_start3A_226 : memref<32768xf32, #tpu.memory_space<hbm>>) target_semaphore(%run_scoped3A : memref<!tpu.dma_semaphore, #tpu.memory_space<semaphore_mem>>)
      %dma_wait3A = tpu.memref_slice %arg4[%mul3A_113] : memref<16777216xf32, #tpu.memory_space<hbm>> -> memref<32768xf32, #tpu.memory_space<hbm>>
      %dma_wait3A_227 = tpu.memref_slice %arg4[%mul3A_113] : memref<16777216xf32, #tpu.memory_space<hbm>> -> memref<32768xf32, #tpu.memory_space<hbm>>
      tpu.wait_dma2 semaphore(%run_scoped3A : memref<!tpu.dma_semaphore, #tpu.memory_space<semaphore_mem>>) src(%arg6 : memref<32768xf32, #tpu.memory_space<vmem>>) dst(%dma_wait3A_227 : memref<32768xf32, #tpu.memory_space<hbm>>)
      tpu.yield
    }) : () -> ()
    %add3A_114 = arith.constant 64 : i32
    %add3A_115 = arith.addi %mul3A_2, %add3A_114 : i32
    %mul3A_116 = arith.constant 1024 : i32
    %mul3A_117 = arith.muli %add3A_115, %mul3A_116 : i32
    "tpu.region"() ({
      %run_scoped3A = tpu.sem_alloc : memref<!tpu.dma_semaphore, #tpu.memory_space<semaphore_mem>>
      %dma_start3A = tpu.memref_slice %arg3[%mul3A_117] : memref<8388608xf32, #tpu.memory_space<hbm>> -> memref<32768xf32, #tpu.memory_space<hbm>>
      %dma_start3A_226 = tpu.memref_slice %arg3[%mul3A_117] : memref<8388608xf32, #tpu.memory_space<hbm>> -> memref<32768xf32, #tpu.memory_space<hbm>>
      tpu.enqueue_dma source(%dma_start3A_226 : memref<32768xf32, #tpu.memory_space<hbm>>) target(%arg5 : memref<32768xf32, #tpu.memory_space<vmem>>) target_semaphore(%run_scoped3A : memref<!tpu.dma_semaphore, #tpu.memory_space<semaphore_mem>>)
      %dma_wait3A = tpu.memref_slice %arg3[%mul3A_117] : memref<8388608xf32, #tpu.memory_space<hbm>> -> memref<32768xf32, #tpu.memory_space<hbm>>
      %dma_wait3A_227 = tpu.memref_slice %arg3[%mul3A_117] : memref<8388608xf32, #tpu.memory_space<hbm>> -> memref<32768xf32, #tpu.memory_space<hbm>>
      tpu.wait_dma2 semaphore(%run_scoped3A : memref<!tpu.dma_semaphore, #tpu.memory_space<semaphore_mem>>) src(%dma_wait3A_227 : memref<32768xf32, #tpu.memory_space<hbm>>) dst(%arg5 : memref<32768xf32, #tpu.memory_space<vmem>>)
      tpu.yield
    }) : () -> ()
    %add3A_118 = arith.constant 0 : i32
    %add3A_119 = arith.addi %add3A_118, %add3A_115 : i32
    %mul3A_120 = arith.constant 1024 : i32
    %mul3A_121 = arith.muli %add3A_119, %mul3A_120 : i32
    "tpu.region"() ({
      %run_scoped3A = tpu.sem_alloc : memref<!tpu.dma_semaphore, #tpu.memory_space<semaphore_mem>>
      %dma_start3A = tpu.memref_slice %arg2[%mul3A_121] : memref<16777216xf32, #tpu.memory_space<hbm>> -> memref<32768xf32, #tpu.memory_space<hbm>>
      %dma_start3A_226 = tpu.memref_slice %arg2[%mul3A_121] : memref<16777216xf32, #tpu.memory_space<hbm>> -> memref<32768xf32, #tpu.memory_space<hbm>>
      tpu.enqueue_dma source(%dma_start3A_226 : memref<32768xf32, #tpu.memory_space<hbm>>) target(%arg6 : memref<32768xf32, #tpu.memory_space<vmem>>) target_semaphore(%run_scoped3A : memref<!tpu.dma_semaphore, #tpu.memory_space<semaphore_mem>>)
      %dma_wait3A = tpu.memref_slice %arg2[%mul3A_121] : memref<16777216xf32, #tpu.memory_space<hbm>> -> memref<32768xf32, #tpu.memory_space<hbm>>
      %dma_wait3A_227 = tpu.memref_slice %arg2[%mul3A_121] : memref<16777216xf32, #tpu.memory_space<hbm>> -> memref<32768xf32, #tpu.memory_space<hbm>>
      tpu.wait_dma2 semaphore(%run_scoped3A : memref<!tpu.dma_semaphore, #tpu.memory_space<semaphore_mem>>) src(%dma_wait3A_227 : memref<32768xf32, #tpu.memory_space<hbm>>) dst(%arg6 : memref<32768xf32, #tpu.memory_space<vmem>>)
      tpu.yield
    }) : () -> ()
    %scan3A_122 = arith.constant 0 : i32
    %scan3A_123 = arith.constant 0 : i32
    %scan3A_124 = arith.constant 256 : i32
    %scan3A_125 = arith.addi %scan3A_123, %scan3A_124 : i32
    %scan3A_126 = arith.constant 1 : i32
    %scan3A_127 = scf.for %scan3A_226 = %scan3A_123 to %scan3A_125 step %scan3A_126 iter_args(%scan3A_227 = %scan3A_122) -> (i32)  : i32 {
      %mul3A_228 = arith.constant 128 : i32
      %mul3A_229 = arith.muli %scan3A_226, %mul3A_228 : i32
      %add3A_230 = arith.constant 0 : i32
      %add3A_231 = arith.addi %mul3A_229, %add3A_230 : i32
      %get3A = arith.index_cast %add3A_231 : i32 to index
      %get3A_232 = tpu.vector_load %arg5[%get3A] {strides = array<i32>} : memref<32768xf32, #tpu.memory_space<vmem>>, vector<16xf32>,
      %get3A_233 = vector.shape_cast %get3A_232 : vector<16xf32> to vector<16xf32>
      %swap3A = arith.index_cast %add3A_231 : i32 to index
      %swap3A_234 = tpu.vector_load %arg6[%swap3A] {strides = array<i32>} : memref<32768xf32, #tpu.memory_space<vmem>>, vector<16xf32>,
      %swap3A_235 = vector.shape_cast %swap3A_234 : vector<16xf32> to vector<16xf32>
      %swap3A_236 = vector.shape_cast %get3A_233 : vector<16xf32> to vector<16xf32>
      tpu.vector_store %arg6[%swap3A], %swap3A_236 {add = true, strides = array<i32>} : memref<32768xf32, #tpu.memory_space<vmem>>, vector<16xf32>,
      %add3A_237 = arith.constant 16 : i32
      %add3A_238 = arith.addi %mul3A_229, %add3A_237 : i32
      %get3A_239 = arith.index_cast %add3A_238 : i32 to index
      %get3A_240 = tpu.vector_load %arg5[%get3A_239] {strides = array<i32>} : memref<32768xf32, #tpu.memory_space<vmem>>, vector<16xf32>,
      %get3A_241 = vector.shape_cast %get3A_240 : vector<16xf32> to vector<16xf32>
      %swap3A_242 = arith.index_cast %add3A_238 : i32 to index
      %swap3A_243 = tpu.vector_load %arg6[%swap3A_242] {strides = array<i32>} : memref<32768xf32, #tpu.memory_space<vmem>>, vector<16xf32>,
      %swap3A_244 = vector.shape_cast %swap3A_243 : vector<16xf32> to vector<16xf32>
      %swap3A_245 = vector.shape_cast %get3A_241 : vector<16xf32> to vector<16xf32>
      tpu.vector_store %arg6[%swap3A_242], %swap3A_245 {add = true, strides = array<i32>} : memref<32768xf32, #tpu.memory_space<vmem>>, vector<16xf32>,
      %add3A_246 = arith.constant 32 : i32
      %add3A_247 = arith.addi %mul3A_229, %add3A_246 : i32
      %get3A_248 = arith.index_cast %add3A_247 : i32 to index
      %get3A_249 = tpu.vector_load %arg5[%get3A_248] {strides = array<i32>} : memref<32768xf32, #tpu.memory_space<vmem>>, vector<16xf32>,
      %get3A_250 = vector.shape_cast %get3A_249 : vector<16xf32> to vector<16xf32>
      %swap3A_251 = arith.index_cast %add3A_247 : i32 to index
      %swap3A_252 = tpu.vector_load %arg6[%swap3A_251] {strides = array<i32>} : memref<32768xf32, #tpu.memory_space<vmem>>, vector<16xf32>,
      %swap3A_253 = vector.shape_cast %swap3A_252 : vector<16xf32> to vector<16xf32>
      %swap3A_254 = vector.shape_cast %get3A_250 : vector<16xf32> to vector<16xf32>
      tpu.vector_store %arg6[%swap3A_251], %swap3A_254 {add = true, strides = array<i32>} : memref<32768xf32, #tpu.memory_space<vmem>>, vector<16xf32>,
      %add3A_255 = arith.constant 48 : i32
      %add3A_256 = arith.addi %mul3A_229, %add3A_255 : i32
      %get3A_257 = arith.index_cast %add3A_256 : i32 to index
      %get3A_258 = tpu.vector_load %arg5[%get3A_257] {strides = array<i32>} : memref<32768xf32, #tpu.memory_space<vmem>>, vector<16xf32>,
      %get3A_259 = vector.shape_cast %get3A_258 : vector<16xf32> to vector<16xf32>
      %swap3A_260 = arith.index_cast %add3A_256 : i32 to index
      %swap3A_261 = tpu.vector_load %arg6[%swap3A_260] {strides = array<i32>} : memref<32768xf32, #tpu.memory_space<vmem>>, vector<16xf32>,
      %swap3A_262 = vector.shape_cast %swap3A_261 : vector<16xf32> to vector<16xf32>
      %swap3A_263 = vector.shape_cast %get3A_259 : vector<16xf32> to vector<16xf32>
      tpu.vector_store %arg6[%swap3A_260], %swap3A_263 {add = true, strides = array<i32>} : memref<32768xf32, #tpu.memory_space<vmem>>, vector<16xf32>,
      %add3A_264 = arith.constant 64 : i32
      %add3A_265 = arith.addi %mul3A_229, %add3A_264 : i32
      %get3A_266 = arith.index_cast %add3A_265 : i32 to index
      %get3A_267 = tpu.vector_load %arg5[%get3A_266] {strides = array<i32>} : memref<32768xf32, #tpu.memory_space<vmem>>, vector<16xf32>,
      %get3A_268 = vector.shape_cast %get3A_267 : vector<16xf32> to vector<16xf32>
      %swap3A_269 = arith.index_cast %add3A_265 : i32 to index
      %swap3A_270 = tpu.vector_load %arg6[%swap3A_269] {strides = array<i32>} : memref<32768xf32, #tpu.memory_space<vmem>>, vector<16xf32>,
      %swap3A_271 = vector.shape_cast %swap3A_270 : vector<16xf32> to vector<16xf32>
      %swap3A_272 = vector.shape_cast %get3A_268 : vector<16xf32> to vector<16xf32>
      tpu.vector_store %arg6[%swap3A_269], %swap3A_272 {add = true, strides = array<i32>} : memref<32768xf32, #tpu.memory_space<vmem>>, vector<16xf32>,
      %add3A_273 = arith.constant 80 : i32
      %add3A_274 = arith.addi %mul3A_229, %add3A_273 : i32
      %get3A_275 = arith.index_cast %add3A_274 : i32 to index
      %get3A_276 = tpu.vector_load %arg5[%get3A_275] {strides = array<i32>} : memref<32768xf32, #tpu.memory_space<vmem>>, vector<16xf32>,
      %get3A_277 = vector.shape_cast %get3A_276 : vector<16xf32> to vector<16xf32>
      %swap3A_278 = arith.index_cast %add3A_274 : i32 to index
      %swap3A_279 = tpu.vector_load %arg6[%swap3A_278] {strides = array<i32>} : memref<32768xf32, #tpu.memory_space<vmem>>, vector<16xf32>,
      %swap3A_280 = vector.shape_cast %swap3A_279 : vector<16xf32> to vector<16xf32>
      %swap3A_281 = vector.shape_cast %get3A_277 : vector<16xf32> to vector<16xf32>
      tpu.vector_store %arg6[%swap3A_278], %swap3A_281 {add = true, strides = array<i32>} : memref<32768xf32, #tpu.memory_space<vmem>>, vector<16xf32>,
      %add3A_282 = arith.constant 96 : i32
      %add3A_283 = arith.addi %mul3A_229, %add3A_282 : i32
      %get3A_284 = arith.index_cast %add3A_283 : i32 to index
      %get3A_285 = tpu.vector_load %arg5[%get3A_284] {strides = array<i32>} : memref<32768xf32, #tpu.memory_space<vmem>>, vector<16xf32>,
      %get3A_286 = vector.shape_cast %get3A_285 : vector<16xf32> to vector<16xf32>
      %swap3A_287 = arith.index_cast %add3A_283 : i32 to index
      %swap3A_288 = tpu.vector_load %arg6[%swap3A_287] {strides = array<i32>} : memref<32768xf32, #tpu.memory_space<vmem>>, vector<16xf32>,
      %swap3A_289 = vector.shape_cast %swap3A_288 : vector<16xf32> to vector<16xf32>
      %swap3A_290 = vector.shape_cast %get3A_286 : vector<16xf32> to vector<16xf32>
      tpu.vector_store %arg6[%swap3A_287], %swap3A_290 {add = true, strides = array<i32>} : memref<32768xf32, #tpu.memory_space<vmem>>, vector<16xf32>,
      %add3A_291 = arith.constant 112 : i32
      %add3A_292 = arith.addi %mul3A_229, %add3A_291 : i32
      %get3A_293 = arith.index_cast %add3A_292 : i32 to index
      %get3A_294 = tpu.vector_load %arg5[%get3A_293] {strides = array<i32>} : memref<32768xf32, #tpu.memory_space<vmem>>, vector<16xf32>,
      %get3A_295 = vector.shape_cast %get3A_294 : vector<16xf32> to vector<16xf32>
      %swap3A_296 = arith.index_cast %add3A_292 : i32 to index
      %swap3A_297 = tpu.vector_load %arg6[%swap3A_296] {strides = array<i32>} : memref<32768xf32, #tpu.memory_space<vmem>>, vector<16xf32>,
      %swap3A_298 = vector.shape_cast %swap3A_297 : vector<16xf32> to vector<16xf32>
      %swap3A_299 = vector.shape_cast %get3A_295 : vector<16xf32> to vector<16xf32>
      tpu.vector_store %arg6[%swap3A_296], %swap3A_299 {add = true, strides = array<i32>} : memref<32768xf32, #tpu.memory_space<vmem>>, vector<16xf32>,
      %scan3A_300 = arith.constant 0 : i32
      scf.yield %scan3A_300 : i32
    }
    %scan3A_128 = arith.constant 256 : i32
    %mul3A_129 = arith.constant 1024 : i32
    %mul3A_130 = arith.muli %add3A_119, %mul3A_129 : i32
    "tpu.region"() ({
      %run_scoped3A = tpu.sem_alloc : memref<!tpu.dma_semaphore, #tpu.memory_space<semaphore_mem>>
      %dma_start3A = tpu.memref_slice %arg4[%mul3A_130] : memref<16777216xf32, #tpu.memory_space<hbm>> -> memref<32768xf32, #tpu.memory_space<hbm>>
      %dma_start3A_226 = tpu.memref_slice %arg4[%mul3A_130] : memref<16777216xf32, #tpu.memory_space<hbm>> -> memref<32768xf32, #tpu.memory_space<hbm>>
      tpu.enqueue_dma source(%arg6 : memref<32768xf32, #tpu.memory_space<vmem>>) target(%dma_start3A_226 : memref<32768xf32, #tpu.memory_space<hbm>>) target_semaphore(%run_scoped3A : memref<!tpu.dma_semaphore, #tpu.memory_space<semaphore_mem>>)
      %dma_wait3A = tpu.memref_slice %arg4[%mul3A_130] : memref<16777216xf32, #tpu.memory_space<hbm>> -> memref<32768xf32, #tpu.memory_space<hbm>>
      %dma_wait3A_227 = tpu.memref_slice %arg4[%mul3A_130] : memref<16777216xf32, #tpu.memory_space<hbm>> -> memref<32768xf32, #tpu.memory_space<hbm>>
      tpu.wait_dma2 semaphore(%run_scoped3A : memref<!tpu.dma_semaphore, #tpu.memory_space<semaphore_mem>>) src(%arg6 : memref<32768xf32, #tpu.memory_space<vmem>>) dst(%dma_wait3A_227 : memref<32768xf32, #tpu.memory_space<hbm>>)
      tpu.yield
    }) : () -> ()
    %add3A_131 = arith.constant 4096 : i32
    %add3A_132 = arith.addi %add3A_131, %add3A_115 : i32
    %mul3A_133 = arith.constant 1024 : i32
    %mul3A_134 = arith.muli %add3A_132, %mul3A_133 : i32
    "tpu.region"() ({
      %run_scoped3A = tpu.sem_alloc : memref<!tpu.dma_semaphore, #tpu.memory_space<semaphore_mem>>
      %dma_start3A = tpu.memref_slice %arg2[%mul3A_134] : memref<16777216xf32, #tpu.memory_space<hbm>> -> memref<32768xf32, #tpu.memory_space<hbm>>
      %dma_start3A_226 = tpu.memref_slice %arg2[%mul3A_134] : memref<16777216xf32, #tpu.memory_space<hbm>> -> memref<32768xf32, #tpu.memory_space<hbm>>
      tpu.enqueue_dma source(%dma_start3A_226 : memref<32768xf32, #tpu.memory_space<hbm>>) target(%arg6 : memref<32768xf32, #tpu.memory_space<vmem>>) target_semaphore(%run_scoped3A : memref<!tpu.dma_semaphore, #tpu.memory_space<semaphore_mem>>)
      %dma_wait3A = tpu.memref_slice %arg2[%mul3A_134] : memref<16777216xf32, #tpu.memory_space<hbm>> -> memref<32768xf32, #tpu.memory_space<hbm>>
      %dma_wait3A_227 = tpu.memref_slice %arg2[%mul3A_134] : memref<16777216xf32, #tpu.memory_space<hbm>> -> memref<32768xf32, #tpu.memory_space<hbm>>
      tpu.wait_dma2 semaphore(%run_scoped3A : memref<!tpu.dma_semaphore, #tpu.memory_space<semaphore_mem>>) src(%dma_wait3A_227 : memref<32768xf32, #tpu.memory_space<hbm>>) dst(%arg6 : memref<32768xf32, #tpu.memory_space<vmem>>)
      tpu.yield
    }) : () -> ()
    %scan3A_135 = arith.constant 0 : i32
    %scan3A_136 = arith.constant 0 : i32
    %scan3A_137 = arith.constant 256 : i32
    %scan3A_138 = arith.addi %scan3A_136, %scan3A_137 : i32
    %scan3A_139 = arith.constant 1 : i32
    %scan3A_140 = scf.for %scan3A_226 = %scan3A_136 to %scan3A_138 step %scan3A_139 iter_args(%scan3A_227 = %scan3A_135) -> (i32)  : i32 {
      %mul3A_228 = arith.constant 128 : i32
      %mul3A_229 = arith.muli %scan3A_226, %mul3A_228 : i32
      %add3A_230 = arith.constant 0 : i32
      %add3A_231 = arith.addi %mul3A_229, %add3A_230 : i32
      %get3A = arith.index_cast %add3A_231 : i32 to index
      %get3A_232 = tpu.vector_load %arg5[%get3A] {strides = array<i32>} : memref<32768xf32, #tpu.memory_space<vmem>>, vector<16xf32>,
      %get3A_233 = vector.shape_cast %get3A_232 : vector<16xf32> to vector<16xf32>
      %swap3A = arith.index_cast %add3A_231 : i32 to index
      %swap3A_234 = tpu.vector_load %arg6[%swap3A] {strides = array<i32>} : memref<32768xf32, #tpu.memory_space<vmem>>, vector<16xf32>,
      %swap3A_235 = vector.shape_cast %swap3A_234 : vector<16xf32> to vector<16xf32>
      %swap3A_236 = vector.shape_cast %get3A_233 : vector<16xf32> to vector<16xf32>
      tpu.vector_store %arg6[%swap3A], %swap3A_236 {add = true, strides = array<i32>} : memref<32768xf32, #tpu.memory_space<vmem>>, vector<16xf32>,
      %add3A_237 = arith.constant 16 : i32
      %add3A_238 = arith.addi %mul3A_229, %add3A_237 : i32
      %get3A_239 = arith.index_cast %add3A_238 : i32 to index
      %get3A_240 = tpu.vector_load %arg5[%get3A_239] {strides = array<i32>} : memref<32768xf32, #tpu.memory_space<vmem>>, vector<16xf32>,
      %get3A_241 = vector.shape_cast %get3A_240 : vector<16xf32> to vector<16xf32>
      %swap3A_242 = arith.index_cast %add3A_238 : i32 to index
      %swap3A_243 = tpu.vector_load %arg6[%swap3A_242] {strides = array<i32>} : memref<32768xf32, #tpu.memory_space<vmem>>, vector<16xf32>,
      %swap3A_244 = vector.shape_cast %swap3A_243 : vector<16xf32> to vector<16xf32>
      %swap3A_245 = vector.shape_cast %get3A_241 : vector<16xf32> to vector<16xf32>
      tpu.vector_store %arg6[%swap3A_242], %swap3A_245 {add = true, strides = array<i32>} : memref<32768xf32, #tpu.memory_space<vmem>>, vector<16xf32>,
      %add3A_246 = arith.constant 32 : i32
      %add3A_247 = arith.addi %mul3A_229, %add3A_246 : i32
      %get3A_248 = arith.index_cast %add3A_247 : i32 to index
      %get3A_249 = tpu.vector_load %arg5[%get3A_248] {strides = array<i32>} : memref<32768xf32, #tpu.memory_space<vmem>>, vector<16xf32>,
      %get3A_250 = vector.shape_cast %get3A_249 : vector<16xf32> to vector<16xf32>
      %swap3A_251 = arith.index_cast %add3A_247 : i32 to index
      %swap3A_252 = tpu.vector_load %arg6[%swap3A_251] {strides = array<i32>} : memref<32768xf32, #tpu.memory_space<vmem>>, vector<16xf32>,
      %swap3A_253 = vector.shape_cast %swap3A_252 : vector<16xf32> to vector<16xf32>
      %swap3A_254 = vector.shape_cast %get3A_250 : vector<16xf32> to vector<16xf32>
      tpu.vector_store %arg6[%swap3A_251], %swap3A_254 {add = true, strides = array<i32>} : memref<32768xf32, #tpu.memory_space<vmem>>, vector<16xf32>,
      %add3A_255 = arith.constant 48 : i32
      %add3A_256 = arith.addi %mul3A_229, %add3A_255 : i32
      %get3A_257 = arith.index_cast %add3A_256 : i32 to index
      %get3A_258 = tpu.vector_load %arg5[%get3A_257] {strides = array<i32>} : memref<32768xf32, #tpu.memory_space<vmem>>, vector<16xf32>,
      %get3A_259 = vector.shape_cast %get3A_258 : vector<16xf32> to vector<16xf32>
      %swap3A_260 = arith.index_cast %add3A_256 : i32 to index
      %swap3A_261 = tpu.vector_load %arg6[%swap3A_260] {strides = array<i32>} : memref<32768xf32, #tpu.memory_space<vmem>>, vector<16xf32>,
      %swap3A_262 = vector.shape_cast %swap3A_261 : vector<16xf32> to vector<16xf32>
      %swap3A_263 = vector.shape_cast %get3A_259 : vector<16xf32> to vector<16xf32>
      tpu.vector_store %arg6[%swap3A_260], %swap3A_263 {add = true, strides = array<i32>} : memref<32768xf32, #tpu.memory_space<vmem>>, vector<16xf32>,
      %add3A_264 = arith.constant 64 : i32
      %add3A_265 = arith.addi %mul3A_229, %add3A_264 : i32
      %get3A_266 = arith.index_cast %add3A_265 : i32 to index
      %get3A_267 = tpu.vector_load %arg5[%get3A_266] {strides = array<i32>} : memref<32768xf32, #tpu.memory_space<vmem>>, vector<16xf32>,
      %get3A_268 = vector.shape_cast %get3A_267 : vector<16xf32> to vector<16xf32>
      %swap3A_269 = arith.index_cast %add3A_265 : i32 to index
      %swap3A_270 = tpu.vector_load %arg6[%swap3A_269] {strides = array<i32>} : memref<32768xf32, #tpu.memory_space<vmem>>, vector<16xf32>,
      %swap3A_271 = vector.shape_cast %swap3A_270 : vector<16xf32> to vector<16xf32>
      %swap3A_272 = vector.shape_cast %get3A_268 : vector<16xf32> to vector<16xf32>
      tpu.vector_store %arg6[%swap3A_269], %swap3A_272 {add = true, strides = array<i32>} : memref<32768xf32, #tpu.memory_space<vmem>>, vector<16xf32>,
      %add3A_273 = arith.constant 80 : i32
      %add3A_274 = arith.addi %mul3A_229, %add3A_273 : i32
      %get3A_275 = arith.index_cast %add3A_274 : i32 to index
      %get3A_276 = tpu.vector_load %arg5[%get3A_275] {strides = array<i32>} : memref<32768xf32, #tpu.memory_space<vmem>>, vector<16xf32>,
      %get3A_277 = vector.shape_cast %get3A_276 : vector<16xf32> to vector<16xf32>
      %swap3A_278 = arith.index_cast %add3A_274 : i32 to index
      %swap3A_279 = tpu.vector_load %arg6[%swap3A_278] {strides = array<i32>} : memref<32768xf32, #tpu.memory_space<vmem>>, vector<16xf32>,
      %swap3A_280 = vector.shape_cast %swap3A_279 : vector<16xf32> to vector<16xf32>
      %swap3A_281 = vector.shape_cast %get3A_277 : vector<16xf32> to vector<16xf32>
      tpu.vector_store %arg6[%swap3A_278], %swap3A_281 {add = true, strides = array<i32>} : memref<32768xf32, #tpu.memory_space<vmem>>, vector<16xf32>,
      %add3A_282 = arith.constant 96 : i32
      %add3A_283 = arith.addi %mul3A_229, %add3A_282 : i32
      %get3A_284 = arith.index_cast %add3A_283 : i32 to index
      %get3A_285 = tpu.vector_load %arg5[%get3A_284] {strides = array<i32>} : memref<32768xf32, #tpu.memory_space<vmem>>, vector<16xf32>,
      %get3A_286 = vector.shape_cast %get3A_285 : vector<16xf32> to vector<16xf32>
      %swap3A_287 = arith.index_cast %add3A_283 : i32 to index
      %swap3A_288 = tpu.vector_load %arg6[%swap3A_287] {strides = array<i32>} : memref<32768xf32, #tpu.memory_space<vmem>>, vector<16xf32>,
      %swap3A_289 = vector.shape_cast %swap3A_288 : vector<16xf32> to vector<16xf32>
      %swap3A_290 = vector.shape_cast %get3A_286 : vector<16xf32> to vector<16xf32>
      tpu.vector_store %arg6[%swap3A_287], %swap3A_290 {add = true, strides = array<i32>} : memref<32768xf32, #tpu.memory_space<vmem>>, vector<16xf32>,
      %add3A_291 = arith.constant 112 : i32
      %add3A_292 = arith.addi %mul3A_229, %add3A_291 : i32
      %get3A_293 = arith.index_cast %add3A_292 : i32 to index
      %get3A_294 = tpu.vector_load %arg5[%get3A_293] {strides = array<i32>} : memref<32768xf32, #tpu.memory_space<vmem>>, vector<16xf32>,
      %get3A_295 = vector.shape_cast %get3A_294 : vector<16xf32> to vector<16xf32>
      %swap3A_296 = arith.index_cast %add3A_292 : i32 to index
      %swap3A_297 = tpu.vector_load %arg6[%swap3A_296] {strides = array<i32>} : memref<32768xf32, #tpu.memory_space<vmem>>, vector<16xf32>,
      %swap3A_298 = vector.shape_cast %swap3A_297 : vector<16xf32> to vector<16xf32>
      %swap3A_299 = vector.shape_cast %get3A_295 : vector<16xf32> to vector<16xf32>
      tpu.vector_store %arg6[%swap3A_296], %swap3A_299 {add = true, strides = array<i32>} : memref<32768xf32, #tpu.memory_space<vmem>>, vector<16xf32>,
      %scan3A_300 = arith.constant 0 : i32
      scf.yield %scan3A_300 : i32
    }
    %scan3A_141 = arith.constant 256 : i32
    %mul3A_142 = arith.constant 1024 : i32
    %mul3A_143 = arith.muli %add3A_132, %mul3A_142 : i32
    "tpu.region"() ({
      %run_scoped3A = tpu.sem_alloc : memref<!tpu.dma_semaphore, #tpu.memory_space<semaphore_mem>>
      %dma_start3A = tpu.memref_slice %arg4[%mul3A_143] : memref<16777216xf32, #tpu.memory_space<hbm>> -> memref<32768xf32, #tpu.memory_space<hbm>>
      %dma_start3A_226 = tpu.memref_slice %arg4[%mul3A_143] : memref<16777216xf32, #tpu.memory_space<hbm>> -> memref<32768xf32, #tpu.memory_space<hbm>>
      tpu.enqueue_dma source(%arg6 : memref<32768xf32, #tpu.memory_space<vmem>>) target(%dma_start3A_226 : memref<32768xf32, #tpu.memory_space<hbm>>) target_semaphore(%run_scoped3A : memref<!tpu.dma_semaphore, #tpu.memory_space<semaphore_mem>>)
      %dma_wait3A = tpu.memref_slice %arg4[%mul3A_143] : memref<16777216xf32, #tpu.memory_space<hbm>> -> memref<32768xf32, #tpu.memory_space<hbm>>
      %dma_wait3A_227 = tpu.memref_slice %arg4[%mul3A_143] : memref<16777216xf32, #tpu.memory_space<hbm>> -> memref<32768xf32, #tpu.memory_space<hbm>>
      tpu.wait_dma2 semaphore(%run_scoped3A : memref<!tpu.dma_semaphore, #tpu.memory_space<semaphore_mem>>) src(%arg6 : memref<32768xf32, #tpu.memory_space<vmem>>) dst(%dma_wait3A_227 : memref<32768xf32, #tpu.memory_space<hbm>>)
      tpu.yield
    }) : () -> ()
    %add3A_144 = arith.constant 8192 : i32
    %add3A_145 = arith.addi %add3A_144, %add3A_115 : i32
    %mul3A_146 = arith.constant 1024 : i32
    %mul3A_147 = arith.muli %add3A_145, %mul3A_146 : i32
    "tpu.region"() ({
      %run_scoped3A = tpu.sem_alloc : memref<!tpu.dma_semaphore, #tpu.memory_space<semaphore_mem>>
      %dma_start3A = tpu.memref_slice %arg2[%mul3A_147] : memref<16777216xf32, #tpu.memory_space<hbm>> -> memref<32768xf32, #tpu.memory_space<hbm>>
      %dma_start3A_226 = tpu.memref_slice %arg2[%mul3A_147] : memref<16777216xf32, #tpu.memory_space<hbm>> -> memref<32768xf32, #tpu.memory_space<hbm>>
      tpu.enqueue_dma source(%dma_start3A_226 : memref<32768xf32, #tpu.memory_space<hbm>>) target(%arg6 : memref<32768xf32, #tpu.memory_space<vmem>>) target_semaphore(%run_scoped3A : memref<!tpu.dma_semaphore, #tpu.memory_space<semaphore_mem>>)
      %dma_wait3A = tpu.memref_slice %arg2[%mul3A_147] : memref<16777216xf32, #tpu.memory_space<hbm>> -> memref<32768xf32, #tpu.memory_space<hbm>>
      %dma_wait3A_227 = tpu.memref_slice %arg2[%mul3A_147] : memref<16777216xf32, #tpu.memory_space<hbm>> -> memref<32768xf32, #tpu.memory_space<hbm>>
      tpu.wait_dma2 semaphore(%run_scoped3A : memref<!tpu.dma_semaphore, #tpu.memory_space<semaphore_mem>>) src(%dma_wait3A_227 : memref<32768xf32, #tpu.memory_space<hbm>>) dst(%arg6 : memref<32768xf32, #tpu.memory_space<vmem>>)
      tpu.yield
    }) : () -> ()
    %scan3A_148 = arith.constant 0 : i32
    %scan3A_149 = arith.constant 0 : i32
    %scan3A_150 = arith.constant 256 : i32
    %scan3A_151 = arith.addi %scan3A_149, %scan3A_150 : i32
    %scan3A_152 = arith.constant 1 : i32
    %scan3A_153 = scf.for %scan3A_226 = %scan3A_149 to %scan3A_151 step %scan3A_152 iter_args(%scan3A_227 = %scan3A_148) -> (i32)  : i32 {
      %mul3A_228 = arith.constant 128 : i32
      %mul3A_229 = arith.muli %scan3A_226, %mul3A_228 : i32
      %add3A_230 = arith.constant 0 : i32
      %add3A_231 = arith.addi %mul3A_229, %add3A_230 : i32
      %get3A = arith.index_cast %add3A_231 : i32 to index
      %get3A_232 = tpu.vector_load %arg5[%get3A] {strides = array<i32>} : memref<32768xf32, #tpu.memory_space<vmem>>, vector<16xf32>,
      %get3A_233 = vector.shape_cast %get3A_232 : vector<16xf32> to vector<16xf32>
      %swap3A = arith.index_cast %add3A_231 : i32 to index
      %swap3A_234 = tpu.vector_load %arg6[%swap3A] {strides = array<i32>} : memref<32768xf32, #tpu.memory_space<vmem>>, vector<16xf32>,
      %swap3A_235 = vector.shape_cast %swap3A_234 : vector<16xf32> to vector<16xf32>
      %swap3A_236 = vector.shape_cast %get3A_233 : vector<16xf32> to vector<16xf32>
      tpu.vector_store %arg6[%swap3A], %swap3A_236 {add = true, strides = array<i32>} : memref<32768xf32, #tpu.memory_space<vmem>>, vector<16xf32>,
      %add3A_237 = arith.constant 16 : i32
      %add3A_238 = arith.addi %mul3A_229, %add3A_237 : i32
      %get3A_239 = arith.index_cast %add3A_238 : i32 to index
      %get3A_240 = tpu.vector_load %arg5[%get3A_239] {strides = array<i32>} : memref<32768xf32, #tpu.memory_space<vmem>>, vector<16xf32>,
      %get3A_241 = vector.shape_cast %get3A_240 : vector<16xf32> to vector<16xf32>
      %swap3A_242 = arith.index_cast %add3A_238 : i32 to index
      %swap3A_243 = tpu.vector_load %arg6[%swap3A_242] {strides = array<i32>} : memref<32768xf32, #tpu.memory_space<vmem>>, vector<16xf32>,
      %swap3A_244 = vector.shape_cast %swap3A_243 : vector<16xf32> to vector<16xf32>
      %swap3A_245 = vector.shape_cast %get3A_241 : vector<16xf32> to vector<16xf32>
      tpu.vector_store %arg6[%swap3A_242], %swap3A_245 {add = true, strides = array<i32>} : memref<32768xf32, #tpu.memory_space<vmem>>, vector<16xf32>,
      %add3A_246 = arith.constant 32 : i32
      %add3A_247 = arith.addi %mul3A_229, %add3A_246 : i32
      %get3A_248 = arith.index_cast %add3A_247 : i32 to index
      %get3A_249 = tpu.vector_load %arg5[%get3A_248] {strides = array<i32>} : memref<32768xf32, #tpu.memory_space<vmem>>, vector<16xf32>,
      %get3A_250 = vector.shape_cast %get3A_249 : vector<16xf32> to vector<16xf32>
      %swap3A_251 = arith.index_cast %add3A_247 : i32 to index
      %swap3A_252 = tpu.vector_load %arg6[%swap3A_251] {strides = array<i32>} : memref<32768xf32, #tpu.memory_space<vmem>>, vector<16xf32>,
      %swap3A_253 = vector.shape_cast %swap3A_252 : vector<16xf32> to vector<16xf32>
      %swap3A_254 = vector.shape_cast %get3A_250 : vector<16xf32> to vector<16xf32>
      tpu.vector_store %arg6[%swap3A_251], %swap3A_254 {add = true, strides = array<i32>} : memref<32768xf32, #tpu.memory_space<vmem>>, vector<16xf32>,
      %add3A_255 = arith.constant 48 : i32
      %add3A_256 = arith.addi %mul3A_229, %add3A_255 : i32
      %get3A_257 = arith.index_cast %add3A_256 : i32 to index
      %get3A_258 = tpu.vector_load %arg5[%get3A_257] {strides = array<i32>} : memref<32768xf32, #tpu.memory_space<vmem>>, vector<16xf32>,
      %get3A_259 = vector.shape_cast %get3A_258 : vector<16xf32> to vector<16xf32>
      %swap3A_260 = arith.index_cast %add3A_256 : i32 to index
      %swap3A_261 = tpu.vector_load %arg6[%swap3A_260] {strides = array<i32>} : memref<32768xf32, #tpu.memory_space<vmem>>, vector<16xf32>,
      %swap3A_262 = vector.shape_cast %swap3A_261 : vector<16xf32> to vector<16xf32>
      %swap3A_263 = vector.shape_cast %get3A_259 : vector<16xf32> to vector<16xf32>
      tpu.vector_store %arg6[%swap3A_260], %swap3A_263 {add = true, strides = array<i32>} : memref<32768xf32, #tpu.memory_space<vmem>>, vector<16xf32>,
      %add3A_264 = arith.constant 64 : i32
      %add3A_265 = arith.addi %mul3A_229, %add3A_264 : i32
      %get3A_266 = arith.index_cast %add3A_265 : i32 to index
      %get3A_267 = tpu.vector_load %arg5[%get3A_266] {strides = array<i32>} : memref<32768xf32, #tpu.memory_space<vmem>>, vector<16xf32>,
      %get3A_268 = vector.shape_cast %get3A_267 : vector<16xf32> to vector<16xf32>
      %swap3A_269 = arith.index_cast %add3A_265 : i32 to index
      %swap3A_270 = tpu.vector_load %arg6[%swap3A_269] {strides = array<i32>} : memref<32768xf32, #tpu.memory_space<vmem>>, vector<16xf32>,
      %swap3A_271 = vector.shape_cast %swap3A_270 : vector<16xf32> to vector<16xf32>
      %swap3A_272 = vector.shape_cast %get3A_268 : vector<16xf32> to vector<16xf32>
      tpu.vector_store %arg6[%swap3A_269], %swap3A_272 {add = true, strides = array<i32>} : memref<32768xf32, #tpu.memory_space<vmem>>, vector<16xf32>,
      %add3A_273 = arith.constant 80 : i32
      %add3A_274 = arith.addi %mul3A_229, %add3A_273 : i32
      %get3A_275 = arith.index_cast %add3A_274 : i32 to index
      %get3A_276 = tpu.vector_load %arg5[%get3A_275] {strides = array<i32>} : memref<32768xf32, #tpu.memory_space<vmem>>, vector<16xf32>,
      %get3A_277 = vector.shape_cast %get3A_276 : vector<16xf32> to vector<16xf32>
      %swap3A_278 = arith.index_cast %add3A_274 : i32 to index
      %swap3A_279 = tpu.vector_load %arg6[%swap3A_278] {strides = array<i32>} : memref<32768xf32, #tpu.memory_space<vmem>>, vector<16xf32>,
      %swap3A_280 = vector.shape_cast %swap3A_279 : vector<16xf32> to vector<16xf32>
      %swap3A_281 = vector.shape_cast %get3A_277 : vector<16xf32> to vector<16xf32>
      tpu.vector_store %arg6[%swap3A_278], %swap3A_281 {add = true, strides = array<i32>} : memref<32768xf32, #tpu.memory_space<vmem>>, vector<16xf32>,
      %add3A_282 = arith.constant 96 : i32
      %add3A_283 = arith.addi %mul3A_229, %add3A_282 : i32
      %get3A_284 = arith.index_cast %add3A_283 : i32 to index
      %get3A_285 = tpu.vector_load %arg5[%get3A_284] {strides = array<i32>} : memref<32768xf32, #tpu.memory_space<vmem>>, vector<16xf32>,
      %get3A_286 = vector.shape_cast %get3A_285 : vector<16xf32> to vector<16xf32>
      %swap3A_287 = arith.index_cast %add3A_283 : i32 to index
      %swap3A_288 = tpu.vector_load %arg6[%swap3A_287] {strides = array<i32>} : memref<32768xf32, #tpu.memory_space<vmem>>, vector<16xf32>,
      %swap3A_289 = vector.shape_cast %swap3A_288 : vector<16xf32> to vector<16xf32>
      %swap3A_290 = vector.shape_cast %get3A_286 : vector<16xf32> to vector<16xf32>
      tpu.vector_store %arg6[%swap3A_287], %swap3A_290 {add = true, strides = array<i32>} : memref<32768xf32, #tpu.memory_space<vmem>>, vector<16xf32>,
      %add3A_291 = arith.constant 112 : i32
      %add3A_292 = arith.addi %mul3A_229, %add3A_291 : i32
      %get3A_293 = arith.index_cast %add3A_292 : i32 to index
      %get3A_294 = tpu.vector_load %arg5[%get3A_293] {strides = array<i32>} : memref<32768xf32, #tpu.memory_space<vmem>>, vector<16xf32>,
      %get3A_295 = vector.shape_cast %get3A_294 : vector<16xf32> to vector<16xf32>
      %swap3A_296 = arith.index_cast %add3A_292 : i32 to index
      %swap3A_297 = tpu.vector_load %arg6[%swap3A_296] {strides = array<i32>} : memref<32768xf32, #tpu.memory_space<vmem>>, vector<16xf32>,
      %swap3A_298 = vector.shape_cast %swap3A_297 : vector<16xf32> to vector<16xf32>
      %swap3A_299 = vector.shape_cast %get3A_295 : vector<16xf32> to vector<16xf32>
      tpu.vector_store %arg6[%swap3A_296], %swap3A_299 {add = true, strides = array<i32>} : memref<32768xf32, #tpu.memory_space<vmem>>, vector<16xf32>,
      %scan3A_300 = arith.constant 0 : i32
      scf.yield %scan3A_300 : i32
    }
    %scan3A_154 = arith.constant 256 : i32
    %mul3A_155 = arith.constant 1024 : i32
    %mul3A_156 = arith.muli %add3A_145, %mul3A_155 : i32
    "tpu.region"() ({
      %run_scoped3A = tpu.sem_alloc : memref<!tpu.dma_semaphore, #tpu.memory_space<semaphore_mem>>
      %dma_start3A = tpu.memref_slice %arg4[%mul3A_156] : memref<16777216xf32, #tpu.memory_space<hbm>> -> memref<32768xf32, #tpu.memory_space<hbm>>
      %dma_start3A_226 = tpu.memref_slice %arg4[%mul3A_156] : memref<16777216xf32, #tpu.memory_space<hbm>> -> memref<32768xf32, #tpu.memory_space<hbm>>
      tpu.enqueue_dma source(%arg6 : memref<32768xf32, #tpu.memory_space<vmem>>) target(%dma_start3A_226 : memref<32768xf32, #tpu.memory_space<hbm>>) target_semaphore(%run_scoped3A : memref<!tpu.dma_semaphore, #tpu.memory_space<semaphore_mem>>)
      %dma_wait3A = tpu.memref_slice %arg4[%mul3A_156] : memref<16777216xf32, #tpu.memory_space<hbm>> -> memref<32768xf32, #tpu.memory_space<hbm>>
      %dma_wait3A_227 = tpu.memref_slice %arg4[%mul3A_156] : memref<16777216xf32, #tpu.memory_space<hbm>> -> memref<32768xf32, #tpu.memory_space<hbm>>
      tpu.wait_dma2 semaphore(%run_scoped3A : memref<!tpu.dma_semaphore, #tpu.memory_space<semaphore_mem>>) src(%arg6 : memref<32768xf32, #tpu.memory_space<vmem>>) dst(%dma_wait3A_227 : memref<32768xf32, #tpu.memory_space<hbm>>)
      tpu.yield
    }) : () -> ()
    %add3A_157 = arith.constant 12288 : i32
    %add3A_158 = arith.addi %add3A_157, %add3A_115 : i32
    %mul3A_159 = arith.constant 1024 : i32
    %mul3A_160 = arith.muli %add3A_158, %mul3A_159 : i32
    "tpu.region"() ({
      %run_scoped3A = tpu.sem_alloc : memref<!tpu.dma_semaphore, #tpu.memory_space<semaphore_mem>>
      %dma_start3A = tpu.memref_slice %arg2[%mul3A_160] : memref<16777216xf32, #tpu.memory_space<hbm>> -> memref<32768xf32, #tpu.memory_space<hbm>>
      %dma_start3A_226 = tpu.memref_slice %arg2[%mul3A_160] : memref<16777216xf32, #tpu.memory_space<hbm>> -> memref<32768xf32, #tpu.memory_space<hbm>>
      tpu.enqueue_dma source(%dma_start3A_226 : memref<32768xf32, #tpu.memory_space<hbm>>) target(%arg6 : memref<32768xf32, #tpu.memory_space<vmem>>) target_semaphore(%run_scoped3A : memref<!tpu.dma_semaphore, #tpu.memory_space<semaphore_mem>>)
      %dma_wait3A = tpu.memref_slice %arg2[%mul3A_160] : memref<16777216xf32, #tpu.memory_space<hbm>> -> memref<32768xf32, #tpu.memory_space<hbm>>
      %dma_wait3A_227 = tpu.memref_slice %arg2[%mul3A_160] : memref<16777216xf32, #tpu.memory_space<hbm>> -> memref<32768xf32, #tpu.memory_space<hbm>>
      tpu.wait_dma2 semaphore(%run_scoped3A : memref<!tpu.dma_semaphore, #tpu.memory_space<semaphore_mem>>) src(%dma_wait3A_227 : memref<32768xf32, #tpu.memory_space<hbm>>) dst(%arg6 : memref<32768xf32, #tpu.memory_space<vmem>>)
      tpu.yield
    }) : () -> ()
    %scan3A_161 = arith.constant 0 : i32
    %scan3A_162 = arith.constant 0 : i32
    %scan3A_163 = arith.constant 256 : i32
    %scan3A_164 = arith.addi %scan3A_162, %scan3A_163 : i32
    %scan3A_165 = arith.constant 1 : i32
    %scan3A_166 = scf.for %scan3A_226 = %scan3A_162 to %scan3A_164 step %scan3A_165 iter_args(%scan3A_227 = %scan3A_161) -> (i32)  : i32 {
      %mul3A_228 = arith.constant 128 : i32
      %mul3A_229 = arith.muli %scan3A_226, %mul3A_228 : i32
      %add3A_230 = arith.constant 0 : i32
      %add3A_231 = arith.addi %mul3A_229, %add3A_230 : i32
      %get3A = arith.index_cast %add3A_231 : i32 to index
      %get3A_232 = tpu.vector_load %arg5[%get3A] {strides = array<i32>} : memref<32768xf32, #tpu.memory_space<vmem>>, vector<16xf32>,
      %get3A_233 = vector.shape_cast %get3A_232 : vector<16xf32> to vector<16xf32>
      %swap3A = arith.index_cast %add3A_231 : i32 to index
      %swap3A_234 = tpu.vector_load %arg6[%swap3A] {strides = array<i32>} : memref<32768xf32, #tpu.memory_space<vmem>>, vector<16xf32>,
      %swap3A_235 = vector.shape_cast %swap3A_234 : vector<16xf32> to vector<16xf32>
      %swap3A_236 = vector.shape_cast %get3A_233 : vector<16xf32> to vector<16xf32>
      tpu.vector_store %arg6[%swap3A], %swap3A_236 {add = true, strides = array<i32>} : memref<32768xf32, #tpu.memory_space<vmem>>, vector<16xf32>,
      %add3A_237 = arith.constant 16 : i32
      %add3A_238 = arith.addi %mul3A_229, %add3A_237 : i32
      %get3A_239 = arith.index_cast %add3A_238 : i32 to index
      %get3A_240 = tpu.vector_load %arg5[%get3A_239] {strides = array<i32>} : memref<32768xf32, #tpu.memory_space<vmem>>, vector<16xf32>,
      %get3A_241 = vector.shape_cast %get3A_240 : vector<16xf32> to vector<16xf32>
      %swap3A_242 = arith.index_cast %add3A_238 : i32 to index
      %swap3A_243 = tpu.vector_load %arg6[%swap3A_242] {strides = array<i32>} : memref<32768xf32, #tpu.memory_space<vmem>>, vector<16xf32>,
      %swap3A_244 = vector.shape_cast %swap3A_243 : vector<16xf32> to vector<16xf32>
      %swap3A_245 = vector.shape_cast %get3A_241 : vector<16xf32> to vector<16xf32>
      tpu.vector_store %arg6[%swap3A_242], %swap3A_245 {add = true, strides = array<i32>} : memref<32768xf32, #tpu.memory_space<vmem>>, vector<16xf32>,
      %add3A_246 = arith.constant 32 : i32
      %add3A_247 = arith.addi %mul3A_229, %add3A_246 : i32
      %get3A_248 = arith.index_cast %add3A_247 : i32 to index
      %get3A_249 = tpu.vector_load %arg5[%get3A_248] {strides = array<i32>} : memref<32768xf32, #tpu.memory_space<vmem>>, vector<16xf32>,
      %get3A_250 = vector.shape_cast %get3A_249 : vector<16xf32> to vector<16xf32>
      %swap3A_251 = arith.index_cast %add3A_247 : i32 to index
      %swap3A_252 = tpu.vector_load %arg6[%swap3A_251] {strides = array<i32>} : memref<32768xf32, #tpu.memory_space<vmem>>, vector<16xf32>,
      %swap3A_253 = vector.shape_cast %swap3A_252 : vector<16xf32> to vector<16xf32>
      %swap3A_254 = vector.shape_cast %get3A_250 : vector<16xf32> to vector<16xf32>
      tpu.vector_store %arg6[%swap3A_251], %swap3A_254 {add = true, strides = array<i32>} : memref<32768xf32, #tpu.memory_space<vmem>>, vector<16xf32>,
      %add3A_255 = arith.constant 48 : i32
      %add3A_256 = arith.addi %mul3A_229, %add3A_255 : i32
      %get3A_257 = arith.index_cast %add3A_256 : i32 to index
      %get3A_258 = tpu.vector_load %arg5[%get3A_257] {strides = array<i32>} : memref<32768xf32, #tpu.memory_space<vmem>>, vector<16xf32>,
      %get3A_259 = vector.shape_cast %get3A_258 : vector<16xf32> to vector<16xf32>
      %swap3A_260 = arith.index_cast %add3A_256 : i32 to index
      %swap3A_261 = tpu.vector_load %arg6[%swap3A_260] {strides = array<i32>} : memref<32768xf32, #tpu.memory_space<vmem>>, vector<16xf32>,
      %swap3A_262 = vector.shape_cast %swap3A_261 : vector<16xf32> to vector<16xf32>
      %swap3A_263 = vector.shape_cast %get3A_259 : vector<16xf32> to vector<16xf32>
      tpu.vector_store %arg6[%swap3A_260], %swap3A_263 {add = true, strides = array<i32>} : memref<32768xf32, #tpu.memory_space<vmem>>, vector<16xf32>,
      %add3A_264 = arith.constant 64 : i32
      %add3A_265 = arith.addi %mul3A_229, %add3A_264 : i32
      %get3A_266 = arith.index_cast %add3A_265 : i32 to index
      %get3A_267 = tpu.vector_load %arg5[%get3A_266] {strides = array<i32>} : memref<32768xf32, #tpu.memory_space<vmem>>, vector<16xf32>,
      %get3A_268 = vector.shape_cast %get3A_267 : vector<16xf32> to vector<16xf32>
      %swap3A_269 = arith.index_cast %add3A_265 : i32 to index
      %swap3A_270 = tpu.vector_load %arg6[%swap3A_269] {strides = array<i32>} : memref<32768xf32, #tpu.memory_space<vmem>>, vector<16xf32>,
      %swap3A_271 = vector.shape_cast %swap3A_270 : vector<16xf32> to vector<16xf32>
      %swap3A_272 = vector.shape_cast %get3A_268 : vector<16xf32> to vector<16xf32>
      tpu.vector_store %arg6[%swap3A_269], %swap3A_272 {add = true, strides = array<i32>} : memref<32768xf32, #tpu.memory_space<vmem>>, vector<16xf32>,
      %add3A_273 = arith.constant 80 : i32
      %add3A_274 = arith.addi %mul3A_229, %add3A_273 : i32
      %get3A_275 = arith.index_cast %add3A_274 : i32 to index
      %get3A_276 = tpu.vector_load %arg5[%get3A_275] {strides = array<i32>} : memref<32768xf32, #tpu.memory_space<vmem>>, vector<16xf32>,
      %get3A_277 = vector.shape_cast %get3A_276 : vector<16xf32> to vector<16xf32>
      %swap3A_278 = arith.index_cast %add3A_274 : i32 to index
      %swap3A_279 = tpu.vector_load %arg6[%swap3A_278] {strides = array<i32>} : memref<32768xf32, #tpu.memory_space<vmem>>, vector<16xf32>,
      %swap3A_280 = vector.shape_cast %swap3A_279 : vector<16xf32> to vector<16xf32>
      %swap3A_281 = vector.shape_cast %get3A_277 : vector<16xf32> to vector<16xf32>
      tpu.vector_store %arg6[%swap3A_278], %swap3A_281 {add = true, strides = array<i32>} : memref<32768xf32, #tpu.memory_space<vmem>>, vector<16xf32>,
      %add3A_282 = arith.constant 96 : i32
      %add3A_283 = arith.addi %mul3A_229, %add3A_282 : i32
      %get3A_284 = arith.index_cast %add3A_283 : i32 to index
      %get3A_285 = tpu.vector_load %arg5[%get3A_284] {strides = array<i32>} : memref<32768xf32, #tpu.memory_space<vmem>>, vector<16xf32>,
      %get3A_286 = vector.shape_cast %get3A_285 : vector<16xf32> to vector<16xf32>
      %swap3A_287 = arith.index_cast %add3A_283 : i32 to index
      %swap3A_288 = tpu.vector_load %arg6[%swap3A_287] {strides = array<i32>} : memref<32768xf32, #tpu.memory_space<vmem>>, vector<16xf32>,
      %swap3A_289 = vector.shape_cast %swap3A_288 : vector<16xf32> to vector<16xf32>
      %swap3A_290 = vector.shape_cast %get3A_286 : vector<16xf32> to vector<16xf32>
      tpu.vector_store %arg6[%swap3A_287], %swap3A_290 {add = true, strides = array<i32>} : memref<32768xf32, #tpu.memory_space<vmem>>, vector<16xf32>,
      %add3A_291 = arith.constant 112 : i32
      %add3A_292 = arith.addi %mul3A_229, %add3A_291 : i32
      %get3A_293 = arith.index_cast %add3A_292 : i32 to index
      %get3A_294 = tpu.vector_load %arg5[%get3A_293] {strides = array<i32>} : memref<32768xf32, #tpu.memory_space<vmem>>, vector<16xf32>,
      %get3A_295 = vector.shape_cast %get3A_294 : vector<16xf32> to vector<16xf32>
      %swap3A_296 = arith.index_cast %add3A_292 : i32 to index
      %swap3A_297 = tpu.vector_load %arg6[%swap3A_296] {strides = array<i32>} : memref<32768xf32, #tpu.memory_space<vmem>>, vector<16xf32>,
      %swap3A_298 = vector.shape_cast %swap3A_297 : vector<16xf32> to vector<16xf32>
      %swap3A_299 = vector.shape_cast %get3A_295 : vector<16xf32> to vector<16xf32>
      tpu.vector_store %arg6[%swap3A_296], %swap3A_299 {add = true, strides = array<i32>} : memref<32768xf32, #tpu.memory_space<vmem>>, vector<16xf32>,
      %scan3A_300 = arith.constant 0 : i32
      scf.yield %scan3A_300 : i32
    }
    %scan3A_167 = arith.constant 256 : i32
    %mul3A_168 = arith.constant 1024 : i32
    %mul3A_169 = arith.muli %add3A_158, %mul3A_168 : i32
    "tpu.region"() ({
      %run_scoped3A = tpu.sem_alloc : memref<!tpu.dma_semaphore, #tpu.memory_space<semaphore_mem>>
      %dma_start3A = tpu.memref_slice %arg4[%mul3A_169] : memref<16777216xf32, #tpu.memory_space<hbm>> -> memref<32768xf32, #tpu.memory_space<hbm>>
      %dma_start3A_226 = tpu.memref_slice %arg4[%mul3A_169] : memref<16777216xf32, #tpu.memory_space<hbm>> -> memref<32768xf32, #tpu.memory_space<hbm>>
      tpu.enqueue_dma source(%arg6 : memref<32768xf32, #tpu.memory_space<vmem>>) target(%dma_start3A_226 : memref<32768xf32, #tpu.memory_space<hbm>>) target_semaphore(%run_scoped3A : memref<!tpu.dma_semaphore, #tpu.memory_space<semaphore_mem>>)
      %dma_wait3A = tpu.memref_slice %arg4[%mul3A_169] : memref<16777216xf32, #tpu.memory_space<hbm>> -> memref<32768xf32, #tpu.memory_space<hbm>>
      %dma_wait3A_227 = tpu.memref_slice %arg4[%mul3A_169] : memref<16777216xf32, #tpu.memory_space<hbm>> -> memref<32768xf32, #tpu.memory_space<hbm>>
      tpu.wait_dma2 semaphore(%run_scoped3A : memref<!tpu.dma_semaphore, #tpu.memory_space<semaphore_mem>>) src(%arg6 : memref<32768xf32, #tpu.memory_space<vmem>>) dst(%dma_wait3A_227 : memref<32768xf32, #tpu.memory_space<hbm>>)
      tpu.yield
    }) : () -> ()
    %add3A_170 = arith.constant 96 : i32
    %add3A_171 = arith.addi %mul3A_2, %add3A_170 : i32
    %mul3A_172 = arith.constant 1024 : i32
    %mul3A_173 = arith.muli %add3A_171, %mul3A_172 : i32
    "tpu.region"() ({
      %run_scoped3A = tpu.sem_alloc : memref<!tpu.dma_semaphore, #tpu.memory_space<semaphore_mem>>
      %dma_start3A = tpu.memref_slice %arg3[%mul3A_173] : memref<8388608xf32, #tpu.memory_space<hbm>> -> memref<32768xf32, #tpu.memory_space<hbm>>
      %dma_start3A_226 = tpu.memref_slice %arg3[%mul3A_173] : memref<8388608xf32, #tpu.memory_space<hbm>> -> memref<32768xf32, #tpu.memory_space<hbm>>
      tpu.enqueue_dma source(%dma_start3A_226 : memref<32768xf32, #tpu.memory_space<hbm>>) target(%arg5 : memref<32768xf32, #tpu.memory_space<vmem>>) target_semaphore(%run_scoped3A : memref<!tpu.dma_semaphore, #tpu.memory_space<semaphore_mem>>)
      %dma_wait3A = tpu.memref_slice %arg3[%mul3A_173] : memref<8388608xf32, #tpu.memory_space<hbm>> -> memref<32768xf32, #tpu.memory_space<hbm>>
      %dma_wait3A_227 = tpu.memref_slice %arg3[%mul3A_173] : memref<8388608xf32, #tpu.memory_space<hbm>> -> memref<32768xf32, #tpu.memory_space<hbm>>
      tpu.wait_dma2 semaphore(%run_scoped3A : memref<!tpu.dma_semaphore, #tpu.memory_space<semaphore_mem>>) src(%dma_wait3A_227 : memref<32768xf32, #tpu.memory_space<hbm>>) dst(%arg5 : memref<32768xf32, #tpu.memory_space<vmem>>)
      tpu.yield
    }) : () -> ()
    %add3A_174 = arith.constant 0 : i32
    %add3A_175 = arith.addi %add3A_174, %add3A_171 : i32
    %mul3A_176 = arith.constant 1024 : i32
    %mul3A_177 = arith.muli %add3A_175, %mul3A_176 : i32
    "tpu.region"() ({
      %run_scoped3A = tpu.sem_alloc : memref<!tpu.dma_semaphore, #tpu.memory_space<semaphore_mem>>
      %dma_start3A = tpu.memref_slice %arg2[%mul3A_177] : memref<16777216xf32, #tpu.memory_space<hbm>> -> memref<32768xf32, #tpu.memory_space<hbm>>
      %dma_start3A_226 = tpu.memref_slice %arg2[%mul3A_177] : memref<16777216xf32, #tpu.memory_space<hbm>> -> memref<32768xf32, #tpu.memory_space<hbm>>
      tpu.enqueue_dma source(%dma_start3A_226 : memref<32768xf32, #tpu.memory_space<hbm>>) target(%arg6 : memref<32768xf32, #tpu.memory_space<vmem>>) target_semaphore(%run_scoped3A : memref<!tpu.dma_semaphore, #tpu.memory_space<semaphore_mem>>)
      %dma_wait3A = tpu.memref_slice %arg2[%mul3A_177] : memref<16777216xf32, #tpu.memory_space<hbm>> -> memref<32768xf32, #tpu.memory_space<hbm>>
      %dma_wait3A_227 = tpu.memref_slice %arg2[%mul3A_177] : memref<16777216xf32, #tpu.memory_space<hbm>> -> memref<32768xf32, #tpu.memory_space<hbm>>
      tpu.wait_dma2 semaphore(%run_scoped3A : memref<!tpu.dma_semaphore, #tpu.memory_space<semaphore_mem>>) src(%dma_wait3A_227 : memref<32768xf32, #tpu.memory_space<hbm>>) dst(%arg6 : memref<32768xf32, #tpu.memory_space<vmem>>)
      tpu.yield
    }) : () -> ()
    %scan3A_178 = arith.constant 0 : i32
    %scan3A_179 = arith.constant 0 : i32
    %scan3A_180 = arith.constant 256 : i32
    %scan3A_181 = arith.addi %scan3A_179, %scan3A_180 : i32
    %scan3A_182 = arith.constant 1 : i32
    %scan3A_183 = scf.for %scan3A_226 = %scan3A_179 to %scan3A_181 step %scan3A_182 iter_args(%scan3A_227 = %scan3A_178) -> (i32)  : i32 {
      %mul3A_228 = arith.constant 128 : i32
      %mul3A_229 = arith.muli %scan3A_226, %mul3A_228 : i32
      %add3A_230 = arith.constant 0 : i32
      %add3A_231 = arith.addi %mul3A_229, %add3A_230 : i32
      %get3A = arith.index_cast %add3A_231 : i32 to index
      %get3A_232 = tpu.vector_load %arg5[%get3A] {strides = array<i32>} : memref<32768xf32, #tpu.memory_space<vmem>>, vector<16xf32>,
      %get3A_233 = vector.shape_cast %get3A_232 : vector<16xf32> to vector<16xf32>
      %swap3A = arith.index_cast %add3A_231 : i32 to index
      %swap3A_234 = tpu.vector_load %arg6[%swap3A] {strides = array<i32>} : memref<32768xf32, #tpu.memory_space<vmem>>, vector<16xf32>,
      %swap3A_235 = vector.shape_cast %swap3A_234 : vector<16xf32> to vector<16xf32>
      %swap3A_236 = vector.shape_cast %get3A_233 : vector<16xf32> to vector<16xf32>
      tpu.vector_store %arg6[%swap3A], %swap3A_236 {add = true, strides = array<i32>} : memref<32768xf32, #tpu.memory_space<vmem>>, vector<16xf32>,
      %add3A_237 = arith.constant 16 : i32
      %add3A_238 = arith.addi %mul3A_229, %add3A_237 : i32
      %get3A_239 = arith.index_cast %add3A_238 : i32 to index
      %get3A_240 = tpu.vector_load %arg5[%get3A_239] {strides = array<i32>} : memref<32768xf32, #tpu.memory_space<vmem>>, vector<16xf32>,
      %get3A_241 = vector.shape_cast %get3A_240 : vector<16xf32> to vector<16xf32>
      %swap3A_242 = arith.index_cast %add3A_238 : i32 to index
      %swap3A_243 = tpu.vector_load %arg6[%swap3A_242] {strides = array<i32>} : memref<32768xf32, #tpu.memory_space<vmem>>, vector<16xf32>,
      %swap3A_244 = vector.shape_cast %swap3A_243 : vector<16xf32> to vector<16xf32>
      %swap3A_245 = vector.shape_cast %get3A_241 : vector<16xf32> to vector<16xf32>
      tpu.vector_store %arg6[%swap3A_242], %swap3A_245 {add = true, strides = array<i32>} : memref<32768xf32, #tpu.memory_space<vmem>>, vector<16xf32>,
      %add3A_246 = arith.constant 32 : i32
      %add3A_247 = arith.addi %mul3A_229, %add3A_246 : i32
      %get3A_248 = arith.index_cast %add3A_247 : i32 to index
      %get3A_249 = tpu.vector_load %arg5[%get3A_248] {strides = array<i32>} : memref<32768xf32, #tpu.memory_space<vmem>>, vector<16xf32>,
      %get3A_250 = vector.shape_cast %get3A_249 : vector<16xf32> to vector<16xf32>
      %swap3A_251 = arith.index_cast %add3A_247 : i32 to index
      %swap3A_252 = tpu.vector_load %arg6[%swap3A_251] {strides = array<i32>} : memref<32768xf32, #tpu.memory_space<vmem>>, vector<16xf32>,
      %swap3A_253 = vector.shape_cast %swap3A_252 : vector<16xf32> to vector<16xf32>
      %swap3A_254 = vector.shape_cast %get3A_250 : vector<16xf32> to vector<16xf32>
      tpu.vector_store %arg6[%swap3A_251], %swap3A_254 {add = true, strides = array<i32>} : memref<32768xf32, #tpu.memory_space<vmem>>, vector<16xf32>,
      %add3A_255 = arith.constant 48 : i32
      %add3A_256 = arith.addi %mul3A_229, %add3A_255 : i32
      %get3A_257 = arith.index_cast %add3A_256 : i32 to index
      %get3A_258 = tpu.vector_load %arg5[%get3A_257] {strides = array<i32>} : memref<32768xf32, #tpu.memory_space<vmem>>, vector<16xf32>,
      %get3A_259 = vector.shape_cast %get3A_258 : vector<16xf32> to vector<16xf32>
      %swap3A_260 = arith.index_cast %add3A_256 : i32 to index
      %swap3A_261 = tpu.vector_load %arg6[%swap3A_260] {strides = array<i32>} : memref<32768xf32, #tpu.memory_space<vmem>>, vector<16xf32>,
      %swap3A_262 = vector.shape_cast %swap3A_261 : vector<16xf32> to vector<16xf32>
      %swap3A_263 = vector.shape_cast %get3A_259 : vector<16xf32> to vector<16xf32>
      tpu.vector_store %arg6[%swap3A_260], %swap3A_263 {add = true, strides = array<i32>} : memref<32768xf32, #tpu.memory_space<vmem>>, vector<16xf32>,
      %add3A_264 = arith.constant 64 : i32
      %add3A_265 = arith.addi %mul3A_229, %add3A_264 : i32
      %get3A_266 = arith.index_cast %add3A_265 : i32 to index
      %get3A_267 = tpu.vector_load %arg5[%get3A_266] {strides = array<i32>} : memref<32768xf32, #tpu.memory_space<vmem>>, vector<16xf32>,
      %get3A_268 = vector.shape_cast %get3A_267 : vector<16xf32> to vector<16xf32>
      %swap3A_269 = arith.index_cast %add3A_265 : i32 to index
      %swap3A_270 = tpu.vector_load %arg6[%swap3A_269] {strides = array<i32>} : memref<32768xf32, #tpu.memory_space<vmem>>, vector<16xf32>,
      %swap3A_271 = vector.shape_cast %swap3A_270 : vector<16xf32> to vector<16xf32>
      %swap3A_272 = vector.shape_cast %get3A_268 : vector<16xf32> to vector<16xf32>
      tpu.vector_store %arg6[%swap3A_269], %swap3A_272 {add = true, strides = array<i32>} : memref<32768xf32, #tpu.memory_space<vmem>>, vector<16xf32>,
      %add3A_273 = arith.constant 80 : i32
      %add3A_274 = arith.addi %mul3A_229, %add3A_273 : i32
      %get3A_275 = arith.index_cast %add3A_274 : i32 to index
      %get3A_276 = tpu.vector_load %arg5[%get3A_275] {strides = array<i32>} : memref<32768xf32, #tpu.memory_space<vmem>>, vector<16xf32>,
      %get3A_277 = vector.shape_cast %get3A_276 : vector<16xf32> to vector<16xf32>
      %swap3A_278 = arith.index_cast %add3A_274 : i32 to index
      %swap3A_279 = tpu.vector_load %arg6[%swap3A_278] {strides = array<i32>} : memref<32768xf32, #tpu.memory_space<vmem>>, vector<16xf32>,
      %swap3A_280 = vector.shape_cast %swap3A_279 : vector<16xf32> to vector<16xf32>
      %swap3A_281 = vector.shape_cast %get3A_277 : vector<16xf32> to vector<16xf32>
      tpu.vector_store %arg6[%swap3A_278], %swap3A_281 {add = true, strides = array<i32>} : memref<32768xf32, #tpu.memory_space<vmem>>, vector<16xf32>,
      %add3A_282 = arith.constant 96 : i32
      %add3A_283 = arith.addi %mul3A_229, %add3A_282 : i32
      %get3A_284 = arith.index_cast %add3A_283 : i32 to index
      %get3A_285 = tpu.vector_load %arg5[%get3A_284] {strides = array<i32>} : memref<32768xf32, #tpu.memory_space<vmem>>, vector<16xf32>,
      %get3A_286 = vector.shape_cast %get3A_285 : vector<16xf32> to vector<16xf32>
      %swap3A_287 = arith.index_cast %add3A_283 : i32 to index
      %swap3A_288 = tpu.vector_load %arg6[%swap3A_287] {strides = array<i32>} : memref<32768xf32, #tpu.memory_space<vmem>>, vector<16xf32>,
      %swap3A_289 = vector.shape_cast %swap3A_288 : vector<16xf32> to vector<16xf32>
      %swap3A_290 = vector.shape_cast %get3A_286 : vector<16xf32> to vector<16xf32>
      tpu.vector_store %arg6[%swap3A_287], %swap3A_290 {add = true, strides = array<i32>} : memref<32768xf32, #tpu.memory_space<vmem>>, vector<16xf32>,
      %add3A_291 = arith.constant 112 : i32
      %add3A_292 = arith.addi %mul3A_229, %add3A_291 : i32
      %get3A_293 = arith.index_cast %add3A_292 : i32 to index
      %get3A_294 = tpu.vector_load %arg5[%get3A_293] {strides = array<i32>} : memref<32768xf32, #tpu.memory_space<vmem>>, vector<16xf32>,
      %get3A_295 = vector.shape_cast %get3A_294 : vector<16xf32> to vector<16xf32>
      %swap3A_296 = arith.index_cast %add3A_292 : i32 to index
      %swap3A_297 = tpu.vector_load %arg6[%swap3A_296] {strides = array<i32>} : memref<32768xf32, #tpu.memory_space<vmem>>, vector<16xf32>,
      %swap3A_298 = vector.shape_cast %swap3A_297 : vector<16xf32> to vector<16xf32>
      %swap3A_299 = vector.shape_cast %get3A_295 : vector<16xf32> to vector<16xf32>
      tpu.vector_store %arg6[%swap3A_296], %swap3A_299 {add = true, strides = array<i32>} : memref<32768xf32, #tpu.memory_space<vmem>>, vector<16xf32>,
      %scan3A_300 = arith.constant 0 : i32
      scf.yield %scan3A_300 : i32
    }
    %scan3A_184 = arith.constant 256 : i32
    %mul3A_185 = arith.constant 1024 : i32
    %mul3A_186 = arith.muli %add3A_175, %mul3A_185 : i32
    "tpu.region"() ({
      %run_scoped3A = tpu.sem_alloc : memref<!tpu.dma_semaphore, #tpu.memory_space<semaphore_mem>>
      %dma_start3A = tpu.memref_slice %arg4[%mul3A_186] : memref<16777216xf32, #tpu.memory_space<hbm>> -> memref<32768xf32, #tpu.memory_space<hbm>>
      %dma_start3A_226 = tpu.memref_slice %arg4[%mul3A_186] : memref<16777216xf32, #tpu.memory_space<hbm>> -> memref<32768xf32, #tpu.memory_space<hbm>>
      tpu.enqueue_dma source(%arg6 : memref<32768xf32, #tpu.memory_space<vmem>>) target(%dma_start3A_226 : memref<32768xf32, #tpu.memory_space<hbm>>) target_semaphore(%run_scoped3A : memref<!tpu.dma_semaphore, #tpu.memory_space<semaphore_mem>>)
      %dma_wait3A = tpu.memref_slice %arg4[%mul3A_186] : memref<16777216xf32, #tpu.memory_space<hbm>> -> memref<32768xf32, #tpu.memory_space<hbm>>
      %dma_wait3A_227 = tpu.memref_slice %arg4[%mul3A_186] : memref<16777216xf32, #tpu.memory_space<hbm>> -> memref<32768xf32, #tpu.memory_space<hbm>>
      tpu.wait_dma2 semaphore(%run_scoped3A : memref<!tpu.dma_semaphore, #tpu.memory_space<semaphore_mem>>) src(%arg6 : memref<32768xf32, #tpu.memory_space<vmem>>) dst(%dma_wait3A_227 : memref<32768xf32, #tpu.memory_space<hbm>>)
      tpu.yield
    }) : () -> ()
    %add3A_187 = arith.constant 4096 : i32
    %add3A_188 = arith.addi %add3A_187, %add3A_171 : i32
    %mul3A_189 = arith.constant 1024 : i32
    %mul3A_190 = arith.muli %add3A_188, %mul3A_189 : i32
    "tpu.region"() ({
      %run_scoped3A = tpu.sem_alloc : memref<!tpu.dma_semaphore, #tpu.memory_space<semaphore_mem>>
      %dma_start3A = tpu.memref_slice %arg2[%mul3A_190] : memref<16777216xf32, #tpu.memory_space<hbm>> -> memref<32768xf32, #tpu.memory_space<hbm>>
      %dma_start3A_226 = tpu.memref_slice %arg2[%mul3A_190] : memref<16777216xf32, #tpu.memory_space<hbm>> -> memref<32768xf32, #tpu.memory_space<hbm>>
      tpu.enqueue_dma source(%dma_start3A_226 : memref<32768xf32, #tpu.memory_space<hbm>>) target(%arg6 : memref<32768xf32, #tpu.memory_space<vmem>>) target_semaphore(%run_scoped3A : memref<!tpu.dma_semaphore, #tpu.memory_space<semaphore_mem>>)
      %dma_wait3A = tpu.memref_slice %arg2[%mul3A_190] : memref<16777216xf32, #tpu.memory_space<hbm>> -> memref<32768xf32, #tpu.memory_space<hbm>>
      %dma_wait3A_227 = tpu.memref_slice %arg2[%mul3A_190] : memref<16777216xf32, #tpu.memory_space<hbm>> -> memref<32768xf32, #tpu.memory_space<hbm>>
      tpu.wait_dma2 semaphore(%run_scoped3A : memref<!tpu.dma_semaphore, #tpu.memory_space<semaphore_mem>>) src(%dma_wait3A_227 : memref<32768xf32, #tpu.memory_space<hbm>>) dst(%arg6 : memref<32768xf32, #tpu.memory_space<vmem>>)
      tpu.yield
    }) : () -> ()
    %scan3A_191 = arith.constant 0 : i32
    %scan3A_192 = arith.constant 0 : i32
    %scan3A_193 = arith.constant 256 : i32
    %scan3A_194 = arith.addi %scan3A_192, %scan3A_193 : i32
    %scan3A_195 = arith.constant 1 : i32
    %scan3A_196 = scf.for %scan3A_226 = %scan3A_192 to %scan3A_194 step %scan3A_195 iter_args(%scan3A_227 = %scan3A_191) -> (i32)  : i32 {
      %mul3A_228 = arith.constant 128 : i32
      %mul3A_229 = arith.muli %scan3A_226, %mul3A_228 : i32
      %add3A_230 = arith.constant 0 : i32
      %add3A_231 = arith.addi %mul3A_229, %add3A_230 : i32
      %get3A = arith.index_cast %add3A_231 : i32 to index
      %get3A_232 = tpu.vector_load %arg5[%get3A] {strides = array<i32>} : memref<32768xf32, #tpu.memory_space<vmem>>, vector<16xf32>,
      %get3A_233 = vector.shape_cast %get3A_232 : vector<16xf32> to vector<16xf32>
      %swap3A = arith.index_cast %add3A_231 : i32 to index
      %swap3A_234 = tpu.vector_load %arg6[%swap3A] {strides = array<i32>} : memref<32768xf32, #tpu.memory_space<vmem>>, vector<16xf32>,
      %swap3A_235 = vector.shape_cast %swap3A_234 : vector<16xf32> to vector<16xf32>
      %swap3A_236 = vector.shape_cast %get3A_233 : vector<16xf32> to vector<16xf32>
      tpu.vector_store %arg6[%swap3A], %swap3A_236 {add = true, strides = array<i32>} : memref<32768xf32, #tpu.memory_space<vmem>>, vector<16xf32>,
      %add3A_237 = arith.constant 16 : i32
      %add3A_238 = arith.addi %mul3A_229, %add3A_237 : i32
      %get3A_239 = arith.index_cast %add3A_238 : i32 to index
      %get3A_240 = tpu.vector_load %arg5[%get3A_239] {strides = array<i32>} : memref<32768xf32, #tpu.memory_space<vmem>>, vector<16xf32>,
      %get3A_241 = vector.shape_cast %get3A_240 : vector<16xf32> to vector<16xf32>
      %swap3A_242 = arith.index_cast %add3A_238 : i32 to index
      %swap3A_243 = tpu.vector_load %arg6[%swap3A_242] {strides = array<i32>} : memref<32768xf32, #tpu.memory_space<vmem>>, vector<16xf32>,
      %swap3A_244 = vector.shape_cast %swap3A_243 : vector<16xf32> to vector<16xf32>
      %swap3A_245 = vector.shape_cast %get3A_241 : vector<16xf32> to vector<16xf32>
      tpu.vector_store %arg6[%swap3A_242], %swap3A_245 {add = true, strides = array<i32>} : memref<32768xf32, #tpu.memory_space<vmem>>, vector<16xf32>,
      %add3A_246 = arith.constant 32 : i32
      %add3A_247 = arith.addi %mul3A_229, %add3A_246 : i32
      %get3A_248 = arith.index_cast %add3A_247 : i32 to index
      %get3A_249 = tpu.vector_load %arg5[%get3A_248] {strides = array<i32>} : memref<32768xf32, #tpu.memory_space<vmem>>, vector<16xf32>,
      %get3A_250 = vector.shape_cast %get3A_249 : vector<16xf32> to vector<16xf32>
      %swap3A_251 = arith.index_cast %add3A_247 : i32 to index
      %swap3A_252 = tpu.vector_load %arg6[%swap3A_251] {strides = array<i32>} : memref<32768xf32, #tpu.memory_space<vmem>>, vector<16xf32>,
      %swap3A_253 = vector.shape_cast %swap3A_252 : vector<16xf32> to vector<16xf32>
      %swap3A_254 = vector.shape_cast %get3A_250 : vector<16xf32> to vector<16xf32>
      tpu.vector_store %arg6[%swap3A_251], %swap3A_254 {add = true, strides = array<i32>} : memref<32768xf32, #tpu.memory_space<vmem>>, vector<16xf32>,
      %add3A_255 = arith.constant 48 : i32
      %add3A_256 = arith.addi %mul3A_229, %add3A_255 : i32
      %get3A_257 = arith.index_cast %add3A_256 : i32 to index
      %get3A_258 = tpu.vector_load %arg5[%get3A_257] {strides = array<i32>} : memref<32768xf32, #tpu.memory_space<vmem>>, vector<16xf32>,
      %get3A_259 = vector.shape_cast %get3A_258 : vector<16xf32> to vector<16xf32>
      %swap3A_260 = arith.index_cast %add3A_256 : i32 to index
      %swap3A_261 = tpu.vector_load %arg6[%swap3A_260] {strides = array<i32>} : memref<32768xf32, #tpu.memory_space<vmem>>, vector<16xf32>,
      %swap3A_262 = vector.shape_cast %swap3A_261 : vector<16xf32> to vector<16xf32>
      %swap3A_263 = vector.shape_cast %get3A_259 : vector<16xf32> to vector<16xf32>
      tpu.vector_store %arg6[%swap3A_260], %swap3A_263 {add = true, strides = array<i32>} : memref<32768xf32, #tpu.memory_space<vmem>>, vector<16xf32>,
      %add3A_264 = arith.constant 64 : i32
      %add3A_265 = arith.addi %mul3A_229, %add3A_264 : i32
      %get3A_266 = arith.index_cast %add3A_265 : i32 to index
      %get3A_267 = tpu.vector_load %arg5[%get3A_266] {strides = array<i32>} : memref<32768xf32, #tpu.memory_space<vmem>>, vector<16xf32>,
      %get3A_268 = vector.shape_cast %get3A_267 : vector<16xf32> to vector<16xf32>
      %swap3A_269 = arith.index_cast %add3A_265 : i32 to index
      %swap3A_270 = tpu.vector_load %arg6[%swap3A_269] {strides = array<i32>} : memref<32768xf32, #tpu.memory_space<vmem>>, vector<16xf32>,
      %swap3A_271 = vector.shape_cast %swap3A_270 : vector<16xf32> to vector<16xf32>
      %swap3A_272 = vector.shape_cast %get3A_268 : vector<16xf32> to vector<16xf32>
      tpu.vector_store %arg6[%swap3A_269], %swap3A_272 {add = true, strides = array<i32>} : memref<32768xf32, #tpu.memory_space<vmem>>, vector<16xf32>,
      %add3A_273 = arith.constant 80 : i32
      %add3A_274 = arith.addi %mul3A_229, %add3A_273 : i32
      %get3A_275 = arith.index_cast %add3A_274 : i32 to index
      %get3A_276 = tpu.vector_load %arg5[%get3A_275] {strides = array<i32>} : memref<32768xf32, #tpu.memory_space<vmem>>, vector<16xf32>,
      %get3A_277 = vector.shape_cast %get3A_276 : vector<16xf32> to vector<16xf32>
      %swap3A_278 = arith.index_cast %add3A_274 : i32 to index
      %swap3A_279 = tpu.vector_load %arg6[%swap3A_278] {strides = array<i32>} : memref<32768xf32, #tpu.memory_space<vmem>>, vector<16xf32>,
      %swap3A_280 = vector.shape_cast %swap3A_279 : vector<16xf32> to vector<16xf32>
      %swap3A_281 = vector.shape_cast %get3A_277 : vector<16xf32> to vector<16xf32>
      tpu.vector_store %arg6[%swap3A_278], %swap3A_281 {add = true, strides = array<i32>} : memref<32768xf32, #tpu.memory_space<vmem>>, vector<16xf32>,
      %add3A_282 = arith.constant 96 : i32
      %add3A_283 = arith.addi %mul3A_229, %add3A_282 : i32
      %get3A_284 = arith.index_cast %add3A_283 : i32 to index
      %get3A_285 = tpu.vector_load %arg5[%get3A_284] {strides = array<i32>} : memref<32768xf32, #tpu.memory_space<vmem>>, vector<16xf32>,
      %get3A_286 = vector.shape_cast %get3A_285 : vector<16xf32> to vector<16xf32>
      %swap3A_287 = arith.index_cast %add3A_283 : i32 to index
      %swap3A_288 = tpu.vector_load %arg6[%swap3A_287] {strides = array<i32>} : memref<32768xf32, #tpu.memory_space<vmem>>, vector<16xf32>,
      %swap3A_289 = vector.shape_cast %swap3A_288 : vector<16xf32> to vector<16xf32>
      %swap3A_290 = vector.shape_cast %get3A_286 : vector<16xf32> to vector<16xf32>
      tpu.vector_store %arg6[%swap3A_287], %swap3A_290 {add = true, strides = array<i32>} : memref<32768xf32, #tpu.memory_space<vmem>>, vector<16xf32>,
      %add3A_291 = arith.constant 112 : i32
      %add3A_292 = arith.addi %mul3A_229, %add3A_291 : i32
      %get3A_293 = arith.index_cast %add3A_292 : i32 to index
      %get3A_294 = tpu.vector_load %arg5[%get3A_293] {strides = array<i32>} : memref<32768xf32, #tpu.memory_space<vmem>>, vector<16xf32>,
      %get3A_295 = vector.shape_cast %get3A_294 : vector<16xf32> to vector<16xf32>
      %swap3A_296 = arith.index_cast %add3A_292 : i32 to index
      %swap3A_297 = tpu.vector_load %arg6[%swap3A_296] {strides = array<i32>} : memref<32768xf32, #tpu.memory_space<vmem>>, vector<16xf32>,
      %swap3A_298 = vector.shape_cast %swap3A_297 : vector<16xf32> to vector<16xf32>
      %swap3A_299 = vector.shape_cast %get3A_295 : vector<16xf32> to vector<16xf32>
      tpu.vector_store %arg6[%swap3A_296], %swap3A_299 {add = true, strides = array<i32>} : memref<32768xf32, #tpu.memory_space<vmem>>, vector<16xf32>,
      %scan3A_300 = arith.constant 0 : i32
      scf.yield %scan3A_300 : i32
    }
    %scan3A_197 = arith.constant 256 : i32
    %mul3A_198 = arith.constant 1024 : i32
    %mul3A_199 = arith.muli %add3A_188, %mul3A_198 : i32
    "tpu.region"() ({
      %run_scoped3A = tpu.sem_alloc : memref<!tpu.dma_semaphore, #tpu.memory_space<semaphore_mem>>
      %dma_start3A = tpu.memref_slice %arg4[%mul3A_199] : memref<16777216xf32, #tpu.memory_space<hbm>> -> memref<32768xf32, #tpu.memory_space<hbm>>
      %dma_start3A_226 = tpu.memref_slice %arg4[%mul3A_199] : memref<16777216xf32, #tpu.memory_space<hbm>> -> memref<32768xf32, #tpu.memory_space<hbm>>
      tpu.enqueue_dma source(%arg6 : memref<32768xf32, #tpu.memory_space<vmem>>) target(%dma_start3A_226 : memref<32768xf32, #tpu.memory_space<hbm>>) target_semaphore(%run_scoped3A : memref<!tpu.dma_semaphore, #tpu.memory_space<semaphore_mem>>)
      %dma_wait3A = tpu.memref_slice %arg4[%mul3A_199] : memref<16777216xf32, #tpu.memory_space<hbm>> -> memref<32768xf32, #tpu.memory_space<hbm>>
      %dma_wait3A_227 = tpu.memref_slice %arg4[%mul3A_199] : memref<16777216xf32, #tpu.memory_space<hbm>> -> memref<32768xf32, #tpu.memory_space<hbm>>
      tpu.wait_dma2 semaphore(%run_scoped3A : memref<!tpu.dma_semaphore, #tpu.memory_space<semaphore_mem>>) src(%arg6 : memref<32768xf32, #tpu.memory_space<vmem>>) dst(%dma_wait3A_227 : memref<32768xf32, #tpu.memory_space<hbm>>)
      tpu.yield
    }) : () -> ()
    %add3A_200 = arith.constant 8192 : i32
    %add3A_201 = arith.addi %add3A_200, %add3A_171 : i32
    %mul3A_202 = arith.constant 1024 : i32
    %mul3A_203 = arith.muli %add3A_201, %mul3A_202 : i32
    "tpu.region"() ({
      %run_scoped3A = tpu.sem_alloc : memref<!tpu.dma_semaphore, #tpu.memory_space<semaphore_mem>>
      %dma_start3A = tpu.memref_slice %arg2[%mul3A_203] : memref<16777216xf32, #tpu.memory_space<hbm>> -> memref<32768xf32, #tpu.memory_space<hbm>>
      %dma_start3A_226 = tpu.memref_slice %arg2[%mul3A_203] : memref<16777216xf32, #tpu.memory_space<hbm>> -> memref<32768xf32, #tpu.memory_space<hbm>>
      tpu.enqueue_dma source(%dma_start3A_226 : memref<32768xf32, #tpu.memory_space<hbm>>) target(%arg6 : memref<32768xf32, #tpu.memory_space<vmem>>) target_semaphore(%run_scoped3A : memref<!tpu.dma_semaphore, #tpu.memory_space<semaphore_mem>>)
      %dma_wait3A = tpu.memref_slice %arg2[%mul3A_203] : memref<16777216xf32, #tpu.memory_space<hbm>> -> memref<32768xf32, #tpu.memory_space<hbm>>
      %dma_wait3A_227 = tpu.memref_slice %arg2[%mul3A_203] : memref<16777216xf32, #tpu.memory_space<hbm>> -> memref<32768xf32, #tpu.memory_space<hbm>>
      tpu.wait_dma2 semaphore(%run_scoped3A : memref<!tpu.dma_semaphore, #tpu.memory_space<semaphore_mem>>) src(%dma_wait3A_227 : memref<32768xf32, #tpu.memory_space<hbm>>) dst(%arg6 : memref<32768xf32, #tpu.memory_space<vmem>>)
      tpu.yield
    }) : () -> ()
    %scan3A_204 = arith.constant 0 : i32
    %scan3A_205 = arith.constant 0 : i32
    %scan3A_206 = arith.constant 256 : i32
    %scan3A_207 = arith.addi %scan3A_205, %scan3A_206 : i32
    %scan3A_208 = arith.constant 1 : i32
    %scan3A_209 = scf.for %scan3A_226 = %scan3A_205 to %scan3A_207 step %scan3A_208 iter_args(%scan3A_227 = %scan3A_204) -> (i32)  : i32 {
      %mul3A_228 = arith.constant 128 : i32
      %mul3A_229 = arith.muli %scan3A_226, %mul3A_228 : i32
      %add3A_230 = arith.constant 0 : i32
      %add3A_231 = arith.addi %mul3A_229, %add3A_230 : i32
      %get3A = arith.index_cast %add3A_231 : i32 to index
      %get3A_232 = tpu.vector_load %arg5[%get3A] {strides = array<i32>} : memref<32768xf32, #tpu.memory_space<vmem>>, vector<16xf32>,
      %get3A_233 = vector.shape_cast %get3A_232 : vector<16xf32> to vector<16xf32>
      %swap3A = arith.index_cast %add3A_231 : i32 to index
      %swap3A_234 = tpu.vector_load %arg6[%swap3A] {strides = array<i32>} : memref<32768xf32, #tpu.memory_space<vmem>>, vector<16xf32>,
      %swap3A_235 = vector.shape_cast %swap3A_234 : vector<16xf32> to vector<16xf32>
      %swap3A_236 = vector.shape_cast %get3A_233 : vector<16xf32> to vector<16xf32>
      tpu.vector_store %arg6[%swap3A], %swap3A_236 {add = true, strides = array<i32>} : memref<32768xf32, #tpu.memory_space<vmem>>, vector<16xf32>,
      %add3A_237 = arith.constant 16 : i32
      %add3A_238 = arith.addi %mul3A_229, %add3A_237 : i32
      %get3A_239 = arith.index_cast %add3A_238 : i32 to index
      %get3A_240 = tpu.vector_load %arg5[%get3A_239] {strides = array<i32>} : memref<32768xf32, #tpu.memory_space<vmem>>, vector<16xf32>,
      %get3A_241 = vector.shape_cast %get3A_240 : vector<16xf32> to vector<16xf32>
      %swap3A_242 = arith.index_cast %add3A_238 : i32 to index
      %swap3A_243 = tpu.vector_load %arg6[%swap3A_242] {strides = array<i32>} : memref<32768xf32, #tpu.memory_space<vmem>>, vector<16xf32>,
      %swap3A_244 = vector.shape_cast %swap3A_243 : vector<16xf32> to vector<16xf32>
      %swap3A_245 = vector.shape_cast %get3A_241 : vector<16xf32> to vector<16xf32>
      tpu.vector_store %arg6[%swap3A_242], %swap3A_245 {add = true, strides = array<i32>} : memref<32768xf32, #tpu.memory_space<vmem>>, vector<16xf32>,
      %add3A_246 = arith.constant 32 : i32
      %add3A_247 = arith.addi %mul3A_229, %add3A_246 : i32
      %get3A_248 = arith.index_cast %add3A_247 : i32 to index
      %get3A_249 = tpu.vector_load %arg5[%get3A_248] {strides = array<i32>} : memref<32768xf32, #tpu.memory_space<vmem>>, vector<16xf32>,
      %get3A_250 = vector.shape_cast %get3A_249 : vector<16xf32> to vector<16xf32>
      %swap3A_251 = arith.index_cast %add3A_247 : i32 to index
      %swap3A_252 = tpu.vector_load %arg6[%swap3A_251] {strides = array<i32>} : memref<32768xf32, #tpu.memory_space<vmem>>, vector<16xf32>,
      %swap3A_253 = vector.shape_cast %swap3A_252 : vector<16xf32> to vector<16xf32>
      %swap3A_254 = vector.shape_cast %get3A_250 : vector<16xf32> to vector<16xf32>
      tpu.vector_store %arg6[%swap3A_251], %swap3A_254 {add = true, strides = array<i32>} : memref<32768xf32, #tpu.memory_space<vmem>>, vector<16xf32>,
      %add3A_255 = arith.constant 48 : i32
      %add3A_256 = arith.addi %mul3A_229, %add3A_255 : i32
      %get3A_257 = arith.index_cast %add3A_256 : i32 to index
      %get3A_258 = tpu.vector_load %arg5[%get3A_257] {strides = array<i32>} : memref<32768xf32, #tpu.memory_space<vmem>>, vector<16xf32>,
      %get3A_259 = vector.shape_cast %get3A_258 : vector<16xf32> to vector<16xf32>
      %swap3A_260 = arith.index_cast %add3A_256 : i32 to index
      %swap3A_261 = tpu.vector_load %arg6[%swap3A_260] {strides = array<i32>} : memref<32768xf32, #tpu.memory_space<vmem>>, vector<16xf32>,
      %swap3A_262 = vector.shape_cast %swap3A_261 : vector<16xf32> to vector<16xf32>
      %swap3A_263 = vector.shape_cast %get3A_259 : vector<16xf32> to vector<16xf32>
      tpu.vector_store %arg6[%swap3A_260], %swap3A_263 {add = true, strides = array<i32>} : memref<32768xf32, #tpu.memory_space<vmem>>, vector<16xf32>,
      %add3A_264 = arith.constant 64 : i32
      %add3A_265 = arith.addi %mul3A_229, %add3A_264 : i32
      %get3A_266 = arith.index_cast %add3A_265 : i32 to index
      %get3A_267 = tpu.vector_load %arg5[%get3A_266] {strides = array<i32>} : memref<32768xf32, #tpu.memory_space<vmem>>, vector<16xf32>,
      %get3A_268 = vector.shape_cast %get3A_267 : vector<16xf32> to vector<16xf32>
      %swap3A_269 = arith.index_cast %add3A_265 : i32 to index
      %swap3A_270 = tpu.vector_load %arg6[%swap3A_269] {strides = array<i32>} : memref<32768xf32, #tpu.memory_space<vmem>>, vector<16xf32>,
      %swap3A_271 = vector.shape_cast %swap3A_270 : vector<16xf32> to vector<16xf32>
      %swap3A_272 = vector.shape_cast %get3A_268 : vector<16xf32> to vector<16xf32>
      tpu.vector_store %arg6[%swap3A_269], %swap3A_272 {add = true, strides = array<i32>} : memref<32768xf32, #tpu.memory_space<vmem>>, vector<16xf32>,
      %add3A_273 = arith.constant 80 : i32
      %add3A_274 = arith.addi %mul3A_229, %add3A_273 : i32
      %get3A_275 = arith.index_cast %add3A_274 : i32 to index
      %get3A_276 = tpu.vector_load %arg5[%get3A_275] {strides = array<i32>} : memref<32768xf32, #tpu.memory_space<vmem>>, vector<16xf32>,
      %get3A_277 = vector.shape_cast %get3A_276 : vector<16xf32> to vector<16xf32>
      %swap3A_278 = arith.index_cast %add3A_274 : i32 to index
      %swap3A_279 = tpu.vector_load %arg6[%swap3A_278] {strides = array<i32>} : memref<32768xf32, #tpu.memory_space<vmem>>, vector<16xf32>,
      %swap3A_280 = vector.shape_cast %swap3A_279 : vector<16xf32> to vector<16xf32>
      %swap3A_281 = vector.shape_cast %get3A_277 : vector<16xf32> to vector<16xf32>
      tpu.vector_store %arg6[%swap3A_278], %swap3A_281 {add = true, strides = array<i32>} : memref<32768xf32, #tpu.memory_space<vmem>>, vector<16xf32>,
      %add3A_282 = arith.constant 96 : i32
      %add3A_283 = arith.addi %mul3A_229, %add3A_282 : i32
      %get3A_284 = arith.index_cast %add3A_283 : i32 to index
      %get3A_285 = tpu.vector_load %arg5[%get3A_284] {strides = array<i32>} : memref<32768xf32, #tpu.memory_space<vmem>>, vector<16xf32>,
      %get3A_286 = vector.shape_cast %get3A_285 : vector<16xf32> to vector<16xf32>
      %swap3A_287 = arith.index_cast %add3A_283 : i32 to index
      %swap3A_288 = tpu.vector_load %arg6[%swap3A_287] {strides = array<i32>} : memref<32768xf32, #tpu.memory_space<vmem>>, vector<16xf32>,
      %swap3A_289 = vector.shape_cast %swap3A_288 : vector<16xf32> to vector<16xf32>
      %swap3A_290 = vector.shape_cast %get3A_286 : vector<16xf32> to vector<16xf32>
      tpu.vector_store %arg6[%swap3A_287], %swap3A_290 {add = true, strides = array<i32>} : memref<32768xf32, #tpu.memory_space<vmem>>, vector<16xf32>,
      %add3A_291 = arith.constant 112 : i32
      %add3A_292 = arith.addi %mul3A_229, %add3A_291 : i32
      %get3A_293 = arith.index_cast %add3A_292 : i32 to index
      %get3A_294 = tpu.vector_load %arg5[%get3A_293] {strides = array<i32>} : memref<32768xf32, #tpu.memory_space<vmem>>, vector<16xf32>,
      %get3A_295 = vector.shape_cast %get3A_294 : vector<16xf32> to vector<16xf32>
      %swap3A_296 = arith.index_cast %add3A_292 : i32 to index
      %swap3A_297 = tpu.vector_load %arg6[%swap3A_296] {strides = array<i32>} : memref<32768xf32, #tpu.memory_space<vmem>>, vector<16xf32>,
      %swap3A_298 = vector.shape_cast %swap3A_297 : vector<16xf32> to vector<16xf32>
      %swap3A_299 = vector.shape_cast %get3A_295 : vector<16xf32> to vector<16xf32>
      tpu.vector_store %arg6[%swap3A_296], %swap3A_299 {add = true, strides = array<i32>} : memref<32768xf32, #tpu.memory_space<vmem>>, vector<16xf32>,
      %scan3A_300 = arith.constant 0 : i32
      scf.yield %scan3A_300 : i32
    }
    %scan3A_210 = arith.constant 256 : i32
    %mul3A_211 = arith.constant 1024 : i32
    %mul3A_212 = arith.muli %add3A_201, %mul3A_211 : i32
    "tpu.region"() ({
      %run_scoped3A = tpu.sem_alloc : memref<!tpu.dma_semaphore, #tpu.memory_space<semaphore_mem>>
      %dma_start3A = tpu.memref_slice %arg4[%mul3A_212] : memref<16777216xf32, #tpu.memory_space<hbm>> -> memref<32768xf32, #tpu.memory_space<hbm>>
      %dma_start3A_226 = tpu.memref_slice %arg4[%mul3A_212] : memref<16777216xf32, #tpu.memory_space<hbm>> -> memref<32768xf32, #tpu.memory_space<hbm>>
      tpu.enqueue_dma source(%arg6 : memref<32768xf32, #tpu.memory_space<vmem>>) target(%dma_start3A_226 : memref<32768xf32, #tpu.memory_space<hbm>>) target_semaphore(%run_scoped3A : memref<!tpu.dma_semaphore, #tpu.memory_space<semaphore_mem>>)
      %dma_wait3A = tpu.memref_slice %arg4[%mul3A_212] : memref<16777216xf32, #tpu.memory_space<hbm>> -> memref<32768xf32, #tpu.memory_space<hbm>>
      %dma_wait3A_227 = tpu.memref_slice %arg4[%mul3A_212] : memref<16777216xf32, #tpu.memory_space<hbm>> -> memref<32768xf32, #tpu.memory_space<hbm>>
      tpu.wait_dma2 semaphore(%run_scoped3A : memref<!tpu.dma_semaphore, #tpu.memory_space<semaphore_mem>>) src(%arg6 : memref<32768xf32, #tpu.memory_space<vmem>>) dst(%dma_wait3A_227 : memref<32768xf32, #tpu.memory_space<hbm>>)
      tpu.yield
    }) : () -> ()
    %add3A_213 = arith.constant 12288 : i32
    %add3A_214 = arith.addi %add3A_213, %add3A_171 : i32
    %mul3A_215 = arith.constant 1024 : i32
    %mul3A_216 = arith.muli %add3A_214, %mul3A_215 : i32
    "tpu.region"() ({
      %run_scoped3A = tpu.sem_alloc : memref<!tpu.dma_semaphore, #tpu.memory_space<semaphore_mem>>
      %dma_start3A = tpu.memref_slice %arg2[%mul3A_216] : memref<16777216xf32, #tpu.memory_space<hbm>> -> memref<32768xf32, #tpu.memory_space<hbm>>
      %dma_start3A_226 = tpu.memref_slice %arg2[%mul3A_216] : memref<16777216xf32, #tpu.memory_space<hbm>> -> memref<32768xf32, #tpu.memory_space<hbm>>
      tpu.enqueue_dma source(%dma_start3A_226 : memref<32768xf32, #tpu.memory_space<hbm>>) target(%arg6 : memref<32768xf32, #tpu.memory_space<vmem>>) target_semaphore(%run_scoped3A : memref<!tpu.dma_semaphore, #tpu.memory_space<semaphore_mem>>)
      %dma_wait3A = tpu.memref_slice %arg2[%mul3A_216] : memref<16777216xf32, #tpu.memory_space<hbm>> -> memref<32768xf32, #tpu.memory_space<hbm>>
      %dma_wait3A_227 = tpu.memref_slice %arg2[%mul3A_216] : memref<16777216xf32, #tpu.memory_space<hbm>> -> memref<32768xf32, #tpu.memory_space<hbm>>
      tpu.wait_dma2 semaphore(%run_scoped3A : memref<!tpu.dma_semaphore, #tpu.memory_space<semaphore_mem>>) src(%dma_wait3A_227 : memref<32768xf32, #tpu.memory_space<hbm>>) dst(%arg6 : memref<32768xf32, #tpu.memory_space<vmem>>)
      tpu.yield
    }) : () -> ()
    %scan3A_217 = arith.constant 0 : i32
    %scan3A_218 = arith.constant 0 : i32
    %scan3A_219 = arith.constant 256 : i32
    %scan3A_220 = arith.addi %scan3A_218, %scan3A_219 : i32
    %scan3A_221 = arith.constant 1 : i32
    %scan3A_222 = scf.for %scan3A_226 = %scan3A_218 to %scan3A_220 step %scan3A_221 iter_args(%scan3A_227 = %scan3A_217) -> (i32)  : i32 {
      %mul3A_228 = arith.constant 128 : i32
      %mul3A_229 = arith.muli %scan3A_226, %mul3A_228 : i32
      %add3A_230 = arith.constant 0 : i32
      %add3A_231 = arith.addi %mul3A_229, %add3A_230 : i32
      %get3A = arith.index_cast %add3A_231 : i32 to index
      %get3A_232 = tpu.vector_load %arg5[%get3A] {strides = array<i32>} : memref<32768xf32, #tpu.memory_space<vmem>>, vector<16xf32>,
      %get3A_233 = vector.shape_cast %get3A_232 : vector<16xf32> to vector<16xf32>
      %swap3A = arith.index_cast %add3A_231 : i32 to index
      %swap3A_234 = tpu.vector_load %arg6[%swap3A] {strides = array<i32>} : memref<32768xf32, #tpu.memory_space<vmem>>, vector<16xf32>,
      %swap3A_235 = vector.shape_cast %swap3A_234 : vector<16xf32> to vector<16xf32>
      %swap3A_236 = vector.shape_cast %get3A_233 : vector<16xf32> to vector<16xf32>
      tpu.vector_store %arg6[%swap3A], %swap3A_236 {add = true, strides = array<i32>} : memref<32768xf32, #tpu.memory_space<vmem>>, vector<16xf32>,
      %add3A_237 = arith.constant 16 : i32
      %add3A_238 = arith.addi %mul3A_229, %add3A_237 : i32
      %get3A_239 = arith.index_cast %add3A_238 : i32 to index
      %get3A_240 = tpu.vector_load %arg5[%get3A_239] {strides = array<i32>} : memref<32768xf32, #tpu.memory_space<vmem>>, vector<16xf32>,
      %get3A_241 = vector.shape_cast %get3A_240 : vector<16xf32> to vector<16xf32>
      %swap3A_242 = arith.index_cast %add3A_238 : i32 to index
      %swap3A_243 = tpu.vector_load %arg6[%swap3A_242] {strides = array<i32>} : memref<32768xf32, #tpu.memory_space<vmem>>, vector<16xf32>,
      %swap3A_244 = vector.shape_cast %swap3A_243 : vector<16xf32> to vector<16xf32>
      %swap3A_245 = vector.shape_cast %get3A_241 : vector<16xf32> to vector<16xf32>
      tpu.vector_store %arg6[%swap3A_242], %swap3A_245 {add = true, strides = array<i32>} : memref<32768xf32, #tpu.memory_space<vmem>>, vector<16xf32>,
      %add3A_246 = arith.constant 32 : i32
      %add3A_247 = arith.addi %mul3A_229, %add3A_246 : i32
      %get3A_248 = arith.index_cast %add3A_247 : i32 to index
      %get3A_249 = tpu.vector_load %arg5[%get3A_248] {strides = array<i32>} : memref<32768xf32, #tpu.memory_space<vmem>>, vector<16xf32>,
      %get3A_250 = vector.shape_cast %get3A_249 : vector<16xf32> to vector<16xf32>
      %swap3A_251 = arith.index_cast %add3A_247 : i32 to index
      %swap3A_252 = tpu.vector_load %arg6[%swap3A_251] {strides = array<i32>} : memref<32768xf32, #tpu.memory_space<vmem>>, vector<16xf32>,
      %swap3A_253 = vector.shape_cast %swap3A_252 : vector<16xf32> to vector<16xf32>
      %swap3A_254 = vector.shape_cast %get3A_250 : vector<16xf32> to vector<16xf32>
      tpu.vector_store %arg6[%swap3A_251], %swap3A_254 {add = true, strides = array<i32>} : memref<32768xf32, #tpu.memory_space<vmem>>, vector<16xf32>,
      %add3A_255 = arith.constant 48 : i32
      %add3A_256 = arith.addi %mul3A_229, %add3A_255 : i32
      %get3A_257 = arith.index_cast %add3A_256 : i32 to index
      %get3A_258 = tpu.vector_load %arg5[%get3A_257] {strides = array<i32>} : memref<32768xf32, #tpu.memory_space<vmem>>, vector<16xf32>,
      %get3A_259 = vector.shape_cast %get3A_258 : vector<16xf32> to vector<16xf32>
      %swap3A_260 = arith.index_cast %add3A_256 : i32 to index
      %swap3A_261 = tpu.vector_load %arg6[%swap3A_260] {strides = array<i32>} : memref<32768xf32, #tpu.memory_space<vmem>>, vector<16xf32>,
      %swap3A_262 = vector.shape_cast %swap3A_261 : vector<16xf32> to vector<16xf32>
      %swap3A_263 = vector.shape_cast %get3A_259 : vector<16xf32> to vector<16xf32>
      tpu.vector_store %arg6[%swap3A_260], %swap3A_263 {add = true, strides = array<i32>} : memref<32768xf32, #tpu.memory_space<vmem>>, vector<16xf32>,
      %add3A_264 = arith.constant 64 : i32
      %add3A_265 = arith.addi %mul3A_229, %add3A_264 : i32
      %get3A_266 = arith.index_cast %add3A_265 : i32 to index
      %get3A_267 = tpu.vector_load %arg5[%get3A_266] {strides = array<i32>} : memref<32768xf32, #tpu.memory_space<vmem>>, vector<16xf32>,
      %get3A_268 = vector.shape_cast %get3A_267 : vector<16xf32> to vector<16xf32>
      %swap3A_269 = arith.index_cast %add3A_265 : i32 to index
      %swap3A_270 = tpu.vector_load %arg6[%swap3A_269] {strides = array<i32>} : memref<32768xf32, #tpu.memory_space<vmem>>, vector<16xf32>,
      %swap3A_271 = vector.shape_cast %swap3A_270 : vector<16xf32> to vector<16xf32>
      %swap3A_272 = vector.shape_cast %get3A_268 : vector<16xf32> to vector<16xf32>
      tpu.vector_store %arg6[%swap3A_269], %swap3A_272 {add = true, strides = array<i32>} : memref<32768xf32, #tpu.memory_space<vmem>>, vector<16xf32>,
      %add3A_273 = arith.constant 80 : i32
      %add3A_274 = arith.addi %mul3A_229, %add3A_273 : i32
      %get3A_275 = arith.index_cast %add3A_274 : i32 to index
      %get3A_276 = tpu.vector_load %arg5[%get3A_275] {strides = array<i32>} : memref<32768xf32, #tpu.memory_space<vmem>>, vector<16xf32>,
      %get3A_277 = vector.shape_cast %get3A_276 : vector<16xf32> to vector<16xf32>
      %swap3A_278 = arith.index_cast %add3A_274 : i32 to index
      %swap3A_279 = tpu.vector_load %arg6[%swap3A_278] {strides = array<i32>} : memref<32768xf32, #tpu.memory_space<vmem>>, vector<16xf32>,
      %swap3A_280 = vector.shape_cast %swap3A_279 : vector<16xf32> to vector<16xf32>
      %swap3A_281 = vector.shape_cast %get3A_277 : vector<16xf32> to vector<16xf32>
      tpu.vector_store %arg6[%swap3A_278], %swap3A_281 {add = true, strides = array<i32>} : memref<32768xf32, #tpu.memory_space<vmem>>, vector<16xf32>,
      %add3A_282 = arith.constant 96 : i32
      %add3A_283 = arith.addi %mul3A_229, %add3A_282 : i32
      %get3A_284 = arith.index_cast %add3A_283 : i32 to index
      %get3A_285 = tpu.vector_load %arg5[%get3A_284] {strides = array<i32>} : memref<32768xf32, #tpu.memory_space<vmem>>, vector<16xf32>,
      %get3A_286 = vector.shape_cast %get3A_285 : vector<16xf32> to vector<16xf32>
      %swap3A_287 = arith.index_cast %add3A_283 : i32 to index
      %swap3A_288 = tpu.vector_load %arg6[%swap3A_287] {strides = array<i32>} : memref<32768xf32, #tpu.memory_space<vmem>>, vector<16xf32>,
      %swap3A_289 = vector.shape_cast %swap3A_288 : vector<16xf32> to vector<16xf32>
      %swap3A_290 = vector.shape_cast %get3A_286 : vector<16xf32> to vector<16xf32>
      tpu.vector_store %arg6[%swap3A_287], %swap3A_290 {add = true, strides = array<i32>} : memref<32768xf32, #tpu.memory_space<vmem>>, vector<16xf32>,
      %add3A_291 = arith.constant 112 : i32
      %add3A_292 = arith.addi %mul3A_229, %add3A_291 : i32
      %get3A_293 = arith.index_cast %add3A_292 : i32 to index
      %get3A_294 = tpu.vector_load %arg5[%get3A_293] {strides = array<i32>} : memref<32768xf32, #tpu.memory_space<vmem>>, vector<16xf32>,
      %get3A_295 = vector.shape_cast %get3A_294 : vector<16xf32> to vector<16xf32>
      %swap3A_296 = arith.index_cast %add3A_292 : i32 to index
      %swap3A_297 = tpu.vector_load %arg6[%swap3A_296] {strides = array<i32>} : memref<32768xf32, #tpu.memory_space<vmem>>, vector<16xf32>,
      %swap3A_298 = vector.shape_cast %swap3A_297 : vector<16xf32> to vector<16xf32>
      %swap3A_299 = vector.shape_cast %get3A_295 : vector<16xf32> to vector<16xf32>
      tpu.vector_store %arg6[%swap3A_296], %swap3A_299 {add = true, strides = array<i32>} : memref<32768xf32, #tpu.memory_space<vmem>>, vector<16xf32>,
      %scan3A_300 = arith.constant 0 : i32
      scf.yield %scan3A_300 : i32
    }
    %scan3A_223 = arith.constant 256 : i32
    %mul3A_224 = arith.constant 1024 : i32
    %mul3A_225 = arith.muli %add3A_214, %mul3A_224 : i32
    "tpu.region"() ({
      %run_scoped3A = tpu.sem_alloc : memref<!tpu.dma_semaphore, #tpu.memory_space<semaphore_mem>>
      %dma_start3A = tpu.memref_slice %arg4[%mul3A_225] : memref<16777216xf32, #tpu.memory_space<hbm>> -> memref<32768xf32, #tpu.memory_space<hbm>>
      %dma_start3A_226 = tpu.memref_slice %arg4[%mul3A_225] : memref<16777216xf32, #tpu.memory_space<hbm>> -> memref<32768xf32, #tpu.memory_space<hbm>>
      tpu.enqueue_dma source(%arg6 : memref<32768xf32, #tpu.memory_space<vmem>>) target(%dma_start3A_226 : memref<32768xf32, #tpu.memory_space<hbm>>) target_semaphore(%run_scoped3A : memref<!tpu.dma_semaphore, #tpu.memory_space<semaphore_mem>>)
      %dma_wait3A = tpu.memref_slice %arg4[%mul3A_225] : memref<16777216xf32, #tpu.memory_space<hbm>> -> memref<32768xf32, #tpu.memory_space<hbm>>
      %dma_wait3A_227 = tpu.memref_slice %arg4[%mul3A_225] : memref<16777216xf32, #tpu.memory_space<hbm>> -> memref<32768xf32, #tpu.memory_space<hbm>>
      tpu.wait_dma2 semaphore(%run_scoped3A : memref<!tpu.dma_semaphore, #tpu.memory_space<semaphore_mem>>) src(%arg6 : memref<32768xf32, #tpu.memory_space<vmem>>) dst(%dma_wait3A_227 : memref<32768xf32, #tpu.memory_space<hbm>>)
      tpu.yield
    }) : () -> ()
    return
  }
}

</mosaic_0001>

<sc_bundles>
// kernel: kernel.3.cloned.1.call-start
scs
__scs_entry_jumppad:
0x0: {  	(pc) =	sbr.rel $0x88, $3  }
0x1: {  	(tag) =	ssettag $0x0;
	lr =	simm.s32 $0x1  }
0x2: {  	[smem:$0x3F9F] =	sst lr;
	_ =	strace $0xD0000000  }
0x3: {  	_ = 	snop  }
0x4: {  	_ = 	snop  }
0x5: {  	_ = 	snop  }
0x6: {  	_ = 	snop  }
0x7: {  	_ = 	snop  }
__scs_overlays_trampoline_lowered:
0x8: {  	[smem:$0x3FAE] =	sst s0  }
0x9: {  	[smem:$0x3FAF] =	sst s1  }
0xa: {  	[smem:$0x3FB0] =	sst s2  }
0xb: {  	[smem:$0x3FB1] =	sst s3  }
0xc: {  	[smem:$0x3FB2] =	sst s4  }
0xd: {  	[smem:$0x3FB3] =	sst s5  }
0xe: {  	[smem:$0x3FB4] =	sst s6  }
0xf: {  	[smem:$0x3FB5] =	sst s7  }
0x10: {  	[smem:$0x3FB6] =	sst s8  }
0x11: {  	[smem:$0x3FB7] =	sst s9;
	s0 =	simm.s32 @!p0 $0x0  }
0x12: {  	s1 =	sld [smem:$0x3F9D];
	s0 =	simm.s32 @p0 $0x1  }
0x13: {  	[smem:$0x3FB8] =	sst s0;
	s0 =	simm.s32 @!p1 $0x0  }
0x14: {  	s2 =	sld [smem:$0x3F9C];
	s0 =	simm.s32 @p1 $0x1  }
0x15: {  	[smem:$0x3FB9] =	sst s0;
	s0 =	simm.s32 @!p2 $0x0  }
0x16: {  	s3 =	sld [smem:$0x3FDB];
	s0 =	simm.s32 @p2 $0x1  }
0x17: {  	s4 =	simm.s32 $0x1BF5;
	[smem:$0x3FBB] =	sst s0  }
0x18: {  	s0 =	sld [smem:$0x3F9E];
	_ =	swait.ge [sflag:s4], $0x0  }
0x19: {  	s7 =	sld [smem:$0x3F9F]  }
0x1a: {  	s8 =	sadd.s32 $0xFFFFE003, lr  }
0x1b: {  	s9 =	sadd.s32 $0xFFFFFEF7, lr;
	s5 =	simm.s32 $0xFFFFFFFF;
	p2 =	slt.u32 s8, $0xFFFFF086  }
0x1c: {  	p1 =	slt.u32 s9, $0xF7A;
	s5 =	simm.s32 @!p2 $0x0  }
0x1d: {  	s5 =	simm.s32 @p1 $0x1;
	p0 =	seq.s32 s7, s2  }
0x1e: {  	s7 =	smul.u32 @!p0 $0xF7A, s2;
	p2 =	seq.s32 @!p0 s5, $0x0  }
0x1f: {  	s9 =	smul.u32 $0xF7A, s1;
	s8 =	simm.s32 @!p0 $0x1BF5;
	p2 =	por !p2, p0  }
0x20: {  	[sflag:s8] =	ssyncset.s32 @!p0 $0xFFFFF086;
	s6 =	sadd.s32 @!p0 s3, s7;
	s7 =	simm.s32 @!p0 $0x108  }
0x21: {  	s3 =	sadd.s32 s3, s9;
	s6 =	sadd.s32 @!p0 $0x88, s6;
	s7 =	simm.s32 @p2 $0x1082  }
0x22: {  	[simem:s7], [sflag:s8] =	dma.local @!p0 [hbm:s6], $0xF7A  }
0x23: {  	s9 =	sor.u32 $0xD0000000, s2;
	s6 =	simm.s32 $0x108;
	_ =	swait.ge @!p0 [sflag:s8], $0x0  }
0x24: {  	s3 =	sadd.s32 $0x88, s3;
	s6 =	simm.s32 @!p1 $0x1082;
	[sflag:s4] =	ssyncset.s32 $0xFFFFF086  }
0x25: {  	[simem:s6], [sflag:s4] =	dma.local [hbm:s3], $0xF7A  }
0x26: {  	[smem:$0x3F9F] =	sst s1;
	(tag) =	ssettag s2;
	_ =	strace s9  }
0x27: {  	s1 =	sld [smem:$0x3FAF]  }
0x28: {  	s2 =	sld [smem:$0x3FB0]  }
0x29: {  	s4 =	sld [smem:$0x3FB2]  }
0x2a: {  	p0 =	seq.s32 s5, $0x0;
	s5 =	sld [smem:$0x3FB3]  }
0x2b: {  	s6 =	sld [smem:$0x3FB4]  }
0x2c: {  	s7 =	sld [smem:$0x3FB5]  }
0x2d: {  	s3 =	simm.s32 $0x108;
	s8 =	sld [smem:$0x3FB6]  }
0x2e: {  	s3 =	simm.s32 @!p0 $0x1082;
	s9 =	sld [smem:$0x3FB7]  }
0x2f: {  	lr =	sadd.s32 s0, s3;
	s0 =	sld [smem:$0x3FAE]  }
0x30: {  	s3 =	sld [smem:$0x3FB1]  }
0x31: {  	[smem:$0x3FBA] =	sst s10  }
0x32: {  	s10 =	sld [smem:$0x3FB8];
	_ =	sdelay $0x3  }
0x33: {  	p0 =	seq.s32 s10, $0x1;
	s10 =	sld [smem:$0x3FBA];
	_ =	sdelay $0x3  }
0x34: {  	[smem:$0x3FBA] =	sst s10  }
0x35: {  	s10 =	sld [smem:$0x3FB9];
	_ =	sdelay $0x3  }
0x36: {  	p1 =	seq.s32 s10, $0x1;
	s10 =	sld [smem:$0x3FBA];
	_ =	sdelay $0x3  }
0x37: {  	[smem:$0x3FBA] =	sst s10  }
0x38: {  	s10 =	sld [smem:$0x3FBB]  }
0x39: {  	_ = 	snop;
	(pc) =	sbr.ind lr, $3  }
0x3a: {  	_ = 	snop  }
0x3b: {  	_ = 	snop  }
0x3c: {  	p2 =	seq.s32 s10, $0x1;
	s10 =	sld [smem:$0x3FBA]  }
0x3d: {  	_ =	shalt  }
0x3e: {  	_ =	shalt  }
0x3f: {  	_ =	shalt  }
0x40: {  	_ =	shalt  }
0x41: {  	_ =	shalt  }
0x42: {  	_ =	shalt  }
0x43: {  	_ =	shalt  }
0x44: {  	_ =	shalt  }
0x45: {  	_ =	shalt  }
0x46: {  	_ =	shalt  }
0x47: {  	_ =	shalt  }
0x48: {  	_ =	shalt  }
0x49: {  	_ =	shalt  }
0x4a: {  	_ =	shalt  }
0x4b: {  	_ =	shalt  }
0x4c: {  	_ =	shalt  }
0x4d: {  	_ =	shalt  }
0x4e: {  	_ =	shalt  }
0x4f: {  	_ =	shalt  }
0x50: {  	_ =	shalt  }
0x51: {  	_ =	shalt  }
0x52: {  	_ =	shalt  }
0x53: {  	_ =	shalt  }
0x54: {  	_ =	shalt  }
0x55: {  	_ =	shalt  }
0x56: {  	_ =	shalt  }
0x57: {  	_ =	shalt  }
0x58: {  	_ =	shalt  }
0x59: {  	_ =	shalt  }
0x5a: {  	_ =	shalt  }
0x5b: {  	_ =	shalt  }
0x5c: {  	_ =	shalt  }
0x5d: {  	_ =	shalt  }
0x5e: {  	_ =	shalt  }
0x5f: {  	_ =	shalt  }
0x60: {  	_ =	shalt  }
0x61: {  	_ =	shalt  }
0x62: {  	_ =	shalt  }
0x63: {  	_ =	shalt  }
0x64: {  	_ =	shalt  }
0x65: {  	_ =	shalt  }
0x66: {  	_ =	shalt  }
0x67: {  	_ =	shalt  }
0x68: {  	_ =	shalt  }
0x69: {  	_ =	shalt  }
0x6a: {  	_ =	shalt  }
0x6b: {  	_ =	shalt  }
0x6c: {  	_ =	shalt  }
0x6d: {  	_ =	shalt  }
0x6e: {  	_ =	shalt  }
0x6f: {  	_ =	shalt  }
0x70: {  	_ =	shalt  }
0x71: {  	_ =	shalt  }
0x72: {  	_ =	shalt  }
0x73: {  	_ =	shalt  }
0x74: {  	_ =	shalt  }
0x75: {  	_ =	shalt  }
0x76: {  	_ =	shalt  }
0x77: {  	_ =	shalt  }
0x78: {  	_ =	shalt  }
0x79: {  	_ =	shalt  }
0x7a: {  	_ =	shalt  }
0x7b: {  	_ =	shalt  }
0x7c: {  	_ =	shalt  }
0x7d: {  	_ =	shalt  }
0x7e: {  	_ =	shalt  }
0x7f: {  	_ =	shalt  }
0x80: {  	_ =	shalt  }
0x81: {  	_ =	shalt  }
0x82: {  	_ =	shalt  }
0x83: {  	_ =	shalt  }
0x84: {  	_ =	shalt  }
0x85: {  	_ =	shalt  }
0x86: {  	_ =	shalt  }
0x87: {  	_ =	shalt  }
.Lfunc_end0:
.L_simem_size_0:
called_computation.2_lowered:
.L_overlay_start_0:
0x88: {  	s2 =	sld [smem:$0x3FD9]  }
0x89: {  	s3 =	sld [smem:$0x3FFE];
	_ =	sdelay $0x1  }
0x8a: {  	s1 =	srdreg.scid  }
0x8b: {  	s0 =	sand.u32 $0x1, s1  }
0x8c: {  	s17 =	sshll.u32 s0, $0xA;
	s2 =	sadd.s32 s3, s2  }
0x8d: {  	s2 =	sadd.s32 s2, s17  }
0x8e: {  	[smem:$0x3FC6] =	sst s2  }
0x8f: {  	_ = 	snop  }
0x90: {  	s2 =	sld [smem:$0x3FD0];
	(tm) =	ssettm $0x1  }
0x91: {  	s18 =	sld [smem:$0x3FFB];
	_ =	sdelay $0x3  }
0x92: {  	_ =	strace s18  }
0x93: {  	s3 =	sld [smem:$0x3FFC];
	_ =	sdelay $0x3  }
0x94: {  	_ =	strace s3  }
0x95: {  	s3 =	sld [smem:$0x3FFD];
	_ =	sdelay $0x3  }
0x96: {  	_ =	strace s3  }
0x97: {  	_ =	strace $0x8FFFFFFF  }
0x98: {  	s19 =	sld [smem:$0x3FDB];
	_ =	sdelay $0x1  }
0x99: {  	s4 =	simm.s32 $_scs_section_size  }
0x9a: {  	s5 =	simm.s32 $_size__tile_overlayer_lowered;
	s6 =	simm.s32 $_tile_overlayer_lowered  }
0x9b: {  	s22 =	simm.s32 $0x1BFF;
	s21 =	sshll.u32 s6, $0x1;
	s3 =	sadd.s32 s4, s19  }
0x9c: {  	s7 =	simm.s32 $0x0;
	s20 =	sshll.u32 s5, $0x1;
	s5 =	sadd.s32 s21, s3  }
0x9d: {  	[timem:s7], [sflag:s22] =	dma.local [hbm:s5], s20  }
0x9e: {  	_ =	swait.ge [sflag:s22], s20  }
0x9f: {  	s4 =	ssub.s32 $0x0, s20;
	[sflag:s22] =	ssyncset.done $0x0  }
0xa0: {  	[sflag:s22] =	ssyncadd.s32 s4;
	_ =	sdelay $0x1  }
0xa1: {  	s23 =	simm.s32 $0x1B8B  }
0xa2: {  	_ =	swait.ge [sflag:s23], $0x1  }
0xa3: {  	[sflag:s23] =	ssyncset.done $0x0  }
0xa4: {  	s25 =	simm.s32 $0x1B8E;
	s24 =	sld [smem:$0x3FFE];
	[sflag:s23] =	ssyncadd.s32 $0xFFFFFFFF  }
0xa5: {  	s26 =	simm.s32 $execute0_lowered;
	[smem:$0x3FD2] =	sst s25  }
0xa6: {  	s5 =	sshll.u32 s26, $0x1;
	_ =	strace $0x8000004C;
	[dreg:$0x1] =	wrdreg $0xFFFFFFFF  }
0xa7: {  	s28 =	simm.s32 $_size_execute0_lowered;
	s3 =	sadd.s32 s3, s5;
	[dreg:$0x0] =	wrdreg $0x0  }
0xa8: {  	s5 =	sshll.u32 s28, $0x1;
	[dreg:$0x2] =	wrdreg s3  }
0xa9: {  	[dreg:$0x3] =	wrdreg s5  }
0xaa: {  	[dreg:$0x4] =	wrdreg $0xC0  }
0xab: {  	_ =	task [dreg:s7], $0x5FFFF  }
0xac: {  	[dreg:$0x1] =	wrdreg $0xFFFFFFFF  }
0xad: {  	[dreg:$0x0] =	wrdreg $0x60  }
0xae: {  	[dreg:$0x2] =	wrdreg s2  }
0xaf: {  	[dreg:$0x3] =	wrdreg s24  }
0xb0: {  	[dreg:$0x4] =	wrdreg $0x9  }
0xb1: {  	_ =	task.clear_ibuf [dreg:s7], $0x5FFFF;
	_ =	strace $0x9000004C  }
0xb2: {  	s29 =	simm.s32 $0x9;
	_ =	strace $0x8000004E  }
0xb3: {  	_ =	swait.ge [sflag:s29], $0x1  }
0xb4: {  	[sflag:s29] =	ssyncadd.s32 $0xFFFFFFFF  }
0xb5: {  	_ =	strace $0x9000004E  }
0xb6: {  	_ =	sfence  }
0xb7: {  	s30 =	sld [smem:$0x0];
	_ =	sdelay $0x2  }
0xb8: {  	s31 =	sshll.u32 s1, $0xD;
	s1 =	sshrl.u32 s1, $0x2  }
0xb9: {  	s3 =	sand.u32 $0x4000, s31;
	s1 =	sadd.s32 s1, s30  }
0xba: {  	s0 =	sor.u32 s3, s0;
	s1 =	sshll.u32 s1, $0x11  }
0xbb: {  	s0 =	sor.u32 s1, s0  }
0xbc: {  	s0 =	sadd.s32 $0x8F2B, s0  }
0xbd: {  	[sflag:s0] =	ssyncadd.remote.s32 $0x1  }
0xbe: {  	_ =	sfence.sel $0xFFFF  }
0xbf: {  	[dreg:$0x0] =	wrdreg $0xFFFFFFFF;
	(pc) =	sbr.abs _section_cstart, $3  }
0xc0: {  	[dreg:$0x1] =	wrdreg $0xFFFFFFFF  }
0xc1: {  	_ =	task.clear_ibuf [dreg:s7], $0x2FFFF;
	_ =	strace $0x9FFFFFFF  }
0xc2: {  	(tm) =	ssettm $0x7FFFFFFF  }
0xc3: {  	_ =	shalt  }
tec
execute0_lowered:
.L_overlay_start_1:
0x0: {  	(tag) =	ssettag $0x1  }
0x1: {  	s6 =	rddreg [dreg:$0x0]  }
0x2: {  	s0 =	rddreg [dreg:$0x1]  }
0x3: {  	s2 =	srdreg.scid;
	s1 =	simm.s32 $0x0;
	s3 =	stileid.u32  }
0x4: {  	s2 =	sand.u32 $0x1, s2;
	[smem:$0x7FF] =	sst s1;
	s3 =	sshll.u32 s3, $0xF  }
0x5: {  	s5 =	sadd.s32 $0xC00, s0;
	s4 =	sshll.u32 s2, $0xE;
	s2 =	ssub.s32 $0x2, s2  }
0x6: {  	s7 =	sadd.s32 $0x100C00, s0;
	s4 =	sor.u32 s4, s3;
	s11 =	sshrl.u32 s2, $0x1  }
0x7: {  	s3 =	sor.u32 $0x80000, s4;
	s8 =	ssub.s32 s2, s11;
	s13 =	sor.u32 $0x100000, s4  }
0x8: {  	s16 =	sor.u32 $0x180000, s4;
	s18 =	sor.u32 $0x1000, s4;
	s21 =	sor.u32 $0x81000, s4  }
0x9: {  	s22 =	sor.u32 $0x101000, s4;
	s25 =	sor.u32 $0x181000, s4;
	s26 =	sor.u32 $0x2000, s4  }
0xa: {  	s9 =	sor.u32 $0x102000, s4;
	s10 =	sor.u32 $0x182000, s4;
	s12 =	sadd.s32 s6, s3  }
0xb: {  	s11 =	sor.u32 $0x3000, s4;
	s14 =	sadd.s32 s7, s3;
	[dreg:$0x3] =	wrdreg s12  }
0xc: {  	s15 =	sadd.s32 s6, s13;
	s0 =	sadd.s32 s7, s13;
	[dreg:$0x4] =	wrdreg s14  }
0xd: {  	s17 =	sadd.s32 s6, s16;
	s2 =	sadd.s32 s7, s16;
	[dreg:$0x5] =	wrdreg s15  }
0xe: {  	s19 =	sadd.s32 s5, s18;
	s20 =	sadd.s32 s6, s18;
	[dreg:$0x6] =	wrdreg s0  }
0xf: {  	s23 =	sadd.s32 s6, s21;
	s24 =	sadd.s32 s6, s22;
	[dreg:$0x7] =	wrdreg s17  }
0x10: {  	s16 =	sadd.s32 s7, s25;
	s3 =	sor.u32 $0x82000, s4;
	[dreg:$0x8] =	wrdreg s2  }
0x11: {  	s28 =	sadd.s32 s5, s11;
	s29 =	sadd.s32 s6, s11;
	[dreg:$0x9] =	wrdreg s19  }
0x12: {  	s30 =	sadd.s32 s7, s11;
	s13 =	sor.u32 $0x103000, s4;
	[dreg:$0xa] =	wrdreg s20  }
0x13: {  	s8 =	smax.u32 s8, $0x1;
	s11 =	simm.s32 $0x0;
	[dreg:$0xc] =	wrdreg s23  }
0x14: {  	s0 =	sadd.s32 s7, s18;
	[dreg:$0xe] =	wrdreg s24;
	s14 =	sadd.s32 s7, s22  }
0x15: {  	s15 =	sadd.s32 s6, s25;
	s17 =	sadd.s32 s5, s26;
	s18 =	sadd.s32 s6, s26  }
0x16: {  	s19 =	sadd.s32 s7, s26;
	s20 =	sadd.s32 s6, s3;
	s22 =	sadd.s32 s6, s9  }
0x17: {  	s23 =	sadd.s32 s7, s9;
	s24 =	sadd.s32 s6, s10;
	s25 =	sadd.s32 s7, s10  }
0x18: {  	s26 =	sadd.s32 s5, s4;
	s12 =	sor.u32 $0x83000, s4;
	s2 =	sadd.s32 s6, s4  }
0x19: {  	s9 =	sor.u32 $0x183000, s4;
	s5 =	sadd.s32 s7, s13;
	s10 =	simm.s32 $0x8000  }
0x1a: {  	[dreg:$0xb] =	wrdreg s0;
	s0 =	sadd.s32 s7, s21;
	s21 =	sadd.s32 s7, s3  }
0x1b: {  	s31 =	sadd.s32 s6, s12;
	s3 =	sadd.s32 s7, s4;
	s4 =	sadd.s32 s6, s13  }
0x1c: {  	s6 =	sadd.s32 s6, s9;
	[dreg:$0xd] =	wrdreg s0;
	s0 =	sadd.s32 s7, s12  }
0x1d: {  	s7 =	sadd.s32 s7, s9;
	s9 =	simm.s32 $0x1;
	_ =	strace $0x8000004D  }
.LBB2_1:
0x1e: {  	[tilespmem:s1], [sflag:$0x1] =	stream.linear.gather [hbm4b:s26+s1], $0x8000, $0x38;
	[tilespmem:$0x10000] =	vst v63  }
0x1f: {  	_ =	swait.ge [sflag:s9], $0x8000  }
0x20: {  	[sflag:s9] =	ssyncset.done $0x0  }
0x21: {  	[sflag:s9] =	ssyncadd.s32 $0xFFFF8000  }
0x22: {  	[tilespmem:s10], [sflag:$0x1] =	stream.linear.gather [hbm4b:s2+s1], $0x8000, $0x38;
	[tilespmem:$0x10000] =	vst v63  }
0x23: {  	_ =	swait.ge [sflag:s9], $0x8000  }
0x24: {  	[sflag:s9] =	ssyncset.done $0x0  }
0x25: {  	s12 =	simm.s32 $0x0;
	s13 =	simm.s32 $0x200;
	[sflag:s9] =	ssyncadd.s32 $0xFFFF8000  }
.LBB2_2:
0x26: {  	p0 =	sne.s32 s13, $0x1FE00;
	v0 =	vld [tilespmem:s12+$0x70]  }
0x27: {  	v1 =	vld [tilespmem:s12+$0x0]  }
0x28: {  	v2 =	vld [tilespmem:s12+$0x10]  }
0x29: {  	v3 =	vld [tilespmem:s12+$0x20]  }
0x2a: {  	v4 =	vld [tilespmem:s12+$0x30]  }
0x2b: {  	[tilespmem:s12+$0x8070] =	vst.add.f32.msk $0xffff, v0  }
0x2c: {  	v0 =	vld [tilespmem:s12+$0x40]  }
0x2d: {  	v5 =	vld [tilespmem:s12+$0x50]  }
0x2e: {  	v6 =	vld [tilespmem:s12+$0x60]  }
0x2f: {  	[tilespmem:s12+$0x8000] =	vst.add.f32.msk $0xffff, v1  }
0x30: {  	[tilespmem:s12+$0x8010] =	vst.add.f32.msk $0xffff, v2  }
.Ltmp0:
0x31: {  	[tilespmem:s12+$0x8020] =	vst.add.f32.msk $0xffff, v3;
	(pc) =	sbr.rel @p0 .LBB2_2-.Ltmp0, $4  }
0x32: {  	[tilespmem:s12+$0x8030] =	vst.add.f32.msk $0xffff, v4  }
0x33: {  	[tilespmem:s12+$0x8040] =	vst.add.f32.msk $0xffff, v0  }
0x34: {  	[tilespmem:s12+$0x8050] =	vst.add.f32.msk $0xffff, v5  }
0x35: {  	[tilespmem:s12+$0x8060] =	vst.add.f32.msk $0xffff, v6;
	s12 =	sshra.s32 s13, $0x2;
	s13 =	sadd.s32 $0x200, s13  }
0x36: {  	v0 =	vld [tilespmem:s12+$0x70]  }
0x37: {  	v1 =	vld [tilespmem:s12+$0x0]  }
0x38: {  	v2 =	vld [tilespmem:s12+$0x10]  }
0x39: {  	v3 =	vld [tilespmem:s12+$0x20]  }
0x3a: {  	v4 =	vld [tilespmem:s12+$0x30]  }
0x3b: {  	v63 =	vld [tilespmem:s12+$0x40]  }
0x3c: {  	v5 =	vld [tilespmem:s12+$0x50]  }
0x3d: {  	v6 =	vld [tilespmem:s12+$0x60]  }
0x3e: {  	[tilespmem:s12+$0x8070] =	vst.add.f32.msk $0xffff, v0  }
0x3f: {  	[tilespmem:s12+$0x8000] =	vst.add.f32.msk $0xffff, v1  }
0x40: {  	[tilespmem:s12+$0x8010] =	vst.add.f32.msk $0xffff, v2  }
0x41: {  	[tilespmem:s12+$0x8020] =	vst.add.f32.msk $0xffff, v3  }
0x42: {  	[tilespmem:s12+$0x8030] =	vst.add.f32.msk $0xffff, v4  }
0x43: {  	[tilespmem:s12+$0x8040] =	vst.add.f32.msk $0xffff, v63  }
0x44: {  	[tilespmem:s12+$0x8050] =	vst.add.f32.msk $0xffff, v5  }
0x45: {  	[tilespmem:s12+$0x8060] =	vst.add.f32.msk $0xffff, v6;
	s12 =	simm.s32 $0x0  }
0x46: {  	[hbm4b:s3+s12] =	stream.linear.scatter [tilespmem:s10], [sflag:$0x1], $0x8000, $0x38;
	[tilespmem:$0x10000] =	vst v63  }
0x47: {  	_ =	swait.ge [sflag:s9], $0x8000  }
0x48: {  	[sflag:s9] =	ssyncset.done $0x0  }
0x49: {  	s13 =	rddreg [dreg:$0x3];
	[sflag:s9] =	ssyncadd.s32 $0xFFFF8000  }
0x4a: {  	[tilespmem:s10], [sflag:$0x1] =	stream.linear.gather [hbm4b:s13+s12], $0x8000, $0x38;
	[tilespmem:$0x10000] =	vst v63  }
0x4b: {  	_ =	swait.ge [sflag:s9], $0x8000  }
0x4c: {  	[sflag:s9] =	ssyncset.done $0x0  }
0x4d: {  	s12 =	simm.s32 $0x0;
	s13 =	simm.s32 $0x200;
	[sflag:s9] =	ssyncadd.s32 $0xFFFF8000  }
.LBB2_4:
0x4e: {  	p0 =	sne.s32 s13, $0x1FE00;
	v0 =	vld [tilespmem:s12+$0x70]  }
0x4f: {  	v1 =	vld [tilespmem:s12+$0x0]  }
0x50: {  	v2 =	vld [tilespmem:s12+$0x10]  }
0x51: {  	v3 =	vld [tilespmem:s12+$0x20]  }
0x52: {  	v4 =	vld [tilespmem:s12+$0x30]  }
0x53: {  	[tilespmem:s12+$0x8070] =	vst.add.f32.msk $0xffff, v0  }
0x54: {  	v0 =	vld [tilespmem:s12+$0x40]  }
0x55: {  	v5 =	vld [tilespmem:s12+$0x50]  }
0x56: {  	v6 =	vld [tilespmem:s12+$0x60]  }
0x57: {  	[tilespmem:s12+$0x8000] =	vst.add.f32.msk $0xffff, v1  }
0x58: {  	[tilespmem:s12+$0x8010] =	vst.add.f32.msk $0xffff, v2  }
.Ltmp1:
0x59: {  	[tilespmem:s12+$0x8020] =	vst.add.f32.msk $0xffff, v3;
	(pc) =	sbr.rel @p0 .LBB2_4-.Ltmp1, $4  }
0x5a: {  	[tilespmem:s12+$0x8030] =	vst.add.f32.msk $0xffff, v4  }
0x5b: {  	[tilespmem:s12+$0x8040] =	vst.add.f32.msk $0xffff, v0  }
0x5c: {  	[tilespmem:s12+$0x8050] =	vst.add.f32.msk $0xffff, v5  }
0x5d: {  	[tilespmem:s12+$0x8060] =	vst.add.f32.msk $0xffff, v6;
	s12 =	sshra.s32 s13, $0x2;
	s13 =	sadd.s32 $0x200, s13  }
0x5e: {  	v0 =	vld [tilespmem:s12+$0x70]  }
0x5f: {  	v1 =	vld [tilespmem:s12+$0x0]  }
0x60: {  	v2 =	vld [tilespmem:s12+$0x10]  }
0x61: {  	v3 =	vld [tilespmem:s12+$0x20]  }
0x62: {  	v4 =	vld [tilespmem:s12+$0x30]  }
0x63: {  	v63 =	vld [tilespmem:s12+$0x40]  }
0x64: {  	v5 =	vld [tilespmem:s12+$0x50]  }
0x65: {  	v6 =	vld [tilespmem:s12+$0x60]  }
0x66: {  	[tilespmem:s12+$0x8070] =	vst.add.f32.msk $0xffff, v0  }
0x67: {  	[tilespmem:s12+$0x8000] =	vst.add.f32.msk $0xffff, v1  }
0x68: {  	[tilespmem:s12+$0x8010] =	vst.add.f32.msk $0xffff, v2  }
0x69: {  	[tilespmem:s12+$0x8020] =	vst.add.f32.msk $0xffff, v3  }
0x6a: {  	[tilespmem:s12+$0x8030] =	vst.add.f32.msk $0xffff, v4  }
0x6b: {  	[tilespmem:s12+$0x8040] =	vst.add.f32.msk $0xffff, v63  }
0x6c: {  	[tilespmem:s12+$0x8050] =	vst.add.f32.msk $0xffff, v5  }
0x6d: {  	s13 =	rddreg [dreg:$0x4];
	[tilespmem:s12+$0x8060] =	vst.add.f32.msk $0xffff, v6;
	s12 =	simm.s32 $0x0  }
0x6e: {  	[hbm4b:s13+s12] =	stream.linear.scatter [tilespmem:s10], [sflag:$0x1], $0x8000, $0x38;
	[tilespmem:$0x10000] =	vst v63  }
0x6f: {  	_ =	swait.ge [sflag:s9], $0x8000  }
0x70: {  	[sflag:s9] =	ssyncset.done $0x0  }
0x71: {  	s13 =	rddreg [dreg:$0x5];
	[sflag:s9] =	ssyncadd.s32 $0xFFFF8000  }
0x72: {  	[tilespmem:s10], [sflag:$0x1] =	stream.linear.gather [hbm4b:s13+s12], $0x8000, $0x38;
	[tilespmem:$0x10000] =	vst v63  }
0x73: {  	_ =	swait.ge [sflag:s9], $0x8000  }
0x74: {  	[sflag:s9] =	ssyncset.done $0x0  }
0x75: {  	s12 =	simm.s32 $0x0;
	s13 =	simm.s32 $0x200;
	[sflag:s9] =	ssyncadd.s32 $0xFFFF8000  }
.LBB2_6:
0x76: {  	p0 =	sne.s32 s13, $0x1FE00;
	v0 =	vld [tilespmem:s12+$0x70]  }
0x77: {  	v1 =	vld [tilespmem:s12+$0x0]  }
0x78: {  	v2 =	vld [tilespmem:s12+$0x10]  }
0x79: {  	v3 =	vld [tilespmem:s12+$0x20]  }
0x7a: {  	v4 =	vld [tilespmem:s12+$0x30]  }
0x7b: {  	[tilespmem:s12+$0x8070] =	vst.add.f32.msk $0xffff, v0  }
0x7c: {  	v0 =	vld [tilespmem:s12+$0x40]  }
0x7d: {  	v5 =	vld [tilespmem:s12+$0x50]  }
0x7e: {  	v6 =	vld [tilespmem:s12+$0x60]  }
0x7f: {  	[tilespmem:s12+$0x8000] =	vst.add.f32.msk $0xffff, v1  }
0x80: {  	[tilespmem:s12+$0x8010] =	vst.add.f32.msk $0xffff, v2  }
.Ltmp2:
0x81: {  	[tilespmem:s12+$0x8020] =	vst.add.f32.msk $0xffff, v3;
	(pc) =	sbr.rel @p0 .LBB2_6-.Ltmp2, $4  }
0x82: {  	[tilespmem:s12+$0x8030] =	vst.add.f32.msk $0xffff, v4  }
0x83: {  	[tilespmem:s12+$0x8040] =	vst.add.f32.msk $0xffff, v0  }
0x84: {  	[tilespmem:s12+$0x8050] =	vst.add.f32.msk $0xffff, v5  }
0x85: {  	[tilespmem:s12+$0x8060] =	vst.add.f32.msk $0xffff, v6;
	s12 =	sshra.s32 s13, $0x2;
	s13 =	sadd.s32 $0x200, s13  }
0x86: {  	v0 =	vld [tilespmem:s12+$0x70]  }
0x87: {  	v1 =	vld [tilespmem:s12+$0x0]  }
0x88: {  	v2 =	vld [tilespmem:s12+$0x10]  }
0x89: {  	v3 =	vld [tilespmem:s12+$0x20]  }
0x8a: {  	v4 =	vld [tilespmem:s12+$0x30]  }
0x8b: {  	v63 =	vld [tilespmem:s12+$0x40]  }
0x8c: {  	v5 =	vld [tilespmem:s12+$0x50]  }
0x8d: {  	v6 =	vld [tilespmem:s12+$0x60]  }
0x8e: {  	[tilespmem:s12+$0x8070] =	vst.add.f32.msk $0xffff, v0  }
0x8f: {  	[tilespmem:s12+$0x8000] =	vst.add.f32.msk $0xffff, v1  }
0x90: {  	[tilespmem:s12+$0x8010] =	vst.add.f32.msk $0xffff, v2  }
0x91: {  	[tilespmem:s12+$0x8020] =	vst.add.f32.msk $0xffff, v3  }
0x92: {  	[tilespmem:s12+$0x8030] =	vst.add.f32.msk $0xffff, v4  }
0x93: {  	[tilespmem:s12+$0x8040] =	vst.add.f32.msk $0xffff, v63  }
0x94: {  	[tilespmem:s12+$0x8050] =	vst.add.f32.msk $0xffff, v5  }
0x95: {  	s13 =	rddreg [dreg:$0x6];
	[tilespmem:s12+$0x8060] =	vst.add.f32.msk $0xffff, v6;
	s12 =	simm.s32 $0x0  }
0x96: {  	[hbm4b:s13+s12] =	stream.linear.scatter [tilespmem:s10], [sflag:$0x1], $0x8000, $0x38;
	[tilespmem:$0x10000] =	vst v63  }
0x97: {  	_ =	swait.ge [sflag:s9], $0x8000  }
0x98: {  	[sflag:s9] =	ssyncset.done $0x0  }
0x99: {  	s13 =	rddreg [dreg:$0x7];
	[sflag:s9] =	ssyncadd.s32 $0xFFFF8000  }
0x9a: {  	[tilespmem:s10], [sflag:$0x1] =	stream.linear.gather [hbm4b:s13+s12], $0x8000, $0x38;
	[tilespmem:$0x10000] =	vst v63  }
0x9b: {  	_ =	swait.ge [sflag:s9], $0x8000  }
0x9c: {  	[sflag:s9] =	ssyncset.done $0x0  }
0x9d: {  	s12 =	simm.s32 $0x0;
	s13 =	simm.s32 $0x200;
	[sflag:s9] =	ssyncadd.s32 $0xFFFF8000  }
.LBB2_8:
0x9e: {  	p0 =	sne.s32 s13, $0x1FE00;
	v0 =	vld [tilespmem:s12+$0x70]  }
0x9f: {  	v1 =	vld [tilespmem:s12+$0x0]  }
0xa0: {  	v2 =	vld [tilespmem:s12+$0x10]  }
0xa1: {  	v3 =	vld [tilespmem:s12+$0x20]  }
0xa2: {  	v4 =	vld [tilespmem:s12+$0x30]  }
0xa3: {  	[tilespmem:s12+$0x8070] =	vst.add.f32.msk $0xffff, v0  }
0xa4: {  	v0 =	vld [tilespmem:s12+$0x40]  }
0xa5: {  	v5 =	vld [tilespmem:s12+$0x50]  }
0xa6: {  	v6 =	vld [tilespmem:s12+$0x60]  }
0xa7: {  	[tilespmem:s12+$0x8000] =	vst.add.f32.msk $0xffff, v1  }
0xa8: {  	[tilespmem:s12+$0x8010] =	vst.add.f32.msk $0xffff, v2  }
.Ltmp3:
0xa9: {  	[tilespmem:s12+$0x8020] =	vst.add.f32.msk $0xffff, v3;
	(pc) =	sbr.rel @p0 .LBB2_8-.Ltmp3, $4  }
0xaa: {  	[tilespmem:s12+$0x8030] =	vst.add.f32.msk $0xffff, v4  }
0xab: {  	[tilespmem:s12+$0x8040] =	vst.add.f32.msk $0xffff, v0  }
0xac: {  	[tilespmem:s12+$0x8050] =	vst.add.f32.msk $0xffff, v5  }
0xad: {  	[tilespmem:s12+$0x8060] =	vst.add.f32.msk $0xffff, v6;
	s12 =	sshra.s32 s13, $0x2;
	s13 =	sadd.s32 $0x200, s13  }
0xae: {  	v0 =	vld [tilespmem:s12+$0x70]  }
0xaf: {  	v1 =	vld [tilespmem:s12+$0x0]  }
0xb0: {  	v2 =	vld [tilespmem:s12+$0x10]  }
0xb1: {  	v3 =	vld [tilespmem:s12+$0x20]  }
0xb2: {  	v4 =	vld [tilespmem:s12+$0x30]  }
0xb3: {  	v63 =	vld [tilespmem:s12+$0x40]  }
0xb4: {  	v5 =	vld [tilespmem:s12+$0x50]  }
0xb5: {  	v6 =	vld [tilespmem:s12+$0x60]  }
0xb6: {  	[tilespmem:s12+$0x8070] =	vst.add.f32.msk $0xffff, v0  }
0xb7: {  	[tilespmem:s12+$0x8000] =	vst.add.f32.msk $0xffff, v1  }
0xb8: {  	[tilespmem:s12+$0x8010] =	vst.add.f32.msk $0xffff, v2  }
0xb9: {  	[tilespmem:s12+$0x8020] =	vst.add.f32.msk $0xffff, v3  }
0xba: {  	[tilespmem:s12+$0x8030] =	vst.add.f32.msk $0xffff, v4  }
0xbb: {  	[tilespmem:s12+$0x8040] =	vst.add.f32.msk $0xffff, v63  }
0xbc: {  	[tilespmem:s12+$0x8050] =	vst.add.f32.msk $0xffff, v5  }
0xbd: {  	s13 =	rddreg [dreg:$0x8];
	[tilespmem:s12+$0x8060] =	vst.add.f32.msk $0xffff, v6;
	s12 =	simm.s32 $0x0  }
0xbe: {  	[hbm4b:s13+s12] =	stream.linear.scatter [tilespmem:s10], [sflag:$0x1], $0x8000, $0x38;
	[tilespmem:$0x10000] =	vst v63  }
0xbf: {  	_ =	swait.ge [sflag:s9], $0x8000  }
0xc0: {  	[sflag:s9] =	ssyncset.done $0x0  }
0xc1: {  	s13 =	rddreg [dreg:$0x9];
	[sflag:s9] =	ssyncadd.s32 $0xFFFF8000  }
0xc2: {  	[tilespmem:s12], [sflag:$0x1] =	stream.linear.gather [hbm4b:s13+s12], $0x8000, $0x38;
	[tilespmem:$0x10000] =	vst v63  }
0xc3: {  	_ =	swait.ge [sflag:s9], $0x8000  }
0xc4: {  	[sflag:s9] =	ssyncset.done $0x0  }
0xc5: {  	s13 =	rddreg [dreg:$0xa];
	[sflag:s9] =	ssyncadd.s32 $0xFFFF8000  }
0xc6: {  	[tilespmem:s10], [sflag:$0x1] =	stream.linear.gather [hbm4b:s13+s12], $0x8000, $0x38;
	[tilespmem:$0x10000] =	vst v63  }
0xc7: {  	_ =	swait.ge [sflag:s9], $0x8000  }
0xc8: {  	[sflag:s9] =	ssyncset.done $0x0  }
0xc9: {  	s12 =	simm.s32 $0x0;
	s13 =	simm.s32 $0x200;
	[sflag:s9] =	ssyncadd.s32 $0xFFFF8000  }
.LBB2_10:
0xca: {  	p0 =	sne.s32 s13, $0x1FE00;
	v0 =	vld [tilespmem:s12+$0x70]  }
0xcb: {  	v1 =	vld [tilespmem:s12+$0x0]  }
0xcc: {  	v2 =	vld [tilespmem:s12+$0x10]  }
0xcd: {  	v3 =	vld [tilespmem:s12+$0x20]  }
0xce: {  	v4 =	vld [tilespmem:s12+$0x30]  }
0xcf: {  	[tilespmem:s12+$0x8070] =	vst.add.f32.msk $0xffff, v0  }
0xd0: {  	v0 =	vld [tilespmem:s12+$0x40]  }
0xd1: {  	v5 =	vld [tilespmem:s12+$0x50]  }
0xd2: {  	v6 =	vld [tilespmem:s12+$0x60]  }
0xd3: {  	[tilespmem:s12+$0x8000] =	vst.add.f32.msk $0xffff, v1  }
0xd4: {  	[tilespmem:s12+$0x8010] =	vst.add.f32.msk $0xffff, v2  }
.Ltmp4:
0xd5: {  	[tilespmem:s12+$0x8020] =	vst.add.f32.msk $0xffff, v3;
	(pc) =	sbr.rel @p0 .LBB2_10-.Ltmp4, $4  }
0xd6: {  	[tilespmem:s12+$0x8030] =	vst.add.f32.msk $0xffff, v4  }
0xd7: {  	[tilespmem:s12+$0x8040] =	vst.add.f32.msk $0xffff, v0  }
0xd8: {  	[tilespmem:s12+$0x8050] =	vst.add.f32.msk $0xffff, v5  }
0xd9: {  	[tilespmem:s12+$0x8060] =	vst.add.f32.msk $0xffff, v6;
	s12 =	sshra.s32 s13, $0x2;
	s13 =	sadd.s32 $0x200, s13  }
0xda: {  	v0 =	vld [tilespmem:s12+$0x70]  }
0xdb: {  	v1 =	vld [tilespmem:s12+$0x0]  }
0xdc: {  	v2 =	vld [tilespmem:s12+$0x10]  }
0xdd: {  	v3 =	vld [tilespmem:s12+$0x20]  }
0xde: {  	v4 =	vld [tilespmem:s12+$0x30]  }
0xdf: {  	v63 =	vld [tilespmem:s12+$0x40]  }
0xe0: {  	v5 =	vld [tilespmem:s12+$0x50]  }
0xe1: {  	v6 =	vld [tilespmem:s12+$0x60]  }
0xe2: {  	[tilespmem:s12+$0x8070] =	vst.add.f32.msk $0xffff, v0  }
0xe3: {  	[tilespmem:s12+$0x8000] =	vst.add.f32.msk $0xffff, v1  }
0xe4: {  	[tilespmem:s12+$0x8010] =	vst.add.f32.msk $0xffff, v2  }
0xe5: {  	[tilespmem:s12+$0x8020] =	vst.add.f32.msk $0xffff, v3  }
0xe6: {  	[tilespmem:s12+$0x8030] =	vst.add.f32.msk $0xffff, v4  }
0xe7: {  	[tilespmem:s12+$0x8040] =	vst.add.f32.msk $0xffff, v63  }
0xe8: {  	[tilespmem:s12+$0x8050] =	vst.add.f32.msk $0xffff, v5  }
0xe9: {  	s13 =	rddreg [dreg:$0xb];
	[tilespmem:s12+$0x8060] =	vst.add.f32.msk $0xffff, v6;
	s12 =	simm.s32 $0x0  }
0xea: {  	[hbm4b:s13+s12] =	stream.linear.scatter [tilespmem:s10], [sflag:$0x1], $0x8000, $0x38;
	[tilespmem:$0x10000] =	vst v63  }
0xeb: {  	_ =	swait.ge [sflag:s9], $0x8000  }
0xec: {  	[sflag:s9] =	ssyncset.done $0x0  }
0xed: {  	s13 =	rddreg [dreg:$0xc];
	[sflag:s9] =	ssyncadd.s32 $0xFFFF8000  }
0xee: {  	[tilespmem:s10], [sflag:$0x1] =	stream.linear.gather [hbm4b:s13+s12], $0x8000, $0x38;
	[tilespmem:$0x10000] =	vst v63  }
0xef: {  	_ =	swait.ge [sflag:s9], $0x8000  }
0xf0: {  	[sflag:s9] =	ssyncset.done $0x0  }
0xf1: {  	s12 =	simm.s32 $0x0;
	s13 =	simm.s32 $0x200;
	[sflag:s9] =	ssyncadd.s32 $0xFFFF8000  }
.LBB2_12:
0xf2: {  	p0 =	sne.s32 s13, $0x1FE00;
	v0 =	vld [tilespmem:s12+$0x70]  }
0xf3: {  	v1 =	vld [tilespmem:s12+$0x0]  }
0xf4: {  	v2 =	vld [tilespmem:s12+$0x10]  }
0xf5: {  	v3 =	vld [tilespmem:s12+$0x20]  }
0xf6: {  	v4 =	vld [tilespmem:s12+$0x30]  }
0xf7: {  	[tilespmem:s12+$0x8070] =	vst.add.f32.msk $0xffff, v0  }
0xf8: {  	v0 =	vld [tilespmem:s12+$0x40]  }
0xf9: {  	v5 =	vld [tilespmem:s12+$0x50]  }
0xfa: {  	v6 =	vld [tilespmem:s12+$0x60]  }
0xfb: {  	[tilespmem:s12+$0x8000] =	vst.add.f32.msk $0xffff, v1  }
0xfc: {  	[tilespmem:s12+$0x8010] =	vst.add.f32.msk $0xffff, v2  }
.Ltmp5:
0xfd: {  	[tilespmem:s12+$0x8020] =	vst.add.f32.msk $0xffff, v3;
	(pc) =	sbr.rel @p0 .LBB2_12-.Ltmp5, $4  }
0xfe: {  	[tilespmem:s12+$0x8030] =	vst.add.f32.msk $0xffff, v4  }
0xff: {  	[tilespmem:s12+$0x8040] =	vst.add.f32.msk $0xffff, v0  }
0x100: {  	[tilespmem:s12+$0x8050] =	vst.add.f32.msk $0xffff, v5  }
0x101: {  	[tilespmem:s12+$0x8060] =	vst.add.f32.msk $0xffff, v6;
	s12 =	sshra.s32 s13, $0x2;
	s13 =	sadd.s32 $0x200, s13  }
0x102: {  	v0 =	vld [tilespmem:s12+$0x70]  }
0x103: {  	v1 =	vld [tilespmem:s12+$0x0]  }
0x104: {  	v2 =	vld [tilespmem:s12+$0x10]  }
0x105: {  	v3 =	vld [tilespmem:s12+$0x20]  }
0x106: {  	v4 =	vld [tilespmem:s12+$0x30]  }
0x107: {  	v63 =	vld [tilespmem:s12+$0x40]  }
0x108: {  	v5 =	vld [tilespmem:s12+$0x50]  }
0x109: {  	v6 =	vld [tilespmem:s12+$0x60]  }
0x10a: {  	[tilespmem:s12+$0x8070] =	vst.add.f32.msk $0xffff, v0  }
0x10b: {  	[tilespmem:s12+$0x8000] =	vst.add.f32.msk $0xffff, v1  }
0x10c: {  	[tilespmem:s12+$0x8010] =	vst.add.f32.msk $0xffff, v2  }
0x10d: {  	[tilespmem:s12+$0x8020] =	vst.add.f32.msk $0xffff, v3  }
0x10e: {  	[tilespmem:s12+$0x8030] =	vst.add.f32.msk $0xffff, v4  }
0x10f: {  	[tilespmem:s12+$0x8040] =	vst.add.f32.msk $0xffff, v63  }
0x110: {  	[tilespmem:s12+$0x8050] =	vst.add.f32.msk $0xffff, v5  }
0x111: {  	s13 =	rddreg [dreg:$0xd];
	[tilespmem:s12+$0x8060] =	vst.add.f32.msk $0xffff, v6;
	s12 =	simm.s32 $0x0  }
0x112: {  	[hbm4b:s13+s12] =	stream.linear.scatter [tilespmem:s10], [sflag:$0x1], $0x8000, $0x38;
	[tilespmem:$0x10000] =	vst v63  }
0x113: {  	_ =	swait.ge [sflag:s9], $0x8000  }
0x114: {  	[sflag:s9] =	ssyncset.done $0x0  }
0x115: {  	s13 =	rddreg [dreg:$0xe];
	[sflag:s9] =	ssyncadd.s32 $0xFFFF8000  }
0x116: {  	[tilespmem:s10], [sflag:$0x1] =	stream.linear.gather [hbm4b:s13+s12], $0x8000, $0x38;
	[tilespmem:$0x10000] =	vst v63  }
0x117: {  	_ =	swait.ge [sflag:s9], $0x8000  }
0x118: {  	[sflag:s9] =	ssyncset.done $0x0  }
0x119: {  	s12 =	simm.s32 $0x0;
	s13 =	simm.s32 $0x200;
	[sflag:s9] =	ssyncadd.s32 $0xFFFF8000  }
.LBB2_14:
0x11a: {  	p0 =	sne.s32 s13, $0x1FE00;
	v0 =	vld [tilespmem:s12+$0x70]  }
0x11b: {  	v1 =	vld [tilespmem:s12+$0x0]  }
0x11c: {  	v2 =	vld [tilespmem:s12+$0x10]  }
0x11d: {  	v3 =	vld [tilespmem:s12+$0x20]  }
0x11e: {  	v4 =	vld [tilespmem:s12+$0x30]  }
0x11f: {  	[tilespmem:s12+$0x8070] =	vst.add.f32.msk $0xffff, v0  }
0x120: {  	v0 =	vld [tilespmem:s12+$0x40]  }
0x121: {  	v5 =	vld [tilespmem:s12+$0x50]  }
0x122: {  	v6 =	vld [tilespmem:s12+$0x60]  }
0x123: {  	[tilespmem:s12+$0x8000] =	vst.add.f32.msk $0xffff, v1  }
0x124: {  	[tilespmem:s12+$0x8010] =	vst.add.f32.msk $0xffff, v2  }
.Ltmp6:
0x125: {  	[tilespmem:s12+$0x8020] =	vst.add.f32.msk $0xffff, v3;
	(pc) =	sbr.rel @p0 .LBB2_14-.Ltmp6, $4  }
0x126: {  	[tilespmem:s12+$0x8030] =	vst.add.f32.msk $0xffff, v4  }
0x127: {  	[tilespmem:s12+$0x8040] =	vst.add.f32.msk $0xffff, v0  }
0x128: {  	[tilespmem:s12+$0x8050] =	vst.add.f32.msk $0xffff, v5  }
0x129: {  	[tilespmem:s12+$0x8060] =	vst.add.f32.msk $0xffff, v6;
	s12 =	sshra.s32 s13, $0x2;
	s13 =	sadd.s32 $0x200, s13  }
0x12a: {  	v0 =	vld [tilespmem:s12+$0x70]  }
0x12b: {  	v1 =	vld [tilespmem:s12+$0x0]  }
0x12c: {  	v2 =	vld [tilespmem:s12+$0x10]  }
0x12d: {  	v3 =	vld [tilespmem:s12+$0x20]  }
0x12e: {  	v4 =	vld [tilespmem:s12+$0x30]  }
0x12f: {  	v63 =	vld [tilespmem:s12+$0x40]  }
0x130: {  	v5 =	vld [tilespmem:s12+$0x50]  }
0x131: {  	v6 =	vld [tilespmem:s12+$0x60]  }
0x132: {  	[tilespmem:s12+$0x8070] =	vst.add.f32.msk $0xffff, v0  }
0x133: {  	[tilespmem:s12+$0x8000] =	vst.add.f32.msk $0xffff, v1  }
0x134: {  	[tilespmem:s12+$0x8010] =	vst.add.f32.msk $0xffff, v2  }
0x135: {  	[tilespmem:s12+$0x8020] =	vst.add.f32.msk $0xffff, v3  }
0x136: {  	[tilespmem:s12+$0x8030] =	vst.add.f32.msk $0xffff, v4  }
0x137: {  	[tilespmem:s12+$0x8040] =	vst.add.f32.msk $0xffff, v63  }
0x138: {  	[tilespmem:s12+$0x8050] =	vst.add.f32.msk $0xffff, v5  }
0x139: {  	s13 =	simm.s32 $0x0;
	[tilespmem:s12+$0x8060] =	vst.add.f32.msk $0xffff, v6  }
0x13a: {  	[hbm4b:s14+s13] =	stream.linear.scatter [tilespmem:s10], [sflag:$0x1], $0x8000, $0x38;
	[tilespmem:$0x10000] =	vst v63  }
0x13b: {  	_ =	swait.ge [sflag:s9], $0x8000  }
0x13c: {  	[sflag:s9] =	ssyncset.done $0x0  }
0x13d: {  	[sflag:s9] =	ssyncadd.s32 $0xFFFF8000  }
0x13e: {  	[tilespmem:s10], [sflag:$0x1] =	stream.linear.gather [hbm4b:s15+s13], $0x8000, $0x38;
	[tilespmem:$0x10000] =	vst v63  }
0x13f: {  	_ =	swait.ge [sflag:s9], $0x8000  }
0x140: {  	[sflag:s9] =	ssyncset.done $0x0  }
0x141: {  	s12 =	simm.s32 $0x0;
	s13 =	simm.s32 $0x200;
	[sflag:s9] =	ssyncadd.s32 $0xFFFF8000  }
.LBB2_16:
0x142: {  	p0 =	sne.s32 s13, $0x1FE00;
	v0 =	vld [tilespmem:s12+$0x70]  }
0x143: {  	v1 =	vld [tilespmem:s12+$0x0]  }
0x144: {  	v2 =	vld [tilespmem:s12+$0x10]  }
0x145: {  	v3 =	vld [tilespmem:s12+$0x20]  }
0x146: {  	v4 =	vld [tilespmem:s12+$0x30]  }
0x147: {  	[tilespmem:s12+$0x8070] =	vst.add.f32.msk $0xffff, v0  }
0x148: {  	v0 =	vld [tilespmem:s12+$0x40]  }
0x149: {  	v5 =	vld [tilespmem:s12+$0x50]  }
0x14a: {  	v6 =	vld [tilespmem:s12+$0x60]  }
0x14b: {  	[tilespmem:s12+$0x8000] =	vst.add.f32.msk $0xffff, v1  }
0x14c: {  	[tilespmem:s12+$0x8010] =	vst.add.f32.msk $0xffff, v2  }
.Ltmp7:
0x14d: {  	[tilespmem:s12+$0x8020] =	vst.add.f32.msk $0xffff, v3;
	(pc) =	sbr.rel @p0 .LBB2_16-.Ltmp7, $4  }
0x14e: {  	[tilespmem:s12+$0x8030] =	vst.add.f32.msk $0xffff, v4  }
0x14f: {  	[tilespmem:s12+$0x8040] =	vst.add.f32.msk $0xffff, v0  }
0x150: {  	[tilespmem:s12+$0x8050] =	vst.add.f32.msk $0xffff, v5  }
0x151: {  	[tilespmem:s12+$0x8060] =	vst.add.f32.msk $0xffff, v6;
	s12 =	sshra.s32 s13, $0x2;
	s13 =	sadd.s32 $0x200, s13  }
0x152: {  	v0 =	vld [tilespmem:s12+$0x70]  }
0x153: {  	v1 =	vld [tilespmem:s12+$0x0]  }
0x154: {  	v2 =	vld [tilespmem:s12+$0x10]  }
0x155: {  	v3 =	vld [tilespmem:s12+$0x20]  }
0x156: {  	v4 =	vld [tilespmem:s12+$0x30]  }
0x157: {  	v63 =	vld [tilespmem:s12+$0x40]  }
0x158: {  	v5 =	vld [tilespmem:s12+$0x50]  }
0x159: {  	v6 =	vld [tilespmem:s12+$0x60]  }
0x15a: {  	[tilespmem:s12+$0x8070] =	vst.add.f32.msk $0xffff, v0  }
0x15b: {  	[tilespmem:s12+$0x8000] =	vst.add.f32.msk $0xffff, v1  }
0x15c: {  	[tilespmem:s12+$0x8010] =	vst.add.f32.msk $0xffff, v2  }
0x15d: {  	[tilespmem:s12+$0x8020] =	vst.add.f32.msk $0xffff, v3  }
0x15e: {  	[tilespmem:s12+$0x8030] =	vst.add.f32.msk $0xffff, v4  }
0x15f: {  	[tilespmem:s12+$0x8040] =	vst.add.f32.msk $0xffff, v63  }
0x160: {  	[tilespmem:s12+$0x8050] =	vst.add.f32.msk $0xffff, v5  }
0x161: {  	s13 =	simm.s32 $0x0;
	[tilespmem:s12+$0x8060] =	vst.add.f32.msk $0xffff, v6  }
0x162: {  	[hbm4b:s16+s13] =	stream.linear.scatter [tilespmem:s10], [sflag:$0x1], $0x8000, $0x38;
	[tilespmem:$0x10000] =	vst v63  }
0x163: {  	_ =	swait.ge [sflag:s9], $0x8000  }
0x164: {  	[sflag:s9] =	ssyncset.done $0x0  }
0x165: {  	[sflag:s9] =	ssyncadd.s32 $0xFFFF8000  }
0x166: {  	[tilespmem:s13], [sflag:$0x1] =	stream.linear.gather [hbm4b:s17+s13], $0x8000, $0x38;
	[tilespmem:$0x10000] =	vst v63  }
0x167: {  	_ =	swait.ge [sflag:s9], $0x8000  }
0x168: {  	[sflag:s9] =	ssyncset.done $0x0  }
0x169: {  	[sflag:s9] =	ssyncadd.s32 $0xFFFF8000  }
0x16a: {  	[tilespmem:s10], [sflag:$0x1] =	stream.linear.gather [hbm4b:s18+s13], $0x8000, $0x38;
	[tilespmem:$0x10000] =	vst v63  }
0x16b: {  	_ =	swait.ge [sflag:s9], $0x8000  }
0x16c: {  	[sflag:s9] =	ssyncset.done $0x0  }
0x16d: {  	s12 =	simm.s32 $0x0;
	s13 =	simm.s32 $0x200;
	[sflag:s9] =	ssyncadd.s32 $0xFFFF8000  }
.LBB2_18:
0x16e: {  	p0 =	sne.s32 s13, $0x1FE00;
	v0 =	vld [tilespmem:s12+$0x70]  }
0x16f: {  	v1 =	vld [tilespmem:s12+$0x0]  }
0x170: {  	v2 =	vld [tilespmem:s12+$0x10]  }
0x171: {  	v3 =	vld [tilespmem:s12+$0x20]  }
0x172: {  	v4 =	vld [tilespmem:s12+$0x30]  }
0x173: {  	[tilespmem:s12+$0x8070] =	vst.add.f32.msk $0xffff, v0  }
0x174: {  	v0 =	vld [tilespmem:s12+$0x40]  }
0x175: {  	v5 =	vld [tilespmem:s12+$0x50]  }
0x176: {  	v6 =	vld [tilespmem:s12+$0x60]  }
0x177: {  	[tilespmem:s12+$0x8000] =	vst.add.f32.msk $0xffff, v1  }
0x178: {  	[tilespmem:s12+$0x8010] =	vst.add.f32.msk $0xffff, v2  }
.Ltmp8:
0x179: {  	[tilespmem:s12+$0x8020] =	vst.add.f32.msk $0xffff, v3;
	(pc) =	sbr.rel @p0 .LBB2_18-.Ltmp8, $4  }
0x17a: {  	[tilespmem:s12+$0x8030] =	vst.add.f32.msk $0xffff, v4  }
0x17b: {  	[tilespmem:s12+$0x8040] =	vst.add.f32.msk $0xffff, v0  }
0x17c: {  	[tilespmem:s12+$0x8050] =	vst.add.f32.msk $0xffff, v5  }
0x17d: {  	[tilespmem:s12+$0x8060] =	vst.add.f32.msk $0xffff, v6;
	s12 =	sshra.s32 s13, $0x2;
	s13 =	sadd.s32 $0x200, s13  }
0x17e: {  	v0 =	vld [tilespmem:s12+$0x70]  }
0x17f: {  	v1 =	vld [tilespmem:s12+$0x0]  }
0x180: {  	v2 =	vld [tilespmem:s12+$0x10]  }
0x181: {  	v3 =	vld [tilespmem:s12+$0x20]  }
0x182: {  	v4 =	vld [tilespmem:s12+$0x30]  }
0x183: {  	v63 =	vld [tilespmem:s12+$0x40]  }
0x184: {  	v5 =	vld [tilespmem:s12+$0x50]  }
0x185: {  	v6 =	vld [tilespmem:s12+$0x60]  }
0x186: {  	[tilespmem:s12+$0x8070] =	vst.add.f32.msk $0xffff, v0  }
0x187: {  	[tilespmem:s12+$0x8000] =	vst.add.f32.msk $0xffff, v1  }
0x188: {  	[tilespmem:s12+$0x8010] =	vst.add.f32.msk $0xffff, v2  }
0x189: {  	[tilespmem:s12+$0x8020] =	vst.add.f32.msk $0xffff, v3  }
0x18a: {  	[tilespmem:s12+$0x8030] =	vst.add.f32.msk $0xffff, v4  }
0x18b: {  	[tilespmem:s12+$0x8040] =	vst.add.f32.msk $0xffff, v63  }
0x18c: {  	[tilespmem:s12+$0x8050] =	vst.add.f32.msk $0xffff, v5  }
0x18d: {  	s13 =	simm.s32 $0x0;
	[tilespmem:s12+$0x8060] =	vst.add.f32.msk $0xffff, v6  }
0x18e: {  	[hbm4b:s19+s13] =	stream.linear.scatter [tilespmem:s10], [sflag:$0x1], $0x8000, $0x38;
	[tilespmem:$0x10000] =	vst v63  }
0x18f: {  	_ =	swait.ge [sflag:s9], $0x8000  }
0x190: {  	[sflag:s9] =	ssyncset.done $0x0  }
0x191: {  	[sflag:s9] =	ssyncadd.s32 $0xFFFF8000  }
0x192: {  	[tilespmem:s10], [sflag:$0x1] =	stream.linear.gather [hbm4b:s20+s13], $0x8000, $0x38;
	[tilespmem:$0x10000] =	vst v63  }
0x193: {  	_ =	swait.ge [sflag:s9], $0x8000  }
0x194: {  	[sflag:s9] =	ssyncset.done $0x0  }
0x195: {  	s12 =	simm.s32 $0x0;
	s13 =	simm.s32 $0x200;
	[sflag:s9] =	ssyncadd.s32 $0xFFFF8000  }
.LBB2_20:
0x196: {  	p0 =	sne.s32 s13, $0x1FE00;
	v0 =	vld [tilespmem:s12+$0x70]  }
0x197: {  	v1 =	vld [tilespmem:s12+$0x0]  }
0x198: {  	v2 =	vld [tilespmem:s12+$0x10]  }
0x199: {  	v3 =	vld [tilespmem:s12+$0x20]  }
0x19a: {  	v4 =	vld [tilespmem:s12+$0x30]  }
0x19b: {  	[tilespmem:s12+$0x8070] =	vst.add.f32.msk $0xffff, v0  }
0x19c: {  	v0 =	vld [tilespmem:s12+$0x40]  }
0x19d: {  	v5 =	vld [tilespmem:s12+$0x50]  }
0x19e: {  	v6 =	vld [tilespmem:s12+$0x60]  }
0x19f: {  	[tilespmem:s12+$0x8000] =	vst.add.f32.msk $0xffff, v1  }
0x1a0: {  	[tilespmem:s12+$0x8010] =	vst.add.f32.msk $0xffff, v2  }
.Ltmp9:
0x1a1: {  	[tilespmem:s12+$0x8020] =	vst.add.f32.msk $0xffff, v3;
	(pc) =	sbr.rel @p0 .LBB2_20-.Ltmp9, $4  }
0x1a2: {  	[tilespmem:s12+$0x8030] =	vst.add.f32.msk $0xffff, v4  }
0x1a3: {  	[tilespmem:s12+$0x8040] =	vst.add.f32.msk $0xffff, v0  }
0x1a4: {  	[tilespmem:s12+$0x8050] =	vst.add.f32.msk $0xffff, v5  }
0x1a5: {  	[tilespmem:s12+$0x8060] =	vst.add.f32.msk $0xffff, v6;
	s12 =	sshra.s32 s13, $0x2;
	s13 =	sadd.s32 $0x200, s13  }
0x1a6: {  	v0 =	vld [tilespmem:s12+$0x70]  }
0x1a7: {  	v1 =	vld [tilespmem:s12+$0x0]  }
0x1a8: {  	v2 =	vld [tilespmem:s12+$0x10]  }
0x1a9: {  	v3 =	vld [tilespmem:s12+$0x20]  }
0x1aa: {  	v4 =	vld [tilespmem:s12+$0x30]  }
0x1ab: {  	v63 =	vld [tilespmem:s12+$0x40]  }
0x1ac: {  	v5 =	vld [tilespmem:s12+$0x50]  }
0x1ad: {  	v6 =	vld [tilespmem:s12+$0x60]  }
0x1ae: {  	[tilespmem:s12+$0x8070] =	vst.add.f32.msk $0xffff, v0  }
0x1af: {  	[tilespmem:s12+$0x8000] =	vst.add.f32.msk $0xffff, v1  }
0x1b0: {  	[tilespmem:s12+$0x8010] =	vst.add.f32.msk $0xffff, v2  }
0x1b1: {  	[tilespmem:s12+$0x8020] =	vst.add.f32.msk $0xffff, v3  }
0x1b2: {  	[tilespmem:s12+$0x8030] =	vst.add.f32.msk $0xffff, v4  }
0x1b3: {  	[tilespmem:s12+$0x8040] =	vst.add.f32.msk $0xffff, v63  }
0x1b4: {  	[tilespmem:s12+$0x8050] =	vst.add.f32.msk $0xffff, v5  }
0x1b5: {  	s13 =	simm.s32 $0x0;
	[tilespmem:s12+$0x8060] =	vst.add.f32.msk $0xffff, v6  }
0x1b6: {  	[hbm4b:s21+s13] =	stream.linear.scatter [tilespmem:s10], [sflag:$0x1], $0x8000, $0x38;
	[tilespmem:$0x10000] =	vst v63  }
0x1b7: {  	_ =	swait.ge [sflag:s9], $0x8000  }
0x1b8: {  	[sflag:s9] =	ssyncset.done $0x0  }
0x1b9: {  	[sflag:s9] =	ssyncadd.s32 $0xFFFF8000  }
0x1ba: {  	[tilespmem:s10], [sflag:$0x1] =	stream.linear.gather [hbm4b:s22+s13], $0x8000, $0x38;
	[tilespmem:$0x10000] =	vst v63  }
0x1bb: {  	_ =	swait.ge [sflag:s9], $0x8000  }
0x1bc: {  	[sflag:s9] =	ssyncset.done $0x0  }
0x1bd: {  	s12 =	simm.s32 $0x0;
	s13 =	simm.s32 $0x200;
	[sflag:s9] =	ssyncadd.s32 $0xFFFF8000  }
.LBB2_22:
0x1be: {  	p0 =	sne.s32 s13, $0x1FE00;
	v0 =	vld [tilespmem:s12+$0x70]  }
0x1bf: {  	v1 =	vld [tilespmem:s12+$0x0]  }
0x1c0: {  	v2 =	vld [tilespmem:s12+$0x10]  }
0x1c1: {  	v3 =	vld [tilespmem:s12+$0x20]  }
0x1c2: {  	v4 =	vld [tilespmem:s12+$0x30]  }
0x1c3: {  	[tilespmem:s12+$0x8070] =	vst.add.f32.msk $0xffff, v0  }
0x1c4: {  	v0 =	vld [tilespmem:s12+$0x40]  }
0x1c5: {  	v5 =	vld [tilespmem:s12+$0x50]  }
0x1c6: {  	v6 =	vld [tilespmem:s12+$0x60]  }
0x1c7: {  	[tilespmem:s12+$0x8000] =	vst.add.f32.msk $0xffff, v1  }
0x1c8: {  	[tilespmem:s12+$0x8010] =	vst.add.f32.msk $0xffff, v2  }
.Ltmp10:
0x1c9: {  	[tilespmem:s12+$0x8020] =	vst.add.f32.msk $0xffff, v3;
	(pc) =	sbr.rel @p0 .LBB2_22-.Ltmp10, $4  }
0x1ca: {  	[tilespmem:s12+$0x8030] =	vst.add.f32.msk $0xffff, v4  }
0x1cb: {  	[tilespmem:s12+$0x8040] =	vst.add.f32.msk $0xffff, v0  }
0x1cc: {  	[tilespmem:s12+$0x8050] =	vst.add.f32.msk $0xffff, v5  }
0x1cd: {  	[tilespmem:s12+$0x8060] =	vst.add.f32.msk $0xffff, v6;
	s12 =	sshra.s32 s13, $0x2;
	s13 =	sadd.s32 $0x200, s13  }
0x1ce: {  	v0 =	vld [tilespmem:s12+$0x70]  }
0x1cf: {  	v1 =	vld [tilespmem:s12+$0x0]  }
0x1d0: {  	v2 =	vld [tilespmem:s12+$0x10]  }
0x1d1: {  	v3 =	vld [tilespmem:s12+$0x20]  }
0x1d2: {  	v4 =	vld [tilespmem:s12+$0x30]  }
0x1d3: {  	v63 =	vld [tilespmem:s12+$0x40]  }
0x1d4: {  	v5 =	vld [tilespmem:s12+$0x50]  }
0x1d5: {  	v6 =	vld [tilespmem:s12+$0x60]  }
0x1d6: {  	[tilespmem:s12+$0x8070] =	vst.add.f32.msk $0xffff, v0  }
0x1d7: {  	[tilespmem:s12+$0x8000] =	vst.add.f32.msk $0xffff, v1  }
0x1d8: {  	[tilespmem:s12+$0x8010] =	vst.add.f32.msk $0xffff, v2  }
0x1d9: {  	[tilespmem:s12+$0x8020] =	vst.add.f32.msk $0xffff, v3  }
0x1da: {  	[tilespmem:s12+$0x8030] =	vst.add.f32.msk $0xffff, v4  }
0x1db: {  	[tilespmem:s12+$0x8040] =	vst.add.f32.msk $0xffff, v63  }
0x1dc: {  	[tilespmem:s12+$0x8050] =	vst.add.f32.msk $0xffff, v5  }
0x1dd: {  	s13 =	simm.s32 $0x0;
	[tilespmem:s12+$0x8060] =	vst.add.f32.msk $0xffff, v6  }
0x1de: {  	[hbm4b:s23+s13] =	stream.linear.scatter [tilespmem:s10], [sflag:$0x1], $0x8000, $0x38;
	[tilespmem:$0x10000] =	vst v63  }
0x1df: {  	_ =	swait.ge [sflag:s9], $0x8000  }
0x1e0: {  	[sflag:s9] =	ssyncset.done $0x0  }
0x1e1: {  	[sflag:s9] =	ssyncadd.s32 $0xFFFF8000  }
0x1e2: {  	[tilespmem:s10], [sflag:$0x1] =	stream.linear.gather [hbm4b:s24+s13], $0x8000, $0x38;
	[tilespmem:$0x10000] =	vst v63  }
0x1e3: {  	_ =	swait.ge [sflag:s9], $0x8000  }
0x1e4: {  	[sflag:s9] =	ssyncset.done $0x0  }
0x1e5: {  	s12 =	simm.s32 $0x0;
	s13 =	simm.s32 $0x200;
	[sflag:s9] =	ssyncadd.s32 $0xFFFF8000  }
.LBB2_24:
0x1e6: {  	p0 =	sne.s32 s13, $0x1FE00;
	v0 =	vld [tilespmem:s12+$0x70]  }
0x1e7: {  	v1 =	vld [tilespmem:s12+$0x0]  }
0x1e8: {  	v2 =	vld [tilespmem:s12+$0x10]  }
0x1e9: {  	v3 =	vld [tilespmem:s12+$0x20]  }
0x1ea: {  	v4 =	vld [tilespmem:s12+$0x30]  }
0x1eb: {  	[tilespmem:s12+$0x8070] =	vst.add.f32.msk $0xffff, v0  }
0x1ec: {  	v0 =	vld [tilespmem:s12+$0x40]  }
0x1ed: {  	v5 =	vld [tilespmem:s12+$0x50]  }
0x1ee: {  	v6 =	vld [tilespmem:s12+$0x60]  }
0x1ef: {  	[tilespmem:s12+$0x8000] =	vst.add.f32.msk $0xffff, v1  }
0x1f0: {  	[tilespmem:s12+$0x8010] =	vst.add.f32.msk $0xffff, v2  }
.Ltmp11:
0x1f1: {  	[tilespmem:s12+$0x8020] =	vst.add.f32.msk $0xffff, v3;
	(pc) =	sbr.rel @p0 .LBB2_24-.Ltmp11, $4  }
0x1f2: {  	[tilespmem:s12+$0x8030] =	vst.add.f32.msk $0xffff, v4  }
0x1f3: {  	[tilespmem:s12+$0x8040] =	vst.add.f32.msk $0xffff, v0  }
0x1f4: {  	[tilespmem:s12+$0x8050] =	vst.add.f32.msk $0xffff, v5  }
0x1f5: {  	[tilespmem:s12+$0x8060] =	vst.add.f32.msk $0xffff, v6;
	s12 =	sshra.s32 s13, $0x2;
	s13 =	sadd.s32 $0x200, s13  }
0x1f6: {  	v0 =	vld [tilespmem:s12+$0x70]  }
0x1f7: {  	v1 =	vld [tilespmem:s12+$0x0]  }
0x1f8: {  	v2 =	vld [tilespmem:s12+$0x10]  }
0x1f9: {  	v3 =	vld [tilespmem:s12+$0x20]  }
0x1fa: {  	v4 =	vld [tilespmem:s12+$0x30]  }
0x1fb: {  	v63 =	vld [tilespmem:s12+$0x40]  }
0x1fc: {  	v5 =	vld [tilespmem:s12+$0x50]  }
0x1fd: {  	v6 =	vld [tilespmem:s12+$0x60]  }
0x1fe: {  	[tilespmem:s12+$0x8070] =	vst.add.f32.msk $0xffff, v0  }
0x1ff: {  	[tilespmem:s12+$0x8000] =	vst.add.f32.msk $0xffff, v1  }
0x200: {  	[tilespmem:s12+$0x8010] =	vst.add.f32.msk $0xffff, v2  }
0x201: {  	[tilespmem:s12+$0x8020] =	vst.add.f32.msk $0xffff, v3  }
0x202: {  	[tilespmem:s12+$0x8030] =	vst.add.f32.msk $0xffff, v4  }
0x203: {  	[tilespmem:s12+$0x8040] =	vst.add.f32.msk $0xffff, v63  }
0x204: {  	[tilespmem:s12+$0x8050] =	vst.add.f32.msk $0xffff, v5  }
0x205: {  	s13 =	simm.s32 $0x0;
	[tilespmem:s12+$0x8060] =	vst.add.f32.msk $0xffff, v6  }
0x206: {  	[hbm4b:s25+s13] =	stream.linear.scatter [tilespmem:s10], [sflag:$0x1], $0x8000, $0x38;
	[tilespmem:$0x10000] =	vst v63  }
0x207: {  	_ =	swait.ge [sflag:s9], $0x8000  }
0x208: {  	[sflag:s9] =	ssyncset.done $0x0  }
0x209: {  	[sflag:s9] =	ssyncadd.s32 $0xFFFF8000  }
0x20a: {  	[tilespmem:s13], [sflag:$0x1] =	stream.linear.gather [hbm4b:s28+s13], $0x8000, $0x38;
	[tilespmem:$0x10000] =	vst v63  }
0x20b: {  	_ =	swait.ge [sflag:s9], $0x8000  }
0x20c: {  	[sflag:s9] =	ssyncset.done $0x0  }
0x20d: {  	[sflag:s9] =	ssyncadd.s32 $0xFFFF8000  }
0x20e: {  	[tilespmem:s10], [sflag:$0x1] =	stream.linear.gather [hbm4b:s29+s13], $0x8000, $0x38;
	[tilespmem:$0x10000] =	vst v63  }
0x20f: {  	_ =	swait.ge [sflag:s9], $0x8000  }
0x210: {  	[sflag:s9] =	ssyncset.done $0x0  }
0x211: {  	s12 =	simm.s32 $0x0;
	s13 =	simm.s32 $0x200;
	[sflag:s9] =	ssyncadd.s32 $0xFFFF8000  }
.LBB2_26:
0x212: {  	p0 =	sne.s32 s13, $0x1FE00;
	v0 =	vld [tilespmem:s12+$0x70]  }
0x213: {  	v1 =	vld [tilespmem:s12+$0x0]  }
0x214: {  	v2 =	vld [tilespmem:s12+$0x10]  }
0x215: {  	v3 =	vld [tilespmem:s12+$0x20]  }
0x216: {  	v4 =	vld [tilespmem:s12+$0x30]  }
0x217: {  	[tilespmem:s12+$0x8070] =	vst.add.f32.msk $0xffff, v0  }
0x218: {  	v0 =	vld [tilespmem:s12+$0x40]  }
0x219: {  	v5 =	vld [tilespmem:s12+$0x50]  }
0x21a: {  	v6 =	vld [tilespmem:s12+$0x60]  }
0x21b: {  	[tilespmem:s12+$0x8000] =	vst.add.f32.msk $0xffff, v1  }
0x21c: {  	[tilespmem:s12+$0x8010] =	vst.add.f32.msk $0xffff, v2  }
.Ltmp12:
0x21d: {  	[tilespmem:s12+$0x8020] =	vst.add.f32.msk $0xffff, v3;
	(pc) =	sbr.rel @p0 .LBB2_26-.Ltmp12, $4  }
0x21e: {  	[tilespmem:s12+$0x8030] =	vst.add.f32.msk $0xffff, v4  }
0x21f: {  	[tilespmem:s12+$0x8040] =	vst.add.f32.msk $0xffff, v0  }
0x220: {  	[tilespmem:s12+$0x8050] =	vst.add.f32.msk $0xffff, v5  }
0x221: {  	[tilespmem:s12+$0x8060] =	vst.add.f32.msk $0xffff, v6;
	s12 =	sshra.s32 s13, $0x2;
	s13 =	sadd.s32 $0x200, s13  }
0x222: {  	v0 =	vld [tilespmem:s12+$0x70]  }
0x223: {  	v1 =	vld [tilespmem:s12+$0x0]  }
0x224: {  	v2 =	vld [tilespmem:s12+$0x10]  }
0x225: {  	v3 =	vld [tilespmem:s12+$0x20]  }
0x226: {  	v4 =	vld [tilespmem:s12+$0x30]  }
0x227: {  	v63 =	vld [tilespmem:s12+$0x40]  }
0x228: {  	v5 =	vld [tilespmem:s12+$0x50]  }
0x229: {  	v6 =	vld [tilespmem:s12+$0x60]  }
0x22a: {  	[tilespmem:s12+$0x8070] =	vst.add.f32.msk $0xffff, v0  }
0x22b: {  	[tilespmem:s12+$0x8000] =	vst.add.f32.msk $0xffff, v1  }
0x22c: {  	[tilespmem:s12+$0x8010] =	vst.add.f32.msk $0xffff, v2  }
0x22d: {  	[tilespmem:s12+$0x8020] =	vst.add.f32.msk $0xffff, v3  }
0x22e: {  	[tilespmem:s12+$0x8030] =	vst.add.f32.msk $0xffff, v4  }
0x22f: {  	[tilespmem:s12+$0x8040] =	vst.add.f32.msk $0xffff, v63  }
0x230: {  	[tilespmem:s12+$0x8050] =	vst.add.f32.msk $0xffff, v5  }
0x231: {  	s13 =	simm.s32 $0x0;
	[tilespmem:s12+$0x8060] =	vst.add.f32.msk $0xffff, v6  }
0x232: {  	[hbm4b:s30+s13] =	stream.linear.scatter [tilespmem:s10], [sflag:$0x1], $0x8000, $0x38;
	[tilespmem:$0x10000] =	vst v63  }
0x233: {  	_ =	swait.ge [sflag:s9], $0x8000  }
0x234: {  	[sflag:s9] =	ssyncset.done $0x0  }
0x235: {  	[sflag:s9] =	ssyncadd.s32 $0xFFFF8000  }
0x236: {  	[tilespmem:s10], [sflag:$0x1] =	stream.linear.gather [hbm4b:s31+s13], $0x8000, $0x38;
	[tilespmem:$0x10000] =	vst v63  }
0x237: {  	_ =	swait.ge [sflag:s9], $0x8000  }
0x238: {  	[sflag:s9] =	ssyncset.done $0x0  }
0x239: {  	s12 =	simm.s32 $0x0;
	s13 =	simm.s32 $0x200;
	[sflag:s9] =	ssyncadd.s32 $0xFFFF8000  }
.LBB2_28:
0x23a: {  	p0 =	sne.s32 s13, $0x1FE00;
	v0 =	vld [tilespmem:s12+$0x70]  }
0x23b: {  	v1 =	vld [tilespmem:s12+$0x0]  }
0x23c: {  	v2 =	vld [tilespmem:s12+$0x10]  }
0x23d: {  	v3 =	vld [tilespmem:s12+$0x20]  }
0x23e: {  	v4 =	vld [tilespmem:s12+$0x30]  }
0x23f: {  	[tilespmem:s12+$0x8070] =	vst.add.f32.msk $0xffff, v0  }
0x240: {  	v0 =	vld [tilespmem:s12+$0x40]  }
0x241: {  	v5 =	vld [tilespmem:s12+$0x50]  }
0x242: {  	v6 =	vld [tilespmem:s12+$0x60]  }
0x243: {  	[tilespmem:s12+$0x8000] =	vst.add.f32.msk $0xffff, v1  }
0x244: {  	[tilespmem:s12+$0x8010] =	vst.add.f32.msk $0xffff, v2  }
.Ltmp13:
0x245: {  	[tilespmem:s12+$0x8020] =	vst.add.f32.msk $0xffff, v3;
	(pc) =	sbr.rel @p0 .LBB2_28-.Ltmp13, $4  }
0x246: {  	[tilespmem:s12+$0x8030] =	vst.add.f32.msk $0xffff, v4  }
0x247: {  	[tilespmem:s12+$0x8040] =	vst.add.f32.msk $0xffff, v0  }
0x248: {  	[tilespmem:s12+$0x8050] =	vst.add.f32.msk $0xffff, v5  }
0x249: {  	[tilespmem:s12+$0x8060] =	vst.add.f32.msk $0xffff, v6;
	s12 =	sshra.s32 s13, $0x2;
	s13 =	sadd.s32 $0x200, s13  }
0x24a: {  	v0 =	vld [tilespmem:s12+$0x70]  }
0x24b: {  	v1 =	vld [tilespmem:s12+$0x0]  }
0x24c: {  	v2 =	vld [tilespmem:s12+$0x10]  }
0x24d: {  	v3 =	vld [tilespmem:s12+$0x20]  }
0x24e: {  	v4 =	vld [tilespmem:s12+$0x30]  }
0x24f: {  	v63 =	vld [tilespmem:s12+$0x40]  }
0x250: {  	v5 =	vld [tilespmem:s12+$0x50]  }
0x251: {  	v6 =	vld [tilespmem:s12+$0x60]  }
0x252: {  	[tilespmem:s12+$0x8070] =	vst.add.f32.msk $0xffff, v0  }
0x253: {  	[tilespmem:s12+$0x8000] =	vst.add.f32.msk $0xffff, v1  }
0x254: {  	[tilespmem:s12+$0x8010] =	vst.add.f32.msk $0xffff, v2  }
0x255: {  	[tilespmem:s12+$0x8020] =	vst.add.f32.msk $0xffff, v3  }
0x256: {  	[tilespmem:s12+$0x8030] =	vst.add.f32.msk $0xffff, v4  }
0x257: {  	[tilespmem:s12+$0x8040] =	vst.add.f32.msk $0xffff, v63  }
0x258: {  	[tilespmem:s12+$0x8050] =	vst.add.f32.msk $0xffff, v5  }
0x259: {  	s13 =	simm.s32 $0x0;
	[tilespmem:s12+$0x8060] =	vst.add.f32.msk $0xffff, v6  }
0x25a: {  	[hbm4b:s0+s13] =	stream.linear.scatter [tilespmem:s10], [sflag:$0x1], $0x8000, $0x38;
	[tilespmem:$0x10000] =	vst v63  }
0x25b: {  	_ =	swait.ge [sflag:s9], $0x8000  }
0x25c: {  	[sflag:s9] =	ssyncset.done $0x0  }
0x25d: {  	[sflag:s9] =	ssyncadd.s32 $0xFFFF8000  }
0x25e: {  	[tilespmem:s10], [sflag:$0x1] =	stream.linear.gather [hbm4b:s4+s13], $0x8000, $0x38;
	[tilespmem:$0x10000] =	vst v63  }
0x25f: {  	_ =	swait.ge [sflag:s9], $0x8000  }
0x260: {  	[sflag:s9] =	ssyncset.done $0x0  }
0x261: {  	s12 =	simm.s32 $0x0;
	s13 =	simm.s32 $0x200;
	[sflag:s9] =	ssyncadd.s32 $0xFFFF8000  }
.LBB2_30:
0x262: {  	p0 =	sne.s32 s13, $0x1FE00;
	v0 =	vld [tilespmem:s12+$0x70]  }
0x263: {  	v1 =	vld [tilespmem:s12+$0x0]  }
0x264: {  	v2 =	vld [tilespmem:s12+$0x10]  }
0x265: {  	v3 =	vld [tilespmem:s12+$0x20]  }
0x266: {  	v4 =	vld [tilespmem:s12+$0x30]  }
0x267: {  	[tilespmem:s12+$0x8070] =	vst.add.f32.msk $0xffff, v0  }
0x268: {  	v0 =	vld [tilespmem:s12+$0x40]  }
0x269: {  	v5 =	vld [tilespmem:s12+$0x50]  }
0x26a: {  	v6 =	vld [tilespmem:s12+$0x60]  }
0x26b: {  	[tilespmem:s12+$0x8000] =	vst.add.f32.msk $0xffff, v1  }
0x26c: {  	[tilespmem:s12+$0x8010] =	vst.add.f32.msk $0xffff, v2  }
.Ltmp14:
0x26d: {  	[tilespmem:s12+$0x8020] =	vst.add.f32.msk $0xffff, v3;
	(pc) =	sbr.rel @p0 .LBB2_30-.Ltmp14, $4  }
0x26e: {  	[tilespmem:s12+$0x8030] =	vst.add.f32.msk $0xffff, v4  }
0x26f: {  	[tilespmem:s12+$0x8040] =	vst.add.f32.msk $0xffff, v0  }
0x270: {  	[tilespmem:s12+$0x8050] =	vst.add.f32.msk $0xffff, v5  }
0x271: {  	[tilespmem:s12+$0x8060] =	vst.add.f32.msk $0xffff, v6;
	s12 =	sshra.s32 s13, $0x2;
	s13 =	sadd.s32 $0x200, s13  }
0x272: {  	v0 =	vld [tilespmem:s12+$0x70]  }
0x273: {  	v1 =	vld [tilespmem:s12+$0x0]  }
0x274: {  	v2 =	vld [tilespmem:s12+$0x10]  }
0x275: {  	v3 =	vld [tilespmem:s12+$0x20]  }
0x276: {  	v4 =	vld [tilespmem:s12+$0x30]  }
0x277: {  	v63 =	vld [tilespmem:s12+$0x40]  }
0x278: {  	v5 =	vld [tilespmem:s12+$0x50]  }
0x279: {  	v6 =	vld [tilespmem:s12+$0x60]  }
0x27a: {  	[tilespmem:s12+$0x8070] =	vst.add.f32.msk $0xffff, v0  }
0x27b: {  	[tilespmem:s12+$0x8000] =	vst.add.f32.msk $0xffff, v1  }
0x27c: {  	[tilespmem:s12+$0x8010] =	vst.add.f32.msk $0xffff, v2  }
0x27d: {  	[tilespmem:s12+$0x8020] =	vst.add.f32.msk $0xffff, v3  }
0x27e: {  	[tilespmem:s12+$0x8030] =	vst.add.f32.msk $0xffff, v4  }
0x27f: {  	[tilespmem:s12+$0x8040] =	vst.add.f32.msk $0xffff, v63  }
0x280: {  	[tilespmem:s12+$0x8050] =	vst.add.f32.msk $0xffff, v5  }
0x281: {  	s13 =	simm.s32 $0x0;
	[tilespmem:s12+$0x8060] =	vst.add.f32.msk $0xffff, v6  }
0x282: {  	[hbm4b:s5+s13] =	stream.linear.scatter [tilespmem:s10], [sflag:$0x1], $0x8000, $0x38;
	[tilespmem:$0x10000] =	vst v63  }
0x283: {  	_ =	swait.ge [sflag:s9], $0x8000  }
0x284: {  	[sflag:s9] =	ssyncset.done $0x0  }
0x285: {  	[sflag:s9] =	ssyncadd.s32 $0xFFFF8000  }
0x286: {  	[tilespmem:s10], [sflag:$0x1] =	stream.linear.gather [hbm4b:s6+s13], $0x8000, $0x38;
	[tilespmem:$0x10000] =	vst v63  }
0x287: {  	_ =	swait.ge [sflag:s9], $0x8000  }
0x288: {  	[sflag:s9] =	ssyncset.done $0x0  }
0x289: {  	s12 =	simm.s32 $0x0;
	s13 =	simm.s32 $0x200;
	[sflag:s9] =	ssyncadd.s32 $0xFFFF8000  }
.LBB2_32:
0x28a: {  	p0 =	sne.s32 s13, $0x1FE00;
	v0 =	vld [tilespmem:s12+$0x70]  }
0x28b: {  	v1 =	vld [tilespmem:s12+$0x0]  }
0x28c: {  	v2 =	vld [tilespmem:s12+$0x10]  }
0x28d: {  	v3 =	vld [tilespmem:s12+$0x20]  }
0x28e: {  	v4 =	vld [tilespmem:s12+$0x30]  }
0x28f: {  	[tilespmem:s12+$0x8070] =	vst.add.f32.msk $0xffff, v0  }
0x290: {  	v0 =	vld [tilespmem:s12+$0x40]  }
0x291: {  	v5 =	vld [tilespmem:s12+$0x50]  }
0x292: {  	v6 =	vld [tilespmem:s12+$0x60]  }
0x293: {  	[tilespmem:s12+$0x8000] =	vst.add.f32.msk $0xffff, v1  }
0x294: {  	[tilespmem:s12+$0x8010] =	vst.add.f32.msk $0xffff, v2  }
.Ltmp15:
0x295: {  	[tilespmem:s12+$0x8020] =	vst.add.f32.msk $0xffff, v3;
	(pc) =	sbr.rel @p0 .LBB2_32-.Ltmp15, $4  }
0x296: {  	[tilespmem:s12+$0x8030] =	vst.add.f32.msk $0xffff, v4  }
0x297: {  	[tilespmem:s12+$0x8040] =	vst.add.f32.msk $0xffff, v0  }
0x298: {  	[tilespmem:s12+$0x8050] =	vst.add.f32.msk $0xffff, v5  }
0x299: {  	[tilespmem:s12+$0x8060] =	vst.add.f32.msk $0xffff, v6;
	s12 =	sshra.s32 s13, $0x2;
	s13 =	sadd.s32 $0x200, s13  }
0x29a: {  	v0 =	vld [tilespmem:s12+$0x70]  }
0x29b: {  	v1 =	vld [tilespmem:s12+$0x0]  }
0x29c: {  	v2 =	vld [tilespmem:s12+$0x10]  }
0x29d: {  	v3 =	vld [tilespmem:s12+$0x20]  }
0x29e: {  	v4 =	vld [tilespmem:s12+$0x30]  }
0x29f: {  	v63 =	vld [tilespmem:s12+$0x40]  }
0x2a0: {  	v5 =	vld [tilespmem:s12+$0x50]  }
0x2a1: {  	v6 =	vld [tilespmem:s12+$0x60]  }
0x2a2: {  	[tilespmem:s12+$0x8070] =	vst.add.f32.msk $0xffff, v0  }
0x2a3: {  	[tilespmem:s12+$0x8000] =	vst.add.f32.msk $0xffff, v1  }
0x2a4: {  	[tilespmem:s12+$0x8010] =	vst.add.f32.msk $0xffff, v2  }
0x2a5: {  	[tilespmem:s12+$0x8020] =	vst.add.f32.msk $0xffff, v3  }
0x2a6: {  	[tilespmem:s12+$0x8030] =	vst.add.f32.msk $0xffff, v4  }
0x2a7: {  	s11 =	sadd.s32 $0x1, s11;
	[tilespmem:s12+$0x8040] =	vst.add.f32.msk $0xffff, v63  }
0x2a8: {  	p0 =	sne.s32 s11, s8;
	[tilespmem:s12+$0x8050] =	vst.add.f32.msk $0xffff, v5  }
.Ltmp16:
0x2a9: {  	[tilespmem:s12+$0x8060] =	vst.add.f32.msk $0xffff, v6;
	(pc) =	sbr.rel @p0 .LBB2_1-.Ltmp16, $4  }
0x2aa: {  	[hbm4b:s7+s1] =	stream.linear.scatter [tilespmem:s10], [sflag:$0x1], $0x8000, $0x38;
	[tilespmem:$0x10000] =	vst v63  }
0x2ab: {  	_ =	swait.ge [sflag:s9], $0x8000  }
0x2ac: {  	[sflag:s9] =	ssyncset.done $0x0  }
0x2ad: {  	[sflag:s9] =	ssyncadd.s32 $0xFFFF8000  }
0x2ae: {  	_ =	sfence.sel $0x180000  }
0x2af: {  	[bflag:$0x0] =	sbarrier.arrive $0xFFFF  }
0x2b0: {  	_ =	strace $0x9000004D  }
0x2b1: {  	s0 =	stileid.u32;
	[bflag:$0x2] =	sbarrier.arrive $0xFFFF  }
0x2b2: {  	p0 =	sne.s32 s0, $0x0;
	s0 =	rddreg [dreg:$0x2]  }
0x2b3: {  	s0 =	sadd.s32 @!p0 $0x100000, s0  }
0x2b4: {  	[sflag:s0] =	ssyncadd.tile.s32 @!p0 $0x1;
	_ =	shalt  }
.Lfunc_end2:
_tile_overlayer_lowered:
.L_overlay_start_2:
0x2b5: {  	(tag) =	ssettag $0x2  }
0x2b6: {  	s0 =	rddreg [dreg:$0x0];
	s2 =	stileid.u32  }
0x2b7: {  	s1 =	rddreg [dreg:$0x1];
	p0 =	sne.s32 s2, $0x0  }
0x2b8: {  	s3 =	rddreg [dreg:$0x2];
	[bflag:$0x3] =	sbarrier.arrive $0xFFFF;
	s2 =	simm.s32 @!p0 $0x1C01  }
0x2b9: {  	[timem:s3], [sflag:s2] =	dma.local @!p0 [hbm:s0], s1  }
0x2ba: {  	s0 =	simm.s32 @!p0 $0x1  }
0x2bb: {  	_ =	swait.ge @!p0 [sflag:s0], s1  }
0x2bc: {  	s1 =	ssub.s32 @!p0 $0x0, s1;
	[sflag:s0] =	ssyncset.done @!p0 $0x0  }
0x2bd: {  	[sflag:s0] =	ssyncadd.s32 @!p0 s1  }
0x2be: {  	[bflag:$0x3] =	sbarrier.arrive $0xFFFF  }
0x2bf: {  	_ =	shalt  }

// kernel: sparse-core-data-format-call.1.cloned.1.call-start
scs
called_computation.1_lowered:
.L_overlay_start_0:
0x0: {  	s2 =	sld [smem:$0x3FD9]  }
0x1: {  	s3 =	sld [smem:$0x3FFE];
	_ =	sdelay $0x1  }
0x2: {  	s1 =	srdreg.scid  }
0x3: {  	s0 =	sand.u32 $0x1, s1  }
0x4: {  	s19 =	sshll.u32 s0, $0xA;
	s2 =	sadd.s32 s3, s2  }
0x5: {  	s2 =	sadd.s32 s2, s19  }
0x6: {  	[smem:$0x3FC6] =	sst s2  }
0x7: {  	_ = 	snop  }
0x8: {  	s20 =	sld [smem:$0x3FC9]  }
0x9: {  	s4 =	sld [smem:$0x3FD0];
	(tm) =	ssettm $0x1  }
0xa: {  	s21 =	sld [smem:$0x3FFB];
	_ =	sdelay $0x3  }
0xb: {  	_ =	strace s21  }
0xc: {  	s2 =	sld [smem:$0x3FFC];
	_ =	sdelay $0x3  }
0xd: {  	_ =	strace s2  }
0xe: {  	s2 =	sld [smem:$0x3FFD];
	_ =	sdelay $0x3  }
0xf: {  	_ =	strace s2  }
0x10: {  	_ =	strace $0x8FFFFFFF  }
0x11: {  	s22 =	sld [smem:$0x3FDB];
	_ =	sdelay $0x1  }
0x12: {  	s5 =	simm.s32 $_scs_section_size  }
0x13: {  	s6 =	simm.s32 $_size__tile_overlayer_lowered;
	s7 =	simm.s32 $_tile_overlayer_lowered  }
0x14: {  	s8 =	simm.s32 $0x1BFF;
	s23 =	sshll.u32 s7, $0x1;
	s5 =	sadd.s32 s5, s22  }
0x15: {  	s24 =	simm.s32 $0x0;
	s6 =	sshll.u32 s6, $0x1;
	s7 =	sadd.s32 s23, s5  }
0x16: {  	[timem:s24], [sflag:s8] =	dma.local [hbm:s7], s6  }
0x17: {  	_ =	swait.ge [sflag:s8], s6  }
0x18: {  	s6 =	ssub.s32 $0x0, s6;
	[sflag:s8] =	ssyncset.done $0x0  }
0x19: {  	[sflag:s8] =	ssyncadd.s32 s6;
	_ =	sdelay $0x1  }
0x1a: {  	s25 =	simm.s32 $0x1B8B  }
0x1b: {  	_ =	swait.ge [sflag:s25], $0x1  }
0x1c: {  	[sflag:s25] =	ssyncset.done $0x0  }
0x1d: {  	[sflag:s25] =	ssyncadd.s32 $0xFFFFFFFF  }
0x1e: {  	s6 =	sld [smem:$0x0]  }
0x1f: {  	s7 =	sand.u32 $0xFFFFFFFE, s1  }
0x20: {  	p0 =	sne.s32 s1, s7  }
0x21: {  	s7 =	sshll.u32 @p0 s7, $0xE  }
0x22: {  	s7 =	sadd.s32 @p0 $0x11B8D, s7;
	s8 =	sshll.u32 @p0 s6, $0x11  }
0x23: {  	s7 =	sor.u32 @p0 s8, s7  }
0x24: {  	[sflag:s7] =	ssyncadd.remote.s32 @p0 $0x1;
	_ =	sdelay $0x1  }
0x25: {  	s7 =	simm.s32 @p0 $0x1B8D  }
0x26: {  	_ =	swait.eq @p0 [sflag:s7], $0x1  }
0x27: {  	[sflag:s7] =	ssyncadd.s32 @p0 $0xFFFFFFFF  }
0x28: {  	s8 =	sshll.u32 @!p0 s1, $0xE  }
0x29: {  	s8 =	sor.u32 @!p0 $0x4000, s8;
	s7 =	simm.s32 @!p0 $0x1B8D  }
0x2a: {  	s6 =	sshll.u32 @!p0 s6, $0x11;
	s8 =	sadd.s32 @!p0 $0x11B8D, s8;
	_ =	swait.eq @!p0 [sflag:s7], $0x1  }
0x2b: {  	s6 =	sor.u32 @!p0 s6, s8;
	[sflag:s7] =	ssyncadd.s32 @!p0 $0xFFFFFFFF  }
0x2c: {  	s26 =	simm.s32 $0x1B8E;
	[sflag:s6] =	ssyncadd.remote.s32 @!p0 $0x1  }
0x2d: {  	s27 =	simm.s32 $execute0_lowered;
	[smem:$0x3FD2] =	sst s26  }
0x2e: {  	s6 =	sshll.u32 s27, $0x1;
	_ =	strace $0x80000049;
	[dreg:$0x1] =	wrdreg $0xFFFFFFFF  }
0x2f: {  	s28 =	simm.s32 $_size_execute0_lowered;
	s5 =	sadd.s32 s5, s6;
	[dreg:$0x0] =	wrdreg $0x0  }
0x30: {  	s6 =	sshll.u32 s28, $0x1;
	[dreg:$0x2] =	wrdreg s5  }
0x31: {  	[dreg:$0x3] =	wrdreg s6  }
0x32: {  	[dreg:$0x4] =	wrdreg $0xC0  }
0x33: {  	_ =	task [dreg:s24], $0x5FFFF  }
0x34: {  	[dreg:$0x1] =	wrdreg $0xFFFFFFFF  }
0x35: {  	[dreg:$0x0] =	wrdreg $0x60  }
0x36: {  	[dreg:$0x2] =	wrdreg s20  }
0x37: {  	[dreg:$0x3] =	wrdreg s4  }
0x38: {  	[dreg:$0x4] =	wrdreg $0xA  }
0x39: {  	_ =	task.clear_ibuf [dreg:s24], $0x5FFFF;
	_ =	strace $0x90000049  }
0x3a: {  	s29 =	simm.s32 $0xA;
	_ =	strace $0x8000004B  }
0x3b: {  	_ =	swait.ge [sflag:s29], $0x1  }
0x3c: {  	[sflag:s29] =	ssyncadd.s32 $0xFFFFFFFF  }
0x3d: {  	_ =	strace $0x9000004B  }
0x3e: {  	_ =	sfence  }
0x3f: {  	s30 =	sld [smem:$0x0];
	_ =	sdelay $0x2  }
0x40: {  	s31 =	sshll.u32 s1, $0xD;
	s1 =	sshrl.u32 s1, $0x2  }
0x41: {  	s4 =	sand.u32 $0x4000, s31;
	s1 =	sadd.s32 s1, s30  }
0x42: {  	s0 =	sor.u32 s4, s0;
	s1 =	sshll.u32 s1, $0x11  }
0x43: {  	s0 =	sor.u32 s1, s0  }
0x44: {  	s0 =	sadd.s32 $0x8F2B, s0  }
0x45: {  	[sflag:s0] =	ssyncadd.remote.s32 $0x1  }
0x46: {  	_ =	sfence.sel $0xFFFF  }
0x47: {  	[dreg:$0x0] =	wrdreg $0xFFFFFFFF;
	(pc) =	sbr.abs _section_cstart, $3  }
0x48: {  	[dreg:$0x1] =	wrdreg $0xFFFFFFFF  }
0x49: {  	_ =	task.clear_ibuf [dreg:s24], $0x2FFFF;
	_ =	strace $0x9FFFFFFF  }
0x4a: {  	(tm) =	ssettm $0x7FFFFFFF  }
0x4b: {  	_ =	shalt  }
tec
execute0_lowered:
.L_overlay_start_1:
0x0: {  	(tag) =	ssettag $0x1  }
0x1: {  	s0 =	srdreg.scid  }
0x2: {  	s1 =	sshll.u32 s0, $0x4  }
0x3: {  	s2 =	rddreg [dreg:$0x0];
	s0 =	stileid.u32;
	s1 =	sand.u32 $0x10, s1  }
0x4: {  	s4 =	rddreg [dreg:$0x1];
	s1 =	sor.u32 s0, s1  }
0x5: {  	s7 =	simm.s32 $0x1;
	s8 =	simm.s32 $0x2;
	s3 =	sshll.u32 s1, $0x1  }
0x6: {  	s9 =	simm.s32 $0x0;
	s12 =	simm.s32 $0x0;
	s6 =	ssub.s32 $0x800, s3  }
.Ltmp0:
0x7: {  	s11 =	simm.s32 $0x0;
	s5 =	sand.u32 $0x3E, s6;
	(pc) =	sbr.rel .LBB1_1-.Ltmp0, $4  }
0x8: {  	s1 =	rddreg [dreg:$0x2];
	_ =	strace $0x8000004A;
	p0 =	sne.s32 s5, $0x0  }
0x9: {  	s6 =	sshrl.u32 s6, $0x6;
	s5 =	simm.s32 $0x1;
	s7 =	simm.s32 @!p0 $0x0  }
0xa: {  	s10 =	smov.u32 s3;
	[sflag:s5] =	ssyncpa.u1 $0x0;
	s6 =	sadd.s32 s7, s6  }
0xb: {  	[sflag:s8] =	ssyncpa.u1 $0x0;
	s8 =	simm.s32 $0x0;
	s7 =	sadd.s32 $0x1, s6  }
.LBB1_9:
0xc: {  	s14 =	sadd.s32 $0x40, s10  }
0xd: {  	p1 =	sgt.s32 s14, $0x7FF  }
0xe: {  	s14 =	smov.u32 @p1 s3;
	p1 =	sne.s32 s11, s7  }
.Ltmp1:
0xf: {  	p0 =	slt.u32 s11, $0x2;
	(pc) =	sbr.rel @!p1 .LBB1_10-.Ltmp1, $4  }
0x10: {  	s13 =	simm.s32 @!p0 $0x2  }
0x11: {  	s15 =	sadd.s32 $0x1, s11;
	_ =	swait.ge @!p0 [sflag:s13], $0x4000  }
0x12: {  	s12 =	smov.u32 s10;
	s9 =	sadd.s32 $0x4000, s9;
	[sflag:s13] =	ssyncset.done @!p0 $0x0  }
0x13: {  	s11 =	smov.u32 s15;
	s10 =	smov.u32 s14;
	[sflag:s13] =	ssyncadd.s32 @!p0 $0xFFFFC000  }
.LBB1_1:
0x14: {  	p0 =	sge.u32 s11, s6  }
0x15: {  	s13 =	sxor.u32 @!p0 $0xFFFFFFFF, s11  }
0x16: {  	s31 =	sadd.s32 $0xFFFFFFFF, s11;
	s14 =	sshll.u32 @!p0 s10, $0xA;
	s13 =	sshll.u32 @!p0 s13, $0xE  }
0x17: {  	s15 =	simm.s32 @!p0 $0x0;
	s14 =	sadd.s32 @!p0 s2, s14;
	s13 =	sand.u32 @!p0 $0x4000, s13  }
0x18: {  	[tilespmem:s13], [sflag:$0x1] =	stream.linear.gather @!p0 [hbm4b:s14+s15], $0x4000, $0x38;
	[tilespmem:$0x10000] =	vst v63  }
0x19: {  	p0 =	sge.u32 s31, s6  }
.Ltmp2:
0x1a: {  	_ = 	snop;
	(pc) =	sbr.rel @p0 .LBB1_9-.Ltmp2, $1  }
0x1b: {  	_ =	sdelay $0x3  }
0x1c: {  	s13 =	sshll.u32 s9, $0x2  }
0x1d: {  	_ =	swait.ge [sflag:s5], $0x4000;
	s14 =	sshll.u32 s11, $0xE;
	s16 =	simm.s32 $0x0  }
0x1e: {  	p1 =	por $0x1, $0x1;
	s13 =	sand.u32 $0x10000, s13;
	[sflag:s5] =	ssyncset.done $0x0  }
0x1f: {  	s14 =	sand.u32 $0x4000, s14;
	s15 =	sshrl.u32 s13, $0x2;
	[sflag:s5] =	ssyncadd.s32 $0xFFFFC000  }
0x20: {  	s13 =	sor.u32 $0x8000, s14;
	s14 =	sadd.s32 $0x8040, s15;
	s15 =	sadd.s32 $0x40, s15  }
.LBB1_3:
0x21: {  	s16 =	sshll.u32 s16, $0x2  }
0x22: {  	p0 =	por p1, p1;
	s17 =	sshra.s32 s16, $0x2  }
0x23: {  	s18 =	simm.s32 $0x0;
	s16 =	sadd.s32 s17, s14;
	s17 =	sadd.s32 s17, s15  }
.LBB1_4:
0x24: {  	v0 =	vmov s17;
	_ =	sdelay $0x3  }
0x25: {  	s20 =	simm.s32 $0x0  }
0x26: {  	v6 =	vld.idx.msk [tilespmem:v0+s20+$0x30 ss:$0x1], $0xffff  }
0x27: {  	v7 =	vld.idx.msk [tilespmem:v0+s20+$0xFFFFFFC0 ss:$0x1], $0xffff  }
0x28: {  	v5 =	vld.idx.msk [tilespmem:v0+s20+$0xFFFFFFD0 ss:$0x1], $0xffff  }
0x29: {  	v4 =	vld.idx.msk [tilespmem:v0+s20+$0xFFFFFFE0 ss:$0x1], $0xffff  }
0x2a: {  	v3 =	vld.idx.msk [tilespmem:v0+s20+$0xFFFFFFF0 ss:$0x1], $0xffff  }
0x2b: {  	v1 =	vld.idx.msk [tilespmem:v0+s20+$0x0 ss:$0x1], $0xffff  }
0x2c: {  	v2 =	vld.idx.msk [tilespmem:v0+s20+$0x10 ss:$0x1], $0xffff;
	[tilespmem:s16+$0x30] =	vst v6  }
0x2d: {  	s19 =	simm.s32 $0x80;
	s21 =	simm.s32 $0x400;
	[tilespmem:s16+$0xFFFFFFC0] =	vst v7;
	v6 =	vld.idx.msk [tilespmem:v0+s20+$0x20 ss:$0x1], $0xffff;
	s20 =	smov.u32 s16  }
.LBB1_5:
0x2e: {  	p1 =	sne.s32 s21, $0xE00;
	v7 =	vld.idx.msk [tilespmem:v0+s19+$0x30 ss:$0x1], $0xffff;
	[tilespmem:s20+$0xFFFFFFD0] =	vst v5  }
0x2f: {  	v8 =	vld.idx.msk [tilespmem:v0+s19+$0xFFFFFFC0 ss:$0x1], $0xffff;
	[tilespmem:s20+$0xFFFFFFE0] =	vst v4  }
0x30: {  	v5 =	vld.idx.msk [tilespmem:v0+s19+$0xFFFFFFD0 ss:$0x1], $0xffff;
	[tilespmem:s20+$0xFFFFFFF0] =	vst v3  }
.Ltmp3:
0x31: {  	v4 =	vld.idx.msk [tilespmem:v0+s19+$0xFFFFFFE0 ss:$0x1], $0xffff;
	[tilespmem:s20+$0x0] =	vst v1;
	(pc) =	sbr.rel @p1 .LBB1_5-.Ltmp3, $4  }
0x32: {  	v3 =	vld.idx.msk [tilespmem:v0+s19+$0xFFFFFFF0 ss:$0x1], $0xffff;
	[tilespmem:s20+$0x10] =	vst v2  }
0x33: {  	v1 =	vld.idx.msk [tilespmem:v0+s19+$0x0 ss:$0x1], $0xffff;
	[tilespmem:s20+$0x20] =	vst v6;
	s20 =	sadd.s32 $0x400, s20  }
0x34: {  	v2 =	vld.idx.msk [tilespmem:v0+s19+$0x10 ss:$0x1], $0xffff;
	[tilespmem:s20+$0x30] =	vst v7  }
0x35: {  	[tilespmem:s20+$0xFFFFFFC0] =	vst v8;
	v6 =	vld.idx.msk [tilespmem:v0+s19+$0x20 ss:$0x1], $0xffff;
	s19 =	sshra.s32 s21, $0x2;
	s21 =	sadd.s32 $0x200, s21  }
0x36: {  	_ =	sdelay $0x2  }
0x37: {  	[tilespmem:s20+$0xFFFFFFD0] =	vst v5  }
0x38: {  	v56 =	vld.idx.msk [tilespmem:v0+s19+$0x30 ss:$0x1], $0xffff;
	[tilespmem:s20+$0xFFFFFFE0] =	vst v4  }
0x39: {  	v57 =	vld.idx.msk [tilespmem:v0+s19+$0xFFFFFFC0 ss:$0x1], $0xffff;
	[tilespmem:s20+$0xFFFFFFF0] =	vst v3  }
0x3a: {  	v58 =	vld.idx.msk [tilespmem:v0+s19+$0xFFFFFFD0 ss:$0x1], $0xffff;
	[tilespmem:s20+$0x0] =	vst v1  }
0x3b: {  	v59 =	vld.idx.msk [tilespmem:v0+s19+$0xFFFFFFE0 ss:$0x1], $0xffff;
	[tilespmem:s20+$0x10] =	vst v2  }
0x3c: {  	v60 =	vld.idx.msk [tilespmem:v0+s19+$0xFFFFFFF0 ss:$0x1], $0xffff;
	s31 =	sadd.s32 $0x400, s20;
	[tilespmem:s20+$0x20] =	vst v6  }
0x3d: {  	v61 =	vld.idx.msk [tilespmem:v0+s19+$0x0 ss:$0x1], $0xffff;
	[tilespmem:s31+$0x30] =	vst v56  }
0x3e: {  	v62 =	vld.idx.msk [tilespmem:v0+s19+$0x10 ss:$0x1], $0xffff;
	s18 =	sadd.s32 $0x1, s18;
	[tilespmem:s31+$0xFFFFFFC0] =	vst v57  }
0x3f: {  	v63 =	vld.idx.msk [tilespmem:v0+s19+$0x20 ss:$0x1], $0xffff;
	p1 =	sne.s32 s18, $0x8;
	[tilespmem:s31+$0xFFFFFFD0] =	vst v58  }
.Ltmp4:
0x40: {  	[tilespmem:s31+$0xFFFFFFE0] =	vst v59;
	(pc) =	sbr.rel @p1 .LBB1_4-.Ltmp4, $4  }
0x41: {  	[tilespmem:s31+$0xFFFFFFF0] =	vst v60  }
0x42: {  	[tilespmem:s31+$0x0] =	vst v61  }
0x43: {  	[tilespmem:s31+$0x10] =	vst v62  }
0x44: {  	s16 =	sadd.s32 $0x80, s16;
	s17 =	sadd.s32 $0x400, s17;
	[tilespmem:s31+$0x20] =	vst v63  }
.Ltmp5:
0x45: {  	(pc) =	sbr.rel @p0 .LBB1_3-.Ltmp5, $2  }
0x46: {  	_ =	sdelay $0x2  }
0x47: {  	s16 =	simm.s32 $0x2000;
	p1 =	por $0x0, $0x0  }
.Ltmp6:
0x48: {  	(pc) =	sbr.rel .LBB1_9-.Ltmp6, $4  }
0x49: {  	_ = 	snop  }
0x4a: {  	s12 =	sshll.u32 s12, $0xA  }
0x4b: {  	s12 =	sadd.s32 s4, s12  }
0x4c: {  	[hbm4b:s12+s8] =	stream.linear.scatter [tilespmem:s13], [sflag:$0x2], $0x4000, $0x38;
	[tilespmem:$0x10000] =	vst v63  }
.LBB1_10:
0x4d: {  	_ =	sfence.sel $0x180000  }
0x4e: {  	s2 =	simm.s32 $0x1;
	[bflag:$0x0] =	sbarrier.arrive $0xFFFF  }
0x4f: {  	s31 =	simm.s32 $0x2;
	[sflag:s2] =	ssyncpa.u1 $0x1  }
0x50: {  	[sflag:s31] =	ssyncpa.u1 $0x1  }
0x51: {  	p0 =	sne.s32 s0, $0x0;
	_ =	strace $0x9000004A  }
0x52: {  	s0 =	sadd.s32 @!p0 $0x100000, s1;
	[bflag:$0x2] =	sbarrier.arrive $0xFFFF  }
0x53: {  	[sflag:s0] =	ssyncadd.tile.s32 @!p0 $0x1;
	_ =	shalt  }
.Lfunc_end1:
_tile_overlayer_lowered:
.L_overlay_start_2:
0x54: {  	(tag) =	ssettag $0x2  }
0x55: {  	s0 =	rddreg [dreg:$0x0];
	s2 =	stileid.u32  }
0x56: {  	s1 =	rddreg [dreg:$0x1];
	p0 =	sne.s32 s2, $0x0  }
0x57: {  	s3 =	rddreg [dreg:$0x2];
	[bflag:$0x3] =	sbarrier.arrive $0xFFFF;
	s2 =	simm.s32 @!p0 $0x1C01  }
0x58: {  	[timem:s3], [sflag:s2] =	dma.local @!p0 [hbm:s0], s1  }
0x59: {  	s0 =	simm.s32 @!p0 $0x1  }
0x5a: {  	_ =	swait.ge @!p0 [sflag:s0], s1  }
0x5b: {  	s1 =	ssub.s32 @!p0 $0x0, s1;
	[sflag:s0] =	ssyncset.done @!p0 $0x0  }
0x5c: {  	[sflag:s0] =	ssyncadd.s32 @!p0 s1  }
0x5d: {  	[bflag:$0x3] =	sbarrier.arrive $0xFFFF  }
0x5e: {  	_ =	shalt  }

// kernel: sparse-core-data-format-call.cloned.1.call-start
scs
called_computation_lowered:
.L_overlay_start_0:
0x0: {  	s2 =	sld [smem:$0x3FD9]  }
0x1: {  	s3 =	sld [smem:$0x3FFE];
	_ =	sdelay $0x1  }
0x2: {  	s1 =	srdreg.scid  }
0x3: {  	s0 =	sand.u32 $0x1, s1  }
0x4: {  	s18 =	sshll.u32 s0, $0xA;
	s2 =	sadd.s32 s3, s2  }
0x5: {  	s2 =	sadd.s32 s2, s18  }
0x6: {  	[smem:$0x3FC6] =	sst s2  }
0x7: {  	_ = 	snop  }
0x8: {  	s2 =	sld [smem:$0x3FC8];
	(tm) =	ssettm $0x1  }
0x9: {  	s19 =	sld [smem:$0x3FFB];
	_ =	sdelay $0x3  }
0xa: {  	_ =	strace s19  }
0xb: {  	s3 =	sld [smem:$0x3FFC];
	_ =	sdelay $0x3  }
0xc: {  	_ =	strace s3  }
0xd: {  	s3 =	sld [smem:$0x3FFD];
	_ =	sdelay $0x3  }
0xe: {  	_ =	strace s3  }
0xf: {  	_ =	strace $0x8FFFFFFF  }
0x10: {  	s20 =	sld [smem:$0x3FDB];
	_ =	sdelay $0x1  }
0x11: {  	s4 =	simm.s32 $_scs_section_size  }
0x12: {  	s5 =	simm.s32 $_size__tile_overlayer_lowered;
	s6 =	simm.s32 $_tile_overlayer_lowered  }
0x13: {  	s23 =	simm.s32 $0x1BFF;
	s22 =	sshll.u32 s6, $0x1;
	s3 =	sadd.s32 s4, s20  }
0x14: {  	s7 =	simm.s32 $0x0;
	s21 =	sshll.u32 s5, $0x1;
	s5 =	sadd.s32 s22, s3  }
0x15: {  	[timem:s7], [sflag:s23] =	dma.local [hbm:s5], s21  }
0x16: {  	_ =	swait.ge [sflag:s23], s21  }
0x17: {  	s4 =	ssub.s32 $0x0, s21;
	[sflag:s23] =	ssyncset.done $0x0  }
0x18: {  	[sflag:s23] =	ssyncadd.s32 s4;
	_ =	sdelay $0x1  }
0x19: {  	s24 =	simm.s32 $0x1B8B  }
0x1a: {  	_ =	swait.ge [sflag:s24], $0x1  }
0x1b: {  	[sflag:s24] =	ssyncset.done $0x0  }
0x1c: {  	s26 =	simm.s32 $0x1B8E;
	s25 =	sld [smem:$0x3FFE];
	[sflag:s24] =	ssyncadd.s32 $0xFFFFFFFF  }
0x1d: {  	s27 =	simm.s32 $execute0_lowered;
	[smem:$0x3FD2] =	sst s26  }
0x1e: {  	s5 =	sshll.u32 s27, $0x1;
	_ =	strace $0x80000046;
	[dreg:$0x1] =	wrdreg $0xFFFFFFFF  }
0x1f: {  	s28 =	simm.s32 $_size_execute0_lowered;
	s3 =	sadd.s32 s3, s5;
	[dreg:$0x0] =	wrdreg $0x0  }
0x20: {  	s5 =	sshll.u32 s28, $0x1;
	[dreg:$0x2] =	wrdreg s3  }
0x21: {  	[dreg:$0x3] =	wrdreg s5  }
0x22: {  	[dreg:$0x4] =	wrdreg $0xC0  }
0x23: {  	_ =	task [dreg:s7], $0x5FFFF  }
0x24: {  	[dreg:$0x1] =	wrdreg $0xFFFFFFFF  }
0x25: {  	[dreg:$0x0] =	wrdreg $0x60  }
0x26: {  	[dreg:$0x2] =	wrdreg s2  }
0x27: {  	[dreg:$0x3] =	wrdreg s25  }
0x28: {  	[dreg:$0x4] =	wrdreg $0x9  }
0x29: {  	_ =	task.clear_ibuf [dreg:s7], $0x5FFFF;
	_ =	strace $0x90000046  }
0x2a: {  	s29 =	simm.s32 $0x9;
	_ =	strace $0x80000048  }
0x2b: {  	_ =	swait.ge [sflag:s29], $0x1  }
0x2c: {  	[sflag:s29] =	ssyncadd.s32 $0xFFFFFFFF  }
0x2d: {  	_ =	strace $0x90000048  }
0x2e: {  	_ =	sfence  }
0x2f: {  	s30 =	sld [smem:$0x0];
	_ =	sdelay $0x2  }
0x30: {  	s31 =	sshll.u32 s1, $0xD;
	s1 =	sshrl.u32 s1, $0x2  }
0x31: {  	s3 =	sand.u32 $0x4000, s31;
	s1 =	sadd.s32 s1, s30  }
0x32: {  	s0 =	sor.u32 s3, s0;
	s1 =	sshll.u32 s1, $0x11  }
0x33: {  	s0 =	sor.u32 s1, s0  }
0x34: {  	s0 =	sadd.s32 $0x8F2B, s0  }
0x35: {  	[sflag:s0] =	ssyncadd.remote.s32 $0x1  }
0x36: {  	_ =	sfence.sel $0xFFFF  }
0x37: {  	[dreg:$0x0] =	wrdreg $0xFFFFFFFF;
	(pc) =	sbr.abs _section_cstart, $3  }
0x38: {  	[dreg:$0x1] =	wrdreg $0xFFFFFFFF  }
0x39: {  	_ =	task.clear_ibuf [dreg:s7], $0x2FFFF;
	_ =	strace $0x9FFFFFFF  }
0x3a: {  	(tm) =	ssettm $0x7FFFFFFF  }
0x3b: {  	_ =	shalt  }
tec
execute0_lowered:
.L_overlay_start_1:
0x0: {  	(tag) =	ssettag $0x1  }
0x1: {  	s0 =	srdreg.scid  }
0x2: {  	s1 =	sshll.u32 s0, $0x4  }
0x3: {  	s2 =	rddreg [dreg:$0x0];
	s0 =	stileid.u32;
	s1 =	sand.u32 $0x10, s1  }
0x4: {  	s4 =	rddreg [dreg:$0x1];
	s7 =	simm.s32 $0x1;
	s1 =	sor.u32 s0, s1  }
0x5: {  	s8 =	simm.s32 $0x2;
	s9 =	simm.s32 $0x0;
	s3 =	sshll.u32 s1, $0x1  }
0x6: {  	s12 =	simm.s32 $0x0;
	s11 =	simm.s32 $0x0;
	s6 =	ssub.s32 $0x400, s3  }
.Ltmp0:
0x7: {  	s4 =	sadd.s32 $0xC00, s4;
	s5 =	sand.u32 $0x3E, s6;
	(pc) =	sbr.rel .LBB1_1-.Ltmp0, $4  }
0x8: {  	s1 =	rddreg [dreg:$0x2];
	_ =	strace $0x80000047;
	p0 =	sne.s32 s5, $0x0  }
0x9: {  	s6 =	sshrl.u32 s6, $0x6;
	s5 =	simm.s32 $0x1;
	s7 =	simm.s32 @!p0 $0x0  }
0xa: {  	s10 =	smov.u32 s3;
	[sflag:s5] =	ssyncpa.u1 $0x0;
	s6 =	sadd.s32 s7, s6  }
0xb: {  	[sflag:s8] =	ssyncpa.u1 $0x0;
	s8 =	simm.s32 $0x0;
	s7 =	sadd.s32 $0x1, s6  }
.LBB1_9:
0xc: {  	s14 =	sadd.s32 $0x40, s10  }
0xd: {  	p1 =	sgt.s32 s14, $0x3FF  }
0xe: {  	s14 =	smov.u32 @p1 s3;
	p1 =	sne.s32 s11, s7  }
.Ltmp1:
0xf: {  	p0 =	slt.u32 s11, $0x2;
	(pc) =	sbr.rel @!p1 .LBB1_10-.Ltmp1, $4  }
0x10: {  	s13 =	simm.s32 @!p0 $0x2  }
0x11: {  	s15 =	sadd.s32 $0x1, s11;
	_ =	swait.ge @!p0 [sflag:s13], $0x4000  }
0x12: {  	s12 =	smov.u32 s10;
	s9 =	sadd.s32 $0x4000, s9;
	[sflag:s13] =	ssyncset.done @!p0 $0x0  }
0x13: {  	s11 =	smov.u32 s15;
	s10 =	smov.u32 s14;
	[sflag:s13] =	ssyncadd.s32 @!p0 $0xFFFFC000  }
.LBB1_1:
0x14: {  	p0 =	sge.u32 s11, s6  }
0x15: {  	s13 =	sxor.u32 @!p0 $0xFFFFFFFF, s11  }
0x16: {  	s31 =	sadd.s32 $0xFFFFFFFF, s11;
	s14 =	sshll.u32 @!p0 s10, $0xA;
	s13 =	sshll.u32 @!p0 s13, $0xE  }
0x17: {  	s15 =	simm.s32 @!p0 $0x0;
	s14 =	sadd.s32 @!p0 s2, s14;
	s13 =	sand.u32 @!p0 $0x4000, s13  }
0x18: {  	[tilespmem:s13], [sflag:$0x1] =	stream.linear.gather @!p0 [hbm4b:s14+s15], $0x4000, $0x38;
	[tilespmem:$0x10000] =	vst v63  }
0x19: {  	p0 =	sge.u32 s31, s6  }
.Ltmp2:
0x1a: {  	_ = 	snop;
	(pc) =	sbr.rel @p0 .LBB1_9-.Ltmp2, $1  }
0x1b: {  	_ =	sdelay $0x3  }
0x1c: {  	s13 =	sshll.u32 s9, $0x2  }
0x1d: {  	_ =	swait.ge [sflag:s5], $0x4000;
	s14 =	sshll.u32 s11, $0xE;
	s16 =	simm.s32 $0x0  }
0x1e: {  	p1 =	por $0x1, $0x1;
	s13 =	sand.u32 $0x10000, s13;
	[sflag:s5] =	ssyncset.done $0x0  }
0x1f: {  	s14 =	sand.u32 $0x4000, s14;
	s15 =	sshrl.u32 s13, $0x2;
	[sflag:s5] =	ssyncadd.s32 $0xFFFFC000  }
0x20: {  	s13 =	sor.u32 $0x8000, s14;
	s14 =	sadd.s32 $0x8040, s15;
	s15 =	sadd.s32 $0x40, s15  }
.LBB1_3:
0x21: {  	s16 =	sshll.u32 s16, $0x2  }
0x22: {  	p0 =	por p1, p1;
	s17 =	sshra.s32 s16, $0x2  }
0x23: {  	s18 =	simm.s32 $0x0;
	s16 =	sadd.s32 s17, s14;
	s17 =	sadd.s32 s17, s15  }
.LBB1_4:
0x24: {  	v0 =	vmov s17;
	_ =	sdelay $0x3  }
0x25: {  	s20 =	simm.s32 $0x0  }
0x26: {  	v6 =	vld.idx.msk [tilespmem:v0+s20+$0x30 ss:$0x1], $0xffff  }
0x27: {  	v7 =	vld.idx.msk [tilespmem:v0+s20+$0xFFFFFFC0 ss:$0x1], $0xffff  }
0x28: {  	v5 =	vld.idx.msk [tilespmem:v0+s20+$0xFFFFFFD0 ss:$0x1], $0xffff  }
0x29: {  	v4 =	vld.idx.msk [tilespmem:v0+s20+$0xFFFFFFE0 ss:$0x1], $0xffff  }
0x2a: {  	v3 =	vld.idx.msk [tilespmem:v0+s20+$0xFFFFFFF0 ss:$0x1], $0xffff  }
0x2b: {  	v1 =	vld.idx.msk [tilespmem:v0+s20+$0x0 ss:$0x1], $0xffff  }
0x2c: {  	v2 =	vld.idx.msk [tilespmem:v0+s20+$0x10 ss:$0x1], $0xffff;
	[tilespmem:s16+$0x30] =	vst v6  }
0x2d: {  	s19 =	simm.s32 $0x80;
	s21 =	simm.s32 $0x400;
	[tilespmem:s16+$0xFFFFFFC0] =	vst v7;
	v6 =	vld.idx.msk [tilespmem:v0+s20+$0x20 ss:$0x1], $0xffff;
	s20 =	smov.u32 s16  }
.LBB1_5:
0x2e: {  	p1 =	sne.s32 s21, $0xE00;
	v7 =	vld.idx.msk [tilespmem:v0+s19+$0x30 ss:$0x1], $0xffff;
	[tilespmem:s20+$0xFFFFFFD0] =	vst v5  }
0x2f: {  	v8 =	vld.idx.msk [tilespmem:v0+s19+$0xFFFFFFC0 ss:$0x1], $0xffff;
	[tilespmem:s20+$0xFFFFFFE0] =	vst v4  }
0x30: {  	v5 =	vld.idx.msk [tilespmem:v0+s19+$0xFFFFFFD0 ss:$0x1], $0xffff;
	[tilespmem:s20+$0xFFFFFFF0] =	vst v3  }
.Ltmp3:
0x31: {  	v4 =	vld.idx.msk [tilespmem:v0+s19+$0xFFFFFFE0 ss:$0x1], $0xffff;
	[tilespmem:s20+$0x0] =	vst v1;
	(pc) =	sbr.rel @p1 .LBB1_5-.Ltmp3, $4  }
0x32: {  	v3 =	vld.idx.msk [tilespmem:v0+s19+$0xFFFFFFF0 ss:$0x1], $0xffff;
	[tilespmem:s20+$0x10] =	vst v2  }
0x33: {  	v1 =	vld.idx.msk [tilespmem:v0+s19+$0x0 ss:$0x1], $0xffff;
	[tilespmem:s20+$0x20] =	vst v6;
	s20 =	sadd.s32 $0x400, s20  }
0x34: {  	v2 =	vld.idx.msk [tilespmem:v0+s19+$0x10 ss:$0x1], $0xffff;
	[tilespmem:s20+$0x30] =	vst v7  }
0x35: {  	[tilespmem:s20+$0xFFFFFFC0] =	vst v8;
	v6 =	vld.idx.msk [tilespmem:v0+s19+$0x20 ss:$0x1], $0xffff;
	s19 =	sshra.s32 s21, $0x2;
	s21 =	sadd.s32 $0x200, s21  }
0x36: {  	_ =	sdelay $0x2  }
0x37: {  	[tilespmem:s20+$0xFFFFFFD0] =	vst v5  }
0x38: {  	v56 =	vld.idx.msk [tilespmem:v0+s19+$0x30 ss:$0x1], $0xffff;
	[tilespmem:s20+$0xFFFFFFE0] =	vst v4  }
0x39: {  	v57 =	vld.idx.msk [tilespmem:v0+s19+$0xFFFFFFC0 ss:$0x1], $0xffff;
	[tilespmem:s20+$0xFFFFFFF0] =	vst v3  }
0x3a: {  	v58 =	vld.idx.msk [tilespmem:v0+s19+$0xFFFFFFD0 ss:$0x1], $0xffff;
	[tilespmem:s20+$0x0] =	vst v1  }
0x3b: {  	v59 =	vld.idx.msk [tilespmem:v0+s19+$0xFFFFFFE0 ss:$0x1], $0xffff;
	[tilespmem:s20+$0x10] =	vst v2  }
0x3c: {  	v60 =	vld.idx.msk [tilespmem:v0+s19+$0xFFFFFFF0 ss:$0x1], $0xffff;
	s31 =	sadd.s32 $0x400, s20;
	[tilespmem:s20+$0x20] =	vst v6  }
0x3d: {  	v61 =	vld.idx.msk [tilespmem:v0+s19+$0x0 ss:$0x1], $0xffff;
	[tilespmem:s31+$0x30] =	vst v56  }
0x3e: {  	v62 =	vld.idx.msk [tilespmem:v0+s19+$0x10 ss:$0x1], $0xffff;
	s18 =	sadd.s32 $0x1, s18;
	[tilespmem:s31+$0xFFFFFFC0] =	vst v57  }
0x3f: {  	v63 =	vld.idx.msk [tilespmem:v0+s19+$0x20 ss:$0x1], $0xffff;
	p1 =	sne.s32 s18, $0x8;
	[tilespmem:s31+$0xFFFFFFD0] =	vst v58  }
.Ltmp4:
0x40: {  	[tilespmem:s31+$0xFFFFFFE0] =	vst v59;
	(pc) =	sbr.rel @p1 .LBB1_4-.Ltmp4, $4  }
0x41: {  	[tilespmem:s31+$0xFFFFFFF0] =	vst v60  }
0x42: {  	[tilespmem:s31+$0x0] =	vst v61  }
0x43: {  	[tilespmem:s31+$0x10] =	vst v62  }
0x44: {  	s16 =	sadd.s32 $0x80, s16;
	s17 =	sadd.s32 $0x400, s17;
	[tilespmem:s31+$0x20] =	vst v63  }
.Ltmp5:
0x45: {  	(pc) =	sbr.rel @p0 .LBB1_3-.Ltmp5, $2  }
0x46: {  	_ =	sdelay $0x2  }
0x47: {  	s16 =	simm.s32 $0x2000;
	p1 =	por $0x0, $0x0  }
.Ltmp6:
0x48: {  	(pc) =	sbr.rel .LBB1_9-.Ltmp6, $4  }
0x49: {  	_ = 	snop  }
0x4a: {  	s12 =	sshll.u32 s12, $0xA  }
0x4b: {  	s12 =	sadd.s32 s4, s12  }
0x4c: {  	[hbm4b:s12+s8] =	stream.linear.scatter [tilespmem:s13], [sflag:$0x2], $0x4000, $0x38;
	[tilespmem:$0x10000] =	vst v63  }
.LBB1_10:
0x4d: {  	_ =	sfence.sel $0x180000  }
0x4e: {  	s2 =	simm.s32 $0x1;
	[bflag:$0x0] =	sbarrier.arrive $0xFFFF  }
0x4f: {  	s31 =	simm.s32 $0x2;
	[sflag:s2] =	ssyncpa.u1 $0x1  }
0x50: {  	[sflag:s31] =	ssyncpa.u1 $0x1  }
0x51: {  	p0 =	sne.s32 s0, $0x0;
	_ =	strace $0x90000047  }
0x52: {  	s0 =	sadd.s32 @!p0 $0x100000, s1;
	[bflag:$0x2] =	sbarrier.arrive $0xFFFF  }
0x53: {  	[sflag:s0] =	ssyncadd.tile.s32 @!p0 $0x1;
	_ =	shalt  }
.Lfunc_end1:
_tile_overlayer_lowered:
.L_overlay_start_2:
0x54: {  	(tag) =	ssettag $0x2  }
0x55: {  	s0 =	rddreg [dreg:$0x0];
	s2 =	stileid.u32  }
0x56: {  	s1 =	rddreg [dreg:$0x1];
	p0 =	sne.s32 s2, $0x0  }
0x57: {  	s3 =	rddreg [dreg:$0x2];
	[bflag:$0x3] =	sbarrier.arrive $0xFFFF;
	s2 =	simm.s32 @!p0 $0x1C01  }
0x58: {  	[timem:s3], [sflag:s2] =	dma.local @!p0 [hbm:s0], s1  }
0x59: {  	s0 =	simm.s32 @!p0 $0x1  }
0x5a: {  	_ =	swait.ge @!p0 [sflag:s0], s1  }
0x5b: {  	s1 =	ssub.s32 @!p0 $0x0, s1;
	[sflag:s0] =	ssyncset.done @!p0 $0x0  }
0x5c: {  	[sflag:s0] =	ssyncadd.s32 @!p0 s1  }
0x5d: {  	[bflag:$0x3] =	sbarrier.arrive $0xFFFF  }
0x5e: {  	_ =	shalt  }

</sc_bundles>
